<compile_context>
chip_gen: v7x
topology: tpu7x:2x2x1
jax: 0.10.2.dev20260603
libtpu: 0.0.44.dev20260713+nightly
codegen_flags: <defaults>
</compile_context>

<pallas_src>
import functools

import jax
import jax.numpy as jnp
from jax import lax
from jax.experimental import pallas as pl
from jax.experimental.pallas import tpu as pltpu
from jax.experimental.pallas import tpu_sc as plsc

N = 50000
E = 800000
NCOMM = 1000
NID = 32
NH = 64

NP = 53248
EP = 819200
CP = 1024

NPR = NP // 128
EPR = EP // 128

SC_CORES = 2
SC_TILES = 16

_sc_mesh = plsc.VectorSubcoreMesh(
    core_axis_name="c", subcore_axis_name="s",
    num_cores=SC_CORES, num_subcores=SC_TILES)

f32 = jnp.float32


def _fill_ones(ref, n):
    for i in range(n // 16):
        ref[pl.ds(i * 16, 16)] = jnp.full((16,), 1.0, f32)



@functools.partial(
    pl.kernel,
    out_type=(
        jax.ShapeDtypeStruct((SC_CORES * NP,), f32),
        jax.ShapeDtypeStruct((SC_CORES * CP,), f32),
    ),
    mesh=_sc_mesh,
    compiler_params=pltpu.CompilerParams(use_tc_tiling_on_sc=False),
    scratch_types=[
        pltpu.VMEM_SHARED((NP,), f32),
        pltpu.VMEM_SHARED((CP,), f32),
        pltpu.VMEM((EPR // 32, 128), jnp.int32),
        pltpu.VMEM((16, 128), jnp.int32),
        pltpu.VMEM((128,), f32),
    ],
)
def _counts_kernel(dst2d, comm2d, zdeg, zcnt, deg_out, cnt_out,
                   acc_deg, acc_cnt, idxd, idxc, ones_v):
    c = lax.axis_index("c")
    s = lax.axis_index("s")
    w = c * SC_TILES + s
    dchunk = NP // SC_TILES
    pltpu.sync_copy(zdeg.at[pl.ds(s * dchunk, dchunk)],
                    acc_deg.at[pl.ds(s * dchunk, dchunk)])

    @pl.when(s == 0)
    def _():
        pltpu.sync_copy(zcnt, acc_cnt)

    _fill_ones(ones_v, 128)
    nd = EPR // 32
    pltpu.sync_copy(dst2d.at[pl.ds(c * (EPR // 2) + s * nd, nd)], idxd)
    nchunks = NPR // 16

    @pl.when(w < nchunks)
    def _():
        pltpu.sync_copy(comm2d.at[pl.ds(w * 16, 16)], idxc)

    plsc.subcore_barrier()

    @pl.loop(0, nd)
    def _(j):
        pltpu.sync_copy(ones_v, acc_deg.at[idxd.at[j]], add=True)

    @pl.when(w < nchunks)
    def _():
        @pl.loop(0, 16)
        def _(j):
            pltpu.sync_copy(ones_v, acc_cnt.at[idxc.at[j]], add=True)

    plsc.subcore_barrier()
    pltpu.sync_copy(acc_deg.at[pl.ds(s * dchunk, dchunk)],
                    deg_out.at[pl.ds(c * NP + s * dchunk, dchunk)])
    @pl.when(s < 8)
    def _():
        pltpu.sync_copy(acc_cnt.at[pl.ds(s * 128, 128)],
                        cnt_out.at[pl.ds(c * CP + s * 128, 128)])



@functools.partial(
    pl.kernel,
    out_type=jax.ShapeDtypeStruct((SC_CORES * NP, 32), f32),
    mesh=_sc_mesh,
    compiler_params=pltpu.CompilerParams(use_tc_tiling_on_sc=False),
    scratch_types=[
        pltpu.VMEM_SHARED((NP, 32), f32),
        pltpu.VMEM((40, 128), jnp.int32),
        pltpu.VMEM((40, 128), jnp.int32),
        pltpu.VMEM((256, 32), f32),
        pltpu.SemaphoreType.DMA,
        pltpu.SemaphoreType.DMA,
    ],
)
def _agg_kernel(gflat, src2d, dst2d, out, acc, srcv, dstv, rows, sem0, sem1):
    c = lax.axis_index("c")
    s = lax.axis_index("s")
    rchunk = NP // SC_TILES
    pltpu.sync_copy(gflat.at[pl.ds(c * NP + s * rchunk, rchunk)],
                    acc.at[pl.ds(s * rchunk, rchunk)])
    plsc.subcore_barrier()
    nrows = EPR // SC_TILES
    nchunk = 40

    @pl.loop(0, nrows // nchunk)
    def _(k):
        base = s * nrows + k * nchunk
        pltpu.sync_copy(src2d.at[pl.ds(c * EPR + base, nchunk)], srcv)
        pltpu.sync_copy(dst2d.at[pl.ds(base, nchunk)], dstv)
        pltpu.async_copy(gflat.at[srcv.at[0]], rows.at[pl.ds(0, 128)], sem0)

        @pl.loop(0, nchunk // 2)
        def _(p):
            j0 = 2 * p
            pltpu.async_copy(gflat.at[srcv.at[j0 + 1]],
                             rows.at[pl.ds(128, 128)], sem1)
            pltpu.make_async_copy(gflat.at[srcv.at[j0]],
                                  rows.at[pl.ds(0, 128)], sem0).wait()
            pltpu.sync_copy(rows.at[pl.ds(0, 128)], acc.at[dstv.at[j0]],
                            add=True)

            @pl.when(p < nchunk // 2 - 1)
            def _():
                pltpu.async_copy(gflat.at[srcv.at[j0 + 2]],
                                 rows.at[pl.ds(0, 128)], sem0)

            pltpu.make_async_copy(gflat.at[srcv.at[j0 + 1]],
                                  rows.at[pl.ds(128, 128)], sem1).wait()
            pltpu.sync_copy(rows.at[pl.ds(128, 128)], acc.at[dstv.at[j0 + 1]],
                            add=True)

    plsc.subcore_barrier()
    pltpu.sync_copy(acc.at[pl.ds(s * rchunk, rchunk)],
                    out.at[pl.ds(c * NP + s * rchunk, rchunk)])



@functools.partial(
    pl.kernel,
    out_type=jax.ShapeDtypeStruct((SC_CORES * CP, NH), f32),
    mesh=_sc_mesh,
    compiler_params=pltpu.CompilerParams(use_tc_tiling_on_sc=False),
    scratch_types=[
        pltpu.VMEM_SHARED((CP, NH), f32),
        pltpu.VMEM((128, NH), f32),
        pltpu.VMEM((16, 128), jnp.int32),
    ],
)
def _pool_kernel(h, comm2d, zpool, out, accp, hv, idxc):
    c = lax.axis_index("c")
    s = lax.axis_index("s")
    w = c * SC_TILES + s
    pchunk = CP // SC_TILES
    pltpu.sync_copy(zpool.at[pl.ds(s * pchunk, pchunk)],
                    accp.at[pl.ds(s * pchunk, pchunk)])
    nchunks = NPR // 16

    @pl.when(w < nchunks)
    def _():
        pltpu.sync_copy(comm2d.at[pl.ds(w * 16, 16)], idxc)

    plsc.subcore_barrier()

    @pl.when(w < nchunks)
    def _():
        base = w * 16 * 128

        @pl.loop(0, 16)
        def _(j):
            pltpu.sync_copy(h.at[pl.ds(base + j * 128, 128)], hv)
            pltpu.sync_copy(hv, accp.at[idxc.at[j]], add=True)

    plsc.subcore_barrier()
    pltpu.sync_copy(accp.at[pl.ds(s * pchunk, pchunk)],
                    out.at[pl.ds(c * CP + s * pchunk, pchunk)])



_BLK = 512
_NBLK = NP // _BLK


def _dinv_of(degp):
    deg = degp[0] + degp[1] + 1.0
    return lax.rsqrt(deg)


def _dense_body(x_ref, id_ref, degp_ref, w1, b1, w2, b2, w3, b3, wc1, out_ref,
                hs):
    j = pl.program_id(1)

    @pl.when(j == 0)
    def _():
        xb = x_ref[...]
        x1 = jnp.maximum(jnp.dot(xb[:, :7], w1[...],
                                 preferred_element_type=f32) + b1[...], 0.0)
        x2 = jnp.maximum(jnp.dot(xb[:, 7:], w2[...],
                                 preferred_element_type=f32) + b2[...], 0.0)
        hcat = jnp.concatenate([x1, x2, id_ref[...]], axis=1)
        hs[...] = jnp.maximum(jnp.dot(hcat, w3[...],
                                      preferred_element_type=f32) + b3[...],
                              0.0)

    dinv = _dinv_of(degp_ref[...])
    g = jnp.dot(hs[...], wc1[0], preferred_element_type=f32) * dinv[:, None]
    out_ref[...] = g[None]


def _dense_call(xp, idp, deg2, w1, b1, w2, b2, w3, b3, wc1):
    return pl.pallas_call(
        _dense_body,
        grid=(_NBLK, 2),
        in_specs=[
            pl.BlockSpec((_BLK, 19), lambda i, j: (i, 0)),
            pl.BlockSpec((_BLK, NID), lambda i, j: (i, 0)),
            pl.BlockSpec((2, _BLK), lambda i, j: (0, i)),
            pl.BlockSpec((7, 32), lambda i, j: (0, 0)),
            pl.BlockSpec((1, 32), lambda i, j: (0, 0)),
            pl.BlockSpec((12, 32), lambda i, j: (0, 0)),
            pl.BlockSpec((1, 32), lambda i, j: (0, 0)),
            pl.BlockSpec((96, 96), lambda i, j: (0, 0)),
            pl.BlockSpec((1, 96), lambda i, j: (0, 0)),
            pl.BlockSpec((1, 96, 32), lambda i, j: (j, 0, 0)),
        ],
        out_specs=pl.BlockSpec((1, _BLK, 32), lambda i, j: (j, i, 0)),
        out_shape=jax.ShapeDtypeStruct((2, NP, 32), f32),
        scratch_shapes=[pltpu.VMEM((_BLK, 96), f32)],
    )(xp, idp, deg2, w1, b1, w2, b2, w3, b3, wc1)


def _post1_body(agg_ref, degp_ref, bc1, wc2, h1_ref, g2_ref, h1s):
    j = pl.program_id(1)
    dinv = _dinv_of(degp_ref[...])

    @pl.when(j == 0)
    def _():
        ab = agg_ref[...]
        a = jnp.concatenate([ab[0], ab[1]], axis=1)
        h1 = jnp.maximum(a * dinv[:, None] + bc1[...], 0.0)
        h1s[...] = h1
        h1_ref[...] = h1

    g2_ref[...] = (jnp.dot(h1s[...], wc2[0], preferred_element_type=f32)
                   * dinv[:, None])[None]


def _post1_call(agg1, deg2, bc1, wc2):
    return pl.pallas_call(
        _post1_body,
        grid=(_NBLK, 2),
        in_specs=[
            pl.BlockSpec((2, _BLK, 32), lambda i, j: (0, i, 0)),
            pl.BlockSpec((2, _BLK), lambda i, j: (0, i)),
            pl.BlockSpec((1, NH), lambda i, j: (0, 0)),
            pl.BlockSpec((1, NH, 32), lambda i, j: (j, 0, 0)),
        ],
        out_specs=[
            pl.BlockSpec((_BLK, NH), lambda i, j: (i, 0)),
            pl.BlockSpec((1, _BLK, 32), lambda i, j: (j, i, 0)),
        ],
        out_shape=[
            jax.ShapeDtypeStruct((NP, NH), f32),
            jax.ShapeDtypeStruct((2, NP, 32), f32),
        ],
        scratch_shapes=[pltpu.VMEM((_BLK, NH), f32)],
    )(agg1, deg2, bc1, wc2)


def _post2_body(agg_ref, degp_ref, bc2, h2_ref):
    ab = agg_ref[...]
    a = jnp.concatenate([ab[0], ab[1]], axis=1)
    dinv = _dinv_of(degp_ref[...])
    h2_ref[...] = jnp.maximum(a * dinv[:, None] + bc2[...], 0.0)


def _post2_call(agg2, deg2, bc2):
    return pl.pallas_call(
        _post2_body,
        grid=(_NBLK,),
        in_specs=[
            pl.BlockSpec((2, _BLK, 32), lambda i: (0, i, 0)),
            pl.BlockSpec((2, _BLK), lambda i: (0, i)),
            pl.BlockSpec((1, NH), lambda i: (0, 0)),
        ],
        out_specs=pl.BlockSpec((_BLK, NH), lambda i: (i, 0)),
        out_shape=jax.ShapeDtypeStruct((NP, NH), f32),
    )(agg2, deg2, bc2)


def _final_body(p1_ref, p2_ref, cnt_ref, wl1, bl1, wl2, bl2, out_ref):
    p1 = p1_ref[...]
    p2 = p2_ref[...]
    ssum = p1[:CP] + p1[CP:] + p2[:CP] + p2[CP:]
    cntp = cnt_ref[...]
    cnt = jnp.maximum(cntp[0] + cntp[1], 1.0)
    r = ssum / cnt[:, None]
    w = wl1[...]
    wf = w[:NH] + w[NH:]
    z = jnp.maximum(jnp.dot(r, wf, preferred_element_type=f32) + bl1[...], 0.0)
    out_ref[...] = jnp.dot(z, wl2[...], preferred_element_type=f32) + bl2[...]


def _final_call(pools1, pools2, cnt2, wl1, bl1, wl2, bl2):
    return pl.pallas_call(
        _final_body,
        out_shape=jax.ShapeDtypeStruct((CP, 1), f32),
    )(pools1, pools2, cnt2, wl1, bl1, wl2, bl2)



def kernel(x, edge_index, community, id_embeddings, W_emb1, b_emb1, W_emb2,
           b_emb2, W_emb3, b_emb3, W_conv1, b_conv1, W_conv2, b_conv2,
           W_lin1, b_lin1, W_lin2, b_lin2):
    src = edge_index[0]
    dst = edge_index[1]
    epad = jnp.full((EP - E,), N, jnp.int32)
    srcp = jnp.concatenate([src, epad])
    dst2d = jnp.concatenate([dst, epad]).reshape(EPR, 128)
    src2d = jnp.concatenate([srcp, srcp + NP]).reshape(2 * EPR, 128)
    comm2d = jnp.concatenate(
        [community, jnp.full((NP - N,), NCOMM, jnp.int32)]).reshape(NPR, 128)
    xp = jnp.concatenate([x, jnp.zeros((NP - N, x.shape[1]), f32)])
    idp = jnp.concatenate([id_embeddings, jnp.zeros((NP - N, NID), f32)])
    zdeg = jnp.zeros((NP,), f32)
    zcnt = jnp.zeros((CP,), f32)
    zpool = jnp.zeros((CP, NH), f32)

    deg_part, cnt_part = _counts_kernel(dst2d, comm2d, zdeg, zcnt)
    deg2 = deg_part.reshape(2, NP)

    wc1_2 = W_conv1.reshape(96, 2, 32).transpose(1, 0, 2)
    wc2_2 = W_conv2.reshape(NH, 2, 32).transpose(1, 0, 2)
    g1 = _dense_call(xp, idp, deg2, W_emb1, b_emb1.reshape(1, -1), W_emb2,
                     b_emb2.reshape(1, -1), W_emb3, b_emb3.reshape(1, -1),
                     wc1_2)
    agg1 = _agg_kernel(g1.reshape(2 * NP, 32), src2d, dst2d)
    h1, g2 = _post1_call(agg1.reshape(2, NP, 32), deg2,
                         b_conv1.reshape(1, -1), wc2_2)
    pools1 = _pool_kernel(h1, comm2d, zpool)
    agg2 = _agg_kernel(g2.reshape(2 * NP, 32), src2d, dst2d)
    h2 = _post2_call(agg2.reshape(2, NP, 32), deg2, b_conv2.reshape(1, -1))
    pools2 = _pool_kernel(h2, comm2d, zpool)

    res = _final_call(pools1, pools2, cnt_part.reshape(2, CP), W_lin1,
                      b_lin1.reshape(1, -1), W_lin2, b_lin2.reshape(1, 1))
    return res[:NCOMM, 0]

# --- scband reference (transcript-rebuilt; emitter-appended) ---
"""Pipeline reference for scband-gcn-id-38714835206185 (READ-ONLY COPY).

The authoritative reference and input builder live on the scoring server;
editing this copy changes nothing except your own understanding.
"""

import jax, jax.numpy as jnp
import numpy as np

N = 50000
E = 800000
NE = 32
NID = 32
NH = 64
NC = 1000


def gcn_conv(x, src, dst, W, b, n):
    h = x @ W
    loop = jnp.arange(n, dtype=src.dtype)
    s = jnp.concatenate([src, loop])
    d = jnp.concatenate([dst, loop])
    deg = jnp.zeros((n,), h.dtype).at[d].add(1.0)
    dinv = jnp.where(deg > 0, 1.0 / jnp.sqrt(jnp.maximum(deg, 1e-12)), 0.0)
    norm = dinv[s] * dinv[d]
    msg = h[s] * norm[:, None]
    out = jnp.zeros_like(h).at[d].add(msg)
    return out + b


def community_pooling(x, community, nc):
    s = jnp.zeros((nc, x.shape[1]), x.dtype).at[community].add(x)
    cnt = jnp.zeros((nc,), x.dtype).at[community].add(1.0)
    res1 = s / jnp.maximum(cnt, 1.0)[:, None]
    return jnp.concatenate([res1, res1], axis=1)


def setup_inputs(seed: int = 0):
    key = jax.random.key(seed)
    ks = jax.random.split(key, 24)
    inp = {}
    inp['x'] = jax.random.normal(ks[0], (N, 19), dtype=jnp.float32)
    inp['edge_index'] = jax.random.randint(ks[1], (2, E), 0, N, dtype=jnp.int32)
    inp['community'] = jax.random.randint(ks[2], (N,), 0, NC, dtype=jnp.int32)
    inp['id_embeddings'] = jax.random.normal(ks[3], (N, NID), dtype=jnp.float32) * 0.1
    inp['W_emb1'] = jax.random.normal(ks[4], (7, NE), dtype=jnp.float32) * 0.1
    inp['b_emb1'] = jnp.zeros((NE,), dtype=jnp.float32)
    inp['W_emb2'] = jax.random.normal(ks[5], (12, NE), dtype=jnp.float32) * 0.1
    inp['b_emb2'] = jnp.zeros((NE,), dtype=jnp.float32)
    D = 2 * NE + NID
    inp['W_emb3'] = jax.random.normal(ks[6], (D, D), dtype=jnp.float32) * 0.1
    inp['b_emb3'] = jnp.zeros((D,), dtype=jnp.float32)
    inp['W_conv1'] = jax.random.normal(ks[7], (D, NH), dtype=jnp.float32) * 0.1
    inp['b_conv1'] = jnp.zeros((NH,), dtype=jnp.float32)
    inp['W_conv2'] = jax.random.normal(ks[8], (NH, NH), dtype=jnp.float32) * 0.1
    inp['b_conv2'] = jnp.zeros((NH,), dtype=jnp.float32)
    inp['W_lin1'] = jax.random.normal(ks[9], (2 * NH, NH), dtype=jnp.float32) * 0.1
    inp['b_lin1'] = jnp.zeros((NH,), dtype=jnp.float32)
    inp['W_lin2'] = jax.random.normal(ks[10], (NH, 1), dtype=jnp.float32) * 0.1
    inp['b_lin2'] = jnp.zeros((1,), dtype=jnp.float32)
    return inp


def reference(x, edge_index, community, id_embeddings, W_emb1, b_emb1, W_emb2, b_emb2, W_emb3, b_emb3, W_conv1, b_conv1, W_conv2, b_conv2, W_lin1, b_lin1, W_lin2, b_lin2):
    src, dst = edge_index[0], edge_index[1]
    x1 = jax.nn.relu(x[:, :7] @ W_emb1 + b_emb1)
    x2 = jax.nn.relu(x[:, 7:] @ W_emb2 + b_emb2)
    h = jnp.concatenate([x1, x2, id_embeddings], axis=1)
    h = jax.nn.relu(h @ W_emb3 + b_emb3)
    h = jax.nn.relu(gcn_conv(h, src, dst, W_conv1, b_conv1, N))
    p1 = community_pooling(h, community, NC)
    h = jax.nn.relu(gcn_conv(h, src, dst, W_conv2, b_conv2, N))
    p2 = community_pooling(h, community, NC)
    z = p1 + p2
    z = jax.nn.relu(z @ W_lin1 + b_lin1)
    out = (z @ W_lin2 + b_lin2).squeeze()
    return out

if __name__ == "__main__":
    import jax
    _d = setup_inputs()
    print(jax.jit(kernel)(*tuple(_d.values())))

</pallas_src>

<mosaic_0001>
#map = affine_map<(d0, d1) -> (0, 0)>
#map1 = affine_map<(d0, d1) -> (0)>
module attributes {stable_mosaic.version = 14 : i64} {
  func.func @_counts_kernel(%arg0: i32, %arg1: i32, %arg2: memref<6400x128xi32, #tpu.memory_space<hbm>>, %arg3: memref<416x128xi32, #tpu.memory_space<hbm>>, %arg4: memref<53248xf32, #tpu.memory_space<hbm>>, %arg5: memref<1024xf32, #tpu.memory_space<hbm>>, %arg6: memref<106496xf32, #tpu.memory_space<hbm>>, %arg7: memref<2048xf32, #tpu.memory_space<hbm>>, %arg8: memref<53248xf32, #tpu.memory_space<vmem_shared>>, %arg9: memref<1024xf32, #tpu.memory_space<vmem_shared>>, %arg10: memref<200x128xi32, #tpu.memory_space<vmem>>, %arg11: memref<16x128xi32, #tpu.memory_space<vmem>>, %arg12: memref<128xf32, #tpu.memory_space<vmem>>) attributes {dimension_semantics = [#tpu.dimension_semantics<core_parallel>, #tpu.dimension_semantics<subcore_parallel>], iteration_bounds = array<i64: 2, 16>, scalar_prefetch = 0 : i64, scratch_operands = 5 : i64, tpu.core_type = #tpu.core_type<sc_vector_subcore>, window_params = [{transform_indices = #map}, {transform_indices = #map}, {transform_indices = #map1}, {transform_indices = #map1}, {transform_indices = #map1}, {transform_indices = #map1}]} {
    %mul3A = arith.constant 16 : i32
    %mul3A_0 = arith.muli %arg0, %mul3A : i32
    %add3A = arith.addi %mul3A_0, %arg1 : i32
    %mul3A_1 = arith.constant 3328 : i32
    %mul3A_2 = arith.muli %arg1, %mul3A_1 : i32
    %mul3A_3 = arith.constant 3328 : i32
    %mul3A_4 = arith.muli %arg1, %mul3A_3 : i32
    "tpu.region"() ({
      %run_scoped3A = tpu.sem_alloc : memref<!tpu.dma_semaphore, #tpu.memory_space<semaphore_mem>>
      %dma_start3A = tpu.memref_slice %arg8[%mul3A_4] : memref<53248xf32, #tpu.memory_space<vmem_shared>> -> memref<3328xf32, #tpu.memory_space<vmem_shared>>
      %dma_start3A_84 = tpu.memref_slice %arg4[%mul3A_2] : memref<53248xf32, #tpu.memory_space<hbm>> -> memref<3328xf32, #tpu.memory_space<hbm>>
      tpu.enqueue_dma source(%dma_start3A_84 : memref<3328xf32, #tpu.memory_space<hbm>>) target(%dma_start3A : memref<3328xf32, #tpu.memory_space<vmem_shared>>) target_semaphore(%run_scoped3A : memref<!tpu.dma_semaphore, #tpu.memory_space<semaphore_mem>>)
      %dma_wait3A = tpu.memref_slice %arg8[%mul3A_4] : memref<53248xf32, #tpu.memory_space<vmem_shared>> -> memref<3328xf32, #tpu.memory_space<vmem_shared>>
      %dma_wait3A_85 = tpu.memref_slice %arg4[%mul3A_2] : memref<53248xf32, #tpu.memory_space<hbm>> -> memref<3328xf32, #tpu.memory_space<hbm>>
      tpu.wait_dma2 semaphore(%run_scoped3A : memref<!tpu.dma_semaphore, #tpu.memory_space<semaphore_mem>>) src(%dma_wait3A_85 : memref<3328xf32, #tpu.memory_space<hbm>>) dst(%dma_wait3A : memref<3328xf32, #tpu.memory_space<vmem_shared>>)
      tpu.yield
    }) : () -> ()
    %eq3A = arith.constant 0 : i32
    %eq3A_5 = arith.cmpi eq, %arg1, %eq3A : i32
    %convert_element_type3A = arith.extui %eq3A_5 : i1 to i32
    %cond3A = arith.constant 0 : i32
    %cond3A_6 = arith.cmpi ne, %convert_element_type3A, %cond3A : i32
    scf.if %cond3A_6 {
      "tpu.region"() ({
        %run_scoped3A = tpu.sem_alloc : memref<!tpu.dma_semaphore, #tpu.memory_space<semaphore_mem>>
        tpu.enqueue_dma source(%arg5 : memref<1024xf32, #tpu.memory_space<hbm>>) target(%arg9 : memref<1024xf32, #tpu.memory_space<vmem_shared>>) target_semaphore(%run_scoped3A : memref<!tpu.dma_semaphore, #tpu.memory_space<semaphore_mem>>)
        tpu.wait_dma2 semaphore(%run_scoped3A : memref<!tpu.dma_semaphore, #tpu.memory_space<semaphore_mem>>) src(%arg5 : memref<1024xf32, #tpu.memory_space<hbm>>) dst(%arg9 : memref<1024xf32, #tpu.memory_space<vmem_shared>>)
        tpu.yield
      }) : () -> ()
    } else {
    }
    %broadcast_in_dim3A = arith.constant 1.000000e+00 : f32
    %broadcast_in_dim3A_7 = vector.broadcast %broadcast_in_dim3A : f32 to vector<16xf32>
    %swap3A = arith.constant 0 : index
    %swap3A_8 = tpu.vector_load %arg12[%swap3A] {strides = array<i32>} : memref<128xf32, #tpu.memory_space<vmem>>, vector<16xf32>,
    %swap3A_9 = vector.shape_cast %swap3A_8 : vector<16xf32> to vector<16xf32>
    %swap3A_10 = vector.shape_cast %broadcast_in_dim3A_7 : vector<16xf32> to vector<16xf32>
    tpu.vector_store %arg12[%swap3A], %swap3A_10 {strides = array<i32>} : memref<128xf32, #tpu.memory_space<vmem>>, vector<16xf32>,
    %broadcast_in_dim3A_11 = arith.constant 1.000000e+00 : f32
    %broadcast_in_dim3A_12 = vector.broadcast %broadcast_in_dim3A_11 : f32 to vector<16xf32>
    %swap3A_13 = arith.constant 16 : index
    %swap3A_14 = tpu.vector_load %arg12[%swap3A_13] {strides = array<i32>} : memref<128xf32, #tpu.memory_space<vmem>>, vector<16xf32>,
    %swap3A_15 = vector.shape_cast %swap3A_14 : vector<16xf32> to vector<16xf32>
    %swap3A_16 = vector.shape_cast %broadcast_in_dim3A_12 : vector<16xf32> to vector<16xf32>
    tpu.vector_store %arg12[%swap3A_13], %swap3A_16 {strides = array<i32>} : memref<128xf32, #tpu.memory_space<vmem>>, vector<16xf32>,
    %broadcast_in_dim3A_17 = arith.constant 1.000000e+00 : f32
    %broadcast_in_dim3A_18 = vector.broadcast %broadcast_in_dim3A_17 : f32 to vector<16xf32>
    %swap3A_19 = arith.constant 32 : index
    %swap3A_20 = tpu.vector_load %arg12[%swap3A_19] {strides = array<i32>} : memref<128xf32, #tpu.memory_space<vmem>>, vector<16xf32>,
    %swap3A_21 = vector.shape_cast %swap3A_20 : vector<16xf32> to vector<16xf32>
    %swap3A_22 = vector.shape_cast %broadcast_in_dim3A_18 : vector<16xf32> to vector<16xf32>
    tpu.vector_store %arg12[%swap3A_19], %swap3A_22 {strides = array<i32>} : memref<128xf32, #tpu.memory_space<vmem>>, vector<16xf32>,
    %broadcast_in_dim3A_23 = arith.constant 1.000000e+00 : f32
    %broadcast_in_dim3A_24 = vector.broadcast %broadcast_in_dim3A_23 : f32 to vector<16xf32>
    %swap3A_25 = arith.constant 48 : index
    %swap3A_26 = tpu.vector_load %arg12[%swap3A_25] {strides = array<i32>} : memref<128xf32, #tpu.memory_space<vmem>>, vector<16xf32>,
    %swap3A_27 = vector.shape_cast %swap3A_26 : vector<16xf32> to vector<16xf32>
    %swap3A_28 = vector.shape_cast %broadcast_in_dim3A_24 : vector<16xf32> to vector<16xf32>
    tpu.vector_store %arg12[%swap3A_25], %swap3A_28 {strides = array<i32>} : memref<128xf32, #tpu.memory_space<vmem>>, vector<16xf32>,
    %broadcast_in_dim3A_29 = arith.constant 1.000000e+00 : f32
    %broadcast_in_dim3A_30 = vector.broadcast %broadcast_in_dim3A_29 : f32 to vector<16xf32>
    %swap3A_31 = arith.constant 64 : index
    %swap3A_32 = tpu.vector_load %arg12[%swap3A_31] {strides = array<i32>} : memref<128xf32, #tpu.memory_space<vmem>>, vector<16xf32>,
    %swap3A_33 = vector.shape_cast %swap3A_32 : vector<16xf32> to vector<16xf32>
    %swap3A_34 = vector.shape_cast %broadcast_in_dim3A_30 : vector<16xf32> to vector<16xf32>
    tpu.vector_store %arg12[%swap3A_31], %swap3A_34 {strides = array<i32>} : memref<128xf32, #tpu.memory_space<vmem>>, vector<16xf32>,
    %broadcast_in_dim3A_35 = arith.constant 1.000000e+00 : f32
    %broadcast_in_dim3A_36 = vector.broadcast %broadcast_in_dim3A_35 : f32 to vector<16xf32>
    %swap3A_37 = arith.constant 80 : index
    %swap3A_38 = tpu.vector_load %arg12[%swap3A_37] {strides = array<i32>} : memref<128xf32, #tpu.memory_space<vmem>>, vector<16xf32>,
    %swap3A_39 = vector.shape_cast %swap3A_38 : vector<16xf32> to vector<16xf32>
    %swap3A_40 = vector.shape_cast %broadcast_in_dim3A_36 : vector<16xf32> to vector<16xf32>
    tpu.vector_store %arg12[%swap3A_37], %swap3A_40 {strides = array<i32>} : memref<128xf32, #tpu.memory_space<vmem>>, vector<16xf32>,
    %broadcast_in_dim3A_41 = arith.constant 1.000000e+00 : f32
    %broadcast_in_dim3A_42 = vector.broadcast %broadcast_in_dim3A_41 : f32 to vector<16xf32>
    %swap3A_43 = arith.constant 96 : index
    %swap3A_44 = tpu.vector_load %arg12[%swap3A_43] {strides = array<i32>} : memref<128xf32, #tpu.memory_space<vmem>>, vector<16xf32>,
    %swap3A_45 = vector.shape_cast %swap3A_44 : vector<16xf32> to vector<16xf32>
    %swap3A_46 = vector.shape_cast %broadcast_in_dim3A_42 : vector<16xf32> to vector<16xf32>
    tpu.vector_store %arg12[%swap3A_43], %swap3A_46 {strides = array<i32>} : memref<128xf32, #tpu.memory_space<vmem>>, vector<16xf32>,
    %broadcast_in_dim3A_47 = arith.constant 1.000000e+00 : f32
    %broadcast_in_dim3A_48 = vector.broadcast %broadcast_in_dim3A_47 : f32 to vector<16xf32>
    %swap3A_49 = arith.constant 112 : index
    %swap3A_50 = tpu.vector_load %arg12[%swap3A_49] {strides = array<i32>} : memref<128xf32, #tpu.memory_space<vmem>>, vector<16xf32>,
    %swap3A_51 = vector.shape_cast %swap3A_50 : vector<16xf32> to vector<16xf32>
    %swap3A_52 = vector.shape_cast %broadcast_in_dim3A_48 : vector<16xf32> to vector<16xf32>
    tpu.vector_store %arg12[%swap3A_49], %swap3A_52 {strides = array<i32>} : memref<128xf32, #tpu.memory_space<vmem>>, vector<16xf32>,
    %mul3A_53 = arith.constant 3200 : i32
    %mul3A_54 = arith.muli %arg0, %mul3A_53 : i32
    %mul3A_55 = arith.constant 200 : i32
    %mul3A_56 = arith.muli %arg1, %mul3A_55 : i32
    %add3A_57 = arith.addi %mul3A_54, %mul3A_56 : i32
    "tpu.region"() ({
      %run_scoped3A = tpu.sem_alloc : memref<!tpu.dma_semaphore, #tpu.memory_space<semaphore_mem>>
      %dma_start3A = arith.constant 0 : i32
      %dma_start3A_84 = tpu.memref_slice %arg2[%add3A_57, %dma_start3A] : memref<6400x128xi32, #tpu.memory_space<hbm>> -> memref<200x128xi32, #tpu.memory_space<hbm>>
      %dma_start3A_85 = arith.constant 0 : i32
      %dma_start3A_86 = tpu.memref_slice %arg2[%add3A_57, %dma_start3A_85] : memref<6400x128xi32, #tpu.memory_space<hbm>> -> memref<200x128xi32, #tpu.memory_space<hbm>>
      tpu.enqueue_dma source(%dma_start3A_86 : memref<200x128xi32, #tpu.memory_space<hbm>>) target(%arg10 : memref<200x128xi32, #tpu.memory_space<vmem>>) target_semaphore(%run_scoped3A : memref<!tpu.dma_semaphore, #tpu.memory_space<semaphore_mem>>)
      %dma_wait3A = arith.constant 0 : i32
      %dma_wait3A_87 = tpu.memref_slice %arg2[%add3A_57, %dma_wait3A] : memref<6400x128xi32, #tpu.memory_space<hbm>> -> memref<200x128xi32, #tpu.memory_space<hbm>>
      %dma_wait3A_88 = arith.constant 0 : i32
      %dma_wait3A_89 = tpu.memref_slice %arg2[%add3A_57, %dma_wait3A_88] : memref<6400x128xi32, #tpu.memory_space<hbm>> -> memref<200x128xi32, #tpu.memory_space<hbm>>
      tpu.wait_dma2 semaphore(%run_scoped3A : memref<!tpu.dma_semaphore, #tpu.memory_space<semaphore_mem>>) src(%dma_wait3A_89 : memref<200x128xi32, #tpu.memory_space<hbm>>) dst(%arg10 : memref<200x128xi32, #tpu.memory_space<vmem>>)
      tpu.yield
    }) : () -> ()
    %lt3A = arith.constant 26 : i32
    %lt3A_58 = arith.cmpi slt, %add3A, %lt3A : i32
    %convert_element_type3A_59 = arith.extui %lt3A_58 : i1 to i32
    %cond3A_60 = arith.constant 0 : i32
    %cond3A_61 = arith.cmpi ne, %convert_element_type3A_59, %cond3A_60 : i32
    scf.if %cond3A_61 {
      %mul3A_84 = arith.constant 16 : i32
      %mul3A_85 = arith.muli %add3A, %mul3A_84 : i32
      "tpu.region"() ({
        %run_scoped3A = tpu.sem_alloc : memref<!tpu.dma_semaphore, #tpu.memory_space<semaphore_mem>>
        %dma_start3A = arith.constant 0 : i32
        %dma_start3A_86 = tpu.memref_slice %arg3[%mul3A_85, %dma_start3A] : memref<416x128xi32, #tpu.memory_space<hbm>> -> memref<16x128xi32, #tpu.memory_space<hbm>>
        %dma_start3A_87 = arith.constant 0 : i32
        %dma_start3A_88 = tpu.memref_slice %arg3[%mul3A_85, %dma_start3A_87] : memref<416x128xi32, #tpu.memory_space<hbm>> -> memref<16x128xi32, #tpu.memory_space<hbm>>
        tpu.enqueue_dma source(%dma_start3A_88 : memref<16x128xi32, #tpu.memory_space<hbm>>) target(%arg11 : memref<16x128xi32, #tpu.memory_space<vmem>>) target_semaphore(%run_scoped3A : memref<!tpu.dma_semaphore, #tpu.memory_space<semaphore_mem>>)
        %dma_wait3A = arith.constant 0 : i32
        %dma_wait3A_89 = tpu.memref_slice %arg3[%mul3A_85, %dma_wait3A] : memref<416x128xi32, #tpu.memory_space<hbm>> -> memref<16x128xi32, #tpu.memory_space<hbm>>
        %dma_wait3A_90 = arith.constant 0 : i32
        %dma_wait3A_91 = tpu.memref_slice %arg3[%mul3A_85, %dma_wait3A_90] : memref<416x128xi32, #tpu.memory_space<hbm>> -> memref<16x128xi32, #tpu.memory_space<hbm>>
        tpu.wait_dma2 semaphore(%run_scoped3A : memref<!tpu.dma_semaphore, #tpu.memory_space<semaphore_mem>>) src(%dma_wait3A_91 : memref<16x128xi32, #tpu.memory_space<hbm>>) dst(%arg11 : memref<16x128xi32, #tpu.memory_space<vmem>>)
        tpu.yield
      }) : () -> ()
    } else {
    }
    %barrier3A = arith.constant 0 : index
    tpu.barrier barrier_id(%barrier3A)
    %scan3A = arith.constant 0 : i32
    %scan3A_62 = arith.constant 200 : i32
    %scan3A_63 = arith.addi %scan3A, %scan3A_62 : i32
    %scan3A_64 = arith.constant 1 : i32
    scf.for %scan3A_84 = %scan3A to %scan3A_63 step %scan3A_64  : i32 {
      %mul3A_85 = arith.constant 1 : i32
      %mul3A_86 = arith.muli %scan3A_84, %mul3A_85 : i32
      %add3A_87 = arith.constant 0 : i32
      %add3A_88 = arith.addi %add3A_87, %mul3A_86 : i32
      "tpu.region"() ({
        %run_scoped3A = tpu.sem_alloc : memref<!tpu.dma_semaphore, #tpu.memory_space<semaphore_mem>>
        %dma_start3A = arith.constant 0 : i32
        %dma_start3A_89 = tpu.memref_slice %arg10[%add3A_88, %dma_start3A] : memref<200x128xi32, #tpu.memory_space<vmem>> -> memref<1x128xi32, #tpu.memory_space<vmem>>
        %dma_start3A_90 = tpu.memref_squeeze %dma_start3A_89 : memref<1x128xi32, #tpu.memory_space<vmem>> -> memref<128xi32, #tpu.memory_space<vmem>>
        %dma_start3A_91 = arith.constant 0 : i32
        %dma_start3A_92 = tpu.memref_slice %arg8[%dma_start3A_91] : memref<53248xf32, #tpu.memory_space<vmem_shared>> -> memref<53248xf32, #tpu.memory_space<vmem_shared>>
        tpu.enqueue_indirect_dma source(%arg12 : memref<128xf32, #tpu.memory_space<vmem>>) target(%dma_start3A_92 : memref<53248xf32, #tpu.memory_space<vmem_shared>>) offsets(%dma_start3A_90 : memref<128xi32, #tpu.memory_space<vmem>>) semaphore(%run_scoped3A : memref<!tpu.dma_semaphore, #tpu.memory_space<semaphore_mem>>) {add = true}
        %dma_wait3A = arith.constant 0 : i32
        %dma_wait3A_93 = tpu.memref_slice %arg10[%add3A_88, %dma_wait3A] : memref<200x128xi32, #tpu.memory_space<vmem>> -> memref<1x128xi32, #tpu.memory_space<vmem>>
        %dma_wait3A_94 = tpu.memref_squeeze %dma_wait3A_93 : memref<1x128xi32, #tpu.memory_space<vmem>> -> memref<128xi32, #tpu.memory_space<vmem>>
        %dma_wait3A_95 = arith.constant 0 : i32
        %dma_wait3A_96 = tpu.memref_slice %arg8[%dma_wait3A_95] : memref<53248xf32, #tpu.memory_space<vmem_shared>> -> memref<53248xf32, #tpu.memory_space<vmem_shared>>
        tpu.wait_indirect_dma semaphore(%run_scoped3A : memref<!tpu.dma_semaphore, #tpu.memory_space<semaphore_mem>>) src(%arg12 : memref<128xf32, #tpu.memory_space<vmem>>) dst(%dma_wait3A_96 : memref<53248xf32, #tpu.memory_space<vmem_shared>>)
        tpu.yield
      }) : () -> ()
    }
    %scan3A_65 = arith.constant 200 : i32
    %lt3A_66 = arith.constant 26 : i32
    %lt3A_67 = arith.cmpi slt, %add3A, %lt3A_66 : i32
    %convert_element_type3A_68 = arith.extui %lt3A_67 : i1 to i32
    %cond3A_69 = arith.constant 0 : i32
    %cond3A_70 = arith.cmpi ne, %convert_element_type3A_68, %cond3A_69 : i32
    scf.if %cond3A_70 {
      %scan3A_84 = arith.constant 0 : i32
      %scan3A_85 = arith.constant 16 : i32
      %scan3A_86 = arith.addi %scan3A_84, %scan3A_85 : i32
      %scan3A_87 = arith.constant 1 : i32
      scf.for %scan3A_89 = %scan3A_84 to %scan3A_86 step %scan3A_87  : i32 {
        %mul3A_90 = arith.constant 1 : i32
        %mul3A_91 = arith.muli %scan3A_89, %mul3A_90 : i32
        %add3A_92 = arith.constant 0 : i32
        %add3A_93 = arith.addi %add3A_92, %mul3A_91 : i32
        "tpu.region"() ({
          %run_scoped3A = tpu.sem_alloc : memref<!tpu.dma_semaphore, #tpu.memory_space<semaphore_mem>>
          %dma_start3A = arith.constant 0 : i32
          %dma_start3A_94 = tpu.memref_slice %arg11[%add3A_93, %dma_start3A] : memref<16x128xi32, #tpu.memory_space<vmem>> -> memref<1x128xi32, #tpu.memory_space<vmem>>
          %dma_start3A_95 = tpu.memref_squeeze %dma_start3A_94 : memref<1x128xi32, #tpu.memory_space<vmem>> -> memref<128xi32, #tpu.memory_space<vmem>>
          %dma_start3A_96 = arith.constant 0 : i32
          %dma_start3A_97 = tpu.memref_slice %arg9[%dma_start3A_96] : memref<1024xf32, #tpu.memory_space<vmem_shared>> -> memref<1024xf32, #tpu.memory_space<vmem_shared>>
          tpu.enqueue_indirect_dma source(%arg12 : memref<128xf32, #tpu.memory_space<vmem>>) target(%dma_start3A_97 : memref<1024xf32, #tpu.memory_space<vmem_shared>>) offsets(%dma_start3A_95 : memref<128xi32, #tpu.memory_space<vmem>>) semaphore(%run_scoped3A : memref<!tpu.dma_semaphore, #tpu.memory_space<semaphore_mem>>) {add = true}
          %dma_wait3A = arith.constant 0 : i32
          %dma_wait3A_98 = tpu.memref_slice %arg11[%add3A_93, %dma_wait3A] : memref<16x128xi32, #tpu.memory_space<vmem>> -> memref<1x128xi32, #tpu.memory_space<vmem>>
          %dma_wait3A_99 = tpu.memref_squeeze %dma_wait3A_98 : memref<1x128xi32, #tpu.memory_space<vmem>> -> memref<128xi32, #tpu.memory_space<vmem>>
          %dma_wait3A_100 = arith.constant 0 : i32
          %dma_wait3A_101 = tpu.memref_slice %arg9[%dma_wait3A_100] : memref<1024xf32, #tpu.memory_space<vmem_shared>> -> memref<1024xf32, #tpu.memory_space<vmem_shared>>
          tpu.wait_indirect_dma semaphore(%run_scoped3A : memref<!tpu.dma_semaphore, #tpu.memory_space<semaphore_mem>>) src(%arg12 : memref<128xf32, #tpu.memory_space<vmem>>) dst(%dma_wait3A_101 : memref<1024xf32, #tpu.memory_space<vmem_shared>>)
          tpu.yield
        }) : () -> ()
      }
      %scan3A_88 = arith.constant 16 : i32
    } else {
    }
    %barrier3A_71 = arith.constant 0 : index
    tpu.barrier barrier_id(%barrier3A_71)
    %mul3A_72 = arith.constant 3328 : i32
    %mul3A_73 = arith.muli %arg1, %mul3A_72 : i32
    %mul3A_74 = arith.constant 53248 : i32
    %mul3A_75 = arith.muli %arg0, %mul3A_74 : i32
    %mul3A_76 = arith.constant 3328 : i32
    %mul3A_77 = arith.muli %arg1, %mul3A_76 : i32
    %add3A_78 = arith.addi %mul3A_75, %mul3A_77 : i32
    "tpu.region"() ({
      %run_scoped3A = tpu.sem_alloc : memref<!tpu.dma_semaphore, #tpu.memory_space<semaphore_mem>>
      %dma_start3A = tpu.memref_slice %arg6[%add3A_78] : memref<106496xf32, #tpu.memory_space<hbm>> -> memref<3328xf32, #tpu.memory_space<hbm>>
      %dma_start3A_84 = tpu.memref_slice %arg8[%mul3A_73] : memref<53248xf32, #tpu.memory_space<vmem_shared>> -> memref<3328xf32, #tpu.memory_space<vmem_shared>>
      tpu.enqueue_dma source(%dma_start3A_84 : memref<3328xf32, #tpu.memory_space<vmem_shared>>) target(%dma_start3A : memref<3328xf32, #tpu.memory_space<hbm>>) target_semaphore(%run_scoped3A : memref<!tpu.dma_semaphore, #tpu.memory_space<semaphore_mem>>)
      %dma_wait3A = tpu.memref_slice %arg6[%add3A_78] : memref<106496xf32, #tpu.memory_space<hbm>> -> memref<3328xf32, #tpu.memory_space<hbm>>
      %dma_wait3A_85 = tpu.memref_slice %arg8[%mul3A_73] : memref<53248xf32, #tpu.memory_space<vmem_shared>> -> memref<3328xf32, #tpu.memory_space<vmem_shared>>
      tpu.wait_dma2 semaphore(%run_scoped3A : memref<!tpu.dma_semaphore, #tpu.memory_space<semaphore_mem>>) src(%dma_wait3A_85 : memref<3328xf32, #tpu.memory_space<vmem_shared>>) dst(%dma_wait3A : memref<3328xf32, #tpu.memory_space<hbm>>)
      tpu.yield
    }) : () -> ()
    %lt3A_79 = arith.constant 8 : i32
    %lt3A_80 = arith.cmpi slt, %arg1, %lt3A_79 : i32
    %convert_element_type3A_81 = arith.extui %lt3A_80 : i1 to i32
    %cond3A_82 = arith.constant 0 : i32
    %cond3A_83 = arith.cmpi ne, %convert_element_type3A_81, %cond3A_82 : i32
    scf.if %cond3A_83 {
      %mul3A_84 = arith.constant 128 : i32
      %mul3A_85 = arith.muli %arg1, %mul3A_84 : i32
      %mul3A_86 = arith.constant 1024 : i32
      %mul3A_87 = arith.muli %arg0, %mul3A_86 : i32
      %mul3A_88 = arith.constant 128 : i32
      %mul3A_89 = arith.muli %arg1, %mul3A_88 : i32
      %add3A_90 = arith.addi %mul3A_87, %mul3A_89 : i32
      "tpu.region"() ({
        %run_scoped3A = tpu.sem_alloc : memref<!tpu.dma_semaphore, #tpu.memory_space<semaphore_mem>>
        %dma_start3A = tpu.memref_slice %arg7[%add3A_90] : memref<2048xf32, #tpu.memory_space<hbm>> -> memref<128xf32, #tpu.memory_space<hbm>>
        %dma_start3A_91 = tpu.memref_slice %arg9[%mul3A_85] : memref<1024xf32, #tpu.memory_space<vmem_shared>> -> memref<128xf32, #tpu.memory_space<vmem_shared>>
        tpu.enqueue_dma source(%dma_start3A_91 : memref<128xf32, #tpu.memory_space<vmem_shared>>) target(%dma_start3A : memref<128xf32, #tpu.memory_space<hbm>>) target_semaphore(%run_scoped3A : memref<!tpu.dma_semaphore, #tpu.memory_space<semaphore_mem>>)
        %dma_wait3A = tpu.memref_slice %arg7[%add3A_90] : memref<2048xf32, #tpu.memory_space<hbm>> -> memref<128xf32, #tpu.memory_space<hbm>>
        %dma_wait3A_92 = tpu.memref_slice %arg9[%mul3A_85] : memref<1024xf32, #tpu.memory_space<vmem_shared>> -> memref<128xf32, #tpu.memory_space<vmem_shared>>
        tpu.wait_dma2 semaphore(%run_scoped3A : memref<!tpu.dma_semaphore, #tpu.memory_space<semaphore_mem>>) src(%dma_wait3A_92 : memref<128xf32, #tpu.memory_space<vmem_shared>>) dst(%dma_wait3A : memref<128xf32, #tpu.memory_space<hbm>>)
        tpu.yield
      }) : () -> ()
    } else {
    }
    return
  }
}

#map = affine_map<(d0, d1) -> (0, 0)>
module attributes {stable_mosaic.version = 14 : i64} {
  func.func @_pool_kernel(%arg0: i32, %arg1: i32, %arg2: memref<53248x64xf32, #tpu.memory_space<hbm>>, %arg3: memref<416x128xi32, #tpu.memory_space<hbm>>, %arg4: memref<1024x64xf32, #tpu.memory_space<hbm>>, %arg5: memref<2048x64xf32, #tpu.memory_space<hbm>>, %arg6: memref<1024x64xf32, #tpu.memory_space<vmem_shared>>, %arg7: memref<128x64xf32, #tpu.memory_space<vmem>>, %arg8: memref<16x128xi32, #tpu.memory_space<vmem>>) attributes {dimension_semantics = [#tpu.dimension_semantics<core_parallel>, #tpu.dimension_semantics<subcore_parallel>], iteration_bounds = array<i64: 2, 16>, scalar_prefetch = 0 : i64, scratch_operands = 3 : i64, tpu.core_type = #tpu.core_type<sc_vector_subcore>, window_params = [{transform_indices = #map}, {transform_indices = #map}, {transform_indices = #map}, {transform_indices = #map}]} {
    %mul3A = arith.constant 16 : i32
    %mul3A_0 = arith.muli %arg0, %mul3A : i32
    %add3A = arith.addi %mul3A_0, %arg1 : i32
    %mul3A_1 = arith.constant 64 : i32
    %mul3A_2 = arith.muli %arg1, %mul3A_1 : i32
    %mul3A_3 = arith.constant 64 : i32
    %mul3A_4 = arith.muli %arg1, %mul3A_3 : i32
    "tpu.region"() ({
      %run_scoped3A = tpu.sem_alloc : memref<!tpu.dma_semaphore, #tpu.memory_space<semaphore_mem>>
      %dma_start3A = arith.constant 0 : i32
      %dma_start3A_20 = tpu.memref_slice %arg6[%mul3A_4, %dma_start3A] : memref<1024x64xf32, #tpu.memory_space<vmem_shared>> -> memref<64x64xf32, #tpu.memory_space<vmem_shared>>
      %dma_start3A_21 = arith.constant 0 : i32
      %dma_start3A_22 = tpu.memref_slice %arg4[%mul3A_2, %dma_start3A_21] : memref<1024x64xf32, #tpu.memory_space<hbm>> -> memref<64x64xf32, #tpu.memory_space<hbm>>
      tpu.enqueue_dma source(%dma_start3A_22 : memref<64x64xf32, #tpu.memory_space<hbm>>) target(%dma_start3A_20 : memref<64x64xf32, #tpu.memory_space<vmem_shared>>) target_semaphore(%run_scoped3A : memref<!tpu.dma_semaphore, #tpu.memory_space<semaphore_mem>>)
      %dma_wait3A = arith.constant 0 : i32
      %dma_wait3A_23 = tpu.memref_slice %arg6[%mul3A_4, %dma_wait3A] : memref<1024x64xf32, #tpu.memory_space<vmem_shared>> -> memref<64x64xf32, #tpu.memory_space<vmem_shared>>
      %dma_wait3A_24 = arith.constant 0 : i32
      %dma_wait3A_25 = tpu.memref_slice %arg4[%mul3A_2, %dma_wait3A_24] : memref<1024x64xf32, #tpu.memory_space<hbm>> -> memref<64x64xf32, #tpu.memory_space<hbm>>
      tpu.wait_dma2 semaphore(%run_scoped3A : memref<!tpu.dma_semaphore, #tpu.memory_space<semaphore_mem>>) src(%dma_wait3A_25 : memref<64x64xf32, #tpu.memory_space<hbm>>) dst(%dma_wait3A_23 : memref<64x64xf32, #tpu.memory_space<vmem_shared>>)
      tpu.yield
    }) : () -> ()
    %lt3A = arith.constant 26 : i32
    %lt3A_5 = arith.cmpi slt, %add3A, %lt3A : i32
    %convert_element_type3A = arith.extui %lt3A_5 : i1 to i32
    %cond3A = arith.constant 0 : i32
    %cond3A_6 = arith.cmpi ne, %convert_element_type3A, %cond3A : i32
    scf.if %cond3A_6 {
      %mul3A_20 = arith.constant 16 : i32
      %mul3A_21 = arith.muli %add3A, %mul3A_20 : i32
      "tpu.region"() ({
        %run_scoped3A = tpu.sem_alloc : memref<!tpu.dma_semaphore, #tpu.memory_space<semaphore_mem>>
        %dma_start3A = arith.constant 0 : i32
        %dma_start3A_22 = tpu.memref_slice %arg3[%mul3A_21, %dma_start3A] : memref<416x128xi32, #tpu.memory_space<hbm>> -> memref<16x128xi32, #tpu.memory_space<hbm>>
        %dma_start3A_23 = arith.constant 0 : i32
        %dma_start3A_24 = tpu.memref_slice %arg3[%mul3A_21, %dma_start3A_23] : memref<416x128xi32, #tpu.memory_space<hbm>> -> memref<16x128xi32, #tpu.memory_space<hbm>>
        tpu.enqueue_dma source(%dma_start3A_24 : memref<16x128xi32, #tpu.memory_space<hbm>>) target(%arg8 : memref<16x128xi32, #tpu.memory_space<vmem>>) target_semaphore(%run_scoped3A : memref<!tpu.dma_semaphore, #tpu.memory_space<semaphore_mem>>)
        %dma_wait3A = arith.constant 0 : i32
        %dma_wait3A_25 = tpu.memref_slice %arg3[%mul3A_21, %dma_wait3A] : memref<416x128xi32, #tpu.memory_space<hbm>> -> memref<16x128xi32, #tpu.memory_space<hbm>>
        %dma_wait3A_26 = arith.constant 0 : i32
        %dma_wait3A_27 = tpu.memref_slice %arg3[%mul3A_21, %dma_wait3A_26] : memref<416x128xi32, #tpu.memory_space<hbm>> -> memref<16x128xi32, #tpu.memory_space<hbm>>
        tpu.wait_dma2 semaphore(%run_scoped3A : memref<!tpu.dma_semaphore, #tpu.memory_space<semaphore_mem>>) src(%dma_wait3A_27 : memref<16x128xi32, #tpu.memory_space<hbm>>) dst(%arg8 : memref<16x128xi32, #tpu.memory_space<vmem>>)
        tpu.yield
      }) : () -> ()
    } else {
    }
    %barrier3A = arith.constant 0 : index
    tpu.barrier barrier_id(%barrier3A)
    %lt3A_7 = arith.constant 26 : i32
    %lt3A_8 = arith.cmpi slt, %add3A, %lt3A_7 : i32
    %convert_element_type3A_9 = arith.extui %lt3A_8 : i1 to i32
    %cond3A_10 = arith.constant 0 : i32
    %cond3A_11 = arith.cmpi ne, %convert_element_type3A_9, %cond3A_10 : i32
    scf.if %cond3A_11 {
      %mul3A_20 = arith.constant 16 : i32
      %mul3A_21 = arith.muli %add3A, %mul3A_20 : i32
      %mul3A_22 = arith.constant 128 : i32
      %mul3A_23 = arith.muli %mul3A_21, %mul3A_22 : i32
      %scan3A = arith.constant 0 : i32
      %scan3A_24 = arith.constant 16 : i32
      %scan3A_25 = arith.addi %scan3A, %scan3A_24 : i32
      %scan3A_26 = arith.constant 1 : i32
      scf.for %scan3A_28 = %scan3A to %scan3A_25 step %scan3A_26  : i32 {
        %mul3A_29 = arith.constant 1 : i32
        %mul3A_30 = arith.muli %scan3A_28, %mul3A_29 : i32
        %add3A_31 = arith.constant 0 : i32
        %add3A_32 = arith.addi %add3A_31, %mul3A_30 : i32
        %mul3A_33 = arith.constant 128 : i32
        %mul3A_34 = arith.muli %add3A_32, %mul3A_33 : i32
        %add3A_35 = arith.addi %mul3A_23, %mul3A_34 : i32
        "tpu.region"() ({
          %run_scoped3A = tpu.sem_alloc : memref<!tpu.dma_semaphore, #tpu.memory_space<semaphore_mem>>
          %dma_start3A = arith.constant 0 : i32
          %dma_start3A_36 = tpu.memref_slice %arg2[%add3A_35, %dma_start3A] : memref<53248x64xf32, #tpu.memory_space<hbm>> -> memref<128x64xf32, #tpu.memory_space<hbm>>
          %dma_start3A_37 = arith.constant 0 : i32
          %dma_start3A_38 = tpu.memref_slice %arg2[%add3A_35, %dma_start3A_37] : memref<53248x64xf32, #tpu.memory_space<hbm>> -> memref<128x64xf32, #tpu.memory_space<hbm>>
          tpu.enqueue_dma source(%dma_start3A_38 : memref<128x64xf32, #tpu.memory_space<hbm>>) target(%arg7 : memref<128x64xf32, #tpu.memory_space<vmem>>) target_semaphore(%run_scoped3A : memref<!tpu.dma_semaphore, #tpu.memory_space<semaphore_mem>>)
          %dma_wait3A = arith.constant 0 : i32
          %dma_wait3A_39 = tpu.memref_slice %arg2[%add3A_35, %dma_wait3A] : memref<53248x64xf32, #tpu.memory_space<hbm>> -> memref<128x64xf32, #tpu.memory_space<hbm>>
          %dma_wait3A_40 = arith.constant 0 : i32
          %dma_wait3A_41 = tpu.memref_slice %arg2[%add3A_35, %dma_wait3A_40] : memref<53248x64xf32, #tpu.memory_space<hbm>> -> memref<128x64xf32, #tpu.memory_space<hbm>>
          tpu.wait_dma2 semaphore(%run_scoped3A : memref<!tpu.dma_semaphore, #tpu.memory_space<semaphore_mem>>) src(%dma_wait3A_41 : memref<128x64xf32, #tpu.memory_space<hbm>>) dst(%arg7 : memref<128x64xf32, #tpu.memory_space<vmem>>)
          tpu.yield
        }) : () -> ()
        "tpu.region"() ({
          %run_scoped3A = tpu.sem_alloc : memref<!tpu.dma_semaphore, #tpu.memory_space<semaphore_mem>>
          %dma_start3A = arith.constant 0 : i32
          %dma_start3A_36 = tpu.memref_slice %arg8[%add3A_32, %dma_start3A] : memref<16x128xi32, #tpu.memory_space<vmem>> -> memref<1x128xi32, #tpu.memory_space<vmem>>
          %dma_start3A_37 = tpu.memref_squeeze %dma_start3A_36 : memref<1x128xi32, #tpu.memory_space<vmem>> -> memref<128xi32, #tpu.memory_space<vmem>>
          %dma_start3A_38 = arith.constant 0 : i32
          %dma_start3A_39 = arith.constant 0 : i32
          %dma_start3A_40 = tpu.memref_slice %arg6[%dma_start3A_38, %dma_start3A_39] : memref<1024x64xf32, #tpu.memory_space<vmem_shared>> -> memref<1024x64xf32, #tpu.memory_space<vmem_shared>>
          tpu.enqueue_indirect_dma source(%arg7 : memref<128x64xf32, #tpu.memory_space<vmem>>) target(%dma_start3A_40 : memref<1024x64xf32, #tpu.memory_space<vmem_shared>>) offsets(%dma_start3A_37 : memref<128xi32, #tpu.memory_space<vmem>>) semaphore(%run_scoped3A : memref<!tpu.dma_semaphore, #tpu.memory_space<semaphore_mem>>) {add = true}
          %dma_wait3A = arith.constant 0 : i32
          %dma_wait3A_41 = tpu.memref_slice %arg8[%add3A_32, %dma_wait3A] : memref<16x128xi32, #tpu.memory_space<vmem>> -> memref<1x128xi32, #tpu.memory_space<vmem>>
          %dma_wait3A_42 = tpu.memref_squeeze %dma_wait3A_41 : memref<1x128xi32, #tpu.memory_space<vmem>> -> memref<128xi32, #tpu.memory_space<vmem>>
          %dma_wait3A_43 = arith.constant 0 : i32
          %dma_wait3A_44 = arith.constant 0 : i32
          %dma_wait3A_45 = tpu.memref_slice %arg6[%dma_wait3A_43, %dma_wait3A_44] : memref<1024x64xf32, #tpu.memory_space<vmem_shared>> -> memref<1024x64xf32, #tpu.memory_space<vmem_shared>>
          tpu.wait_indirect_dma semaphore(%run_scoped3A : memref<!tpu.dma_semaphore, #tpu.memory_space<semaphore_mem>>) src(%arg7 : memref<128x64xf32, #tpu.memory_space<vmem>>) dst(%dma_wait3A_45 : memref<1024x64xf32, #tpu.memory_space<vmem_shared>>)
          tpu.yield
        }) : () -> ()
      }
      %scan3A_27 = arith.constant 16 : i32
    } else {
    }
    %barrier3A_12 = arith.constant 0 : index
    tpu.barrier barrier_id(%barrier3A_12)
    %mul3A_13 = arith.constant 64 : i32
    %mul3A_14 = arith.muli %arg1, %mul3A_13 : i32
    %mul3A_15 = arith.constant 1024 : i32
    %mul3A_16 = arith.muli %arg0, %mul3A_15 : i32
    %mul3A_17 = arith.constant 64 : i32
    %mul3A_18 = arith.muli %arg1, %mul3A_17 : i32
    %add3A_19 = arith.addi %mul3A_16, %mul3A_18 : i32
    "tpu.region"() ({
      %run_scoped3A = tpu.sem_alloc : memref<!tpu.dma_semaphore, #tpu.memory_space<semaphore_mem>>
      %dma_start3A = arith.constant 0 : i32
      %dma_start3A_20 = tpu.memref_slice %arg5[%add3A_19, %dma_start3A] : memref<2048x64xf32, #tpu.memory_space<hbm>> -> memref<64x64xf32, #tpu.memory_space<hbm>>
      %dma_start3A_21 = arith.constant 0 : i32
      %dma_start3A_22 = tpu.memref_slice %arg6[%mul3A_14, %dma_start3A_21] : memref<1024x64xf32, #tpu.memory_space<vmem_shared>> -> memref<64x64xf32, #tpu.memory_space<vmem_shared>>
      tpu.enqueue_dma source(%dma_start3A_22 : memref<64x64xf32, #tpu.memory_space<vmem_shared>>) target(%dma_start3A_20 : memref<64x64xf32, #tpu.memory_space<hbm>>) target_semaphore(%run_scoped3A : memref<!tpu.dma_semaphore, #tpu.memory_space<semaphore_mem>>)
      %dma_wait3A = arith.constant 0 : i32
      %dma_wait3A_23 = tpu.memref_slice %arg5[%add3A_19, %dma_wait3A] : memref<2048x64xf32, #tpu.memory_space<hbm>> -> memref<64x64xf32, #tpu.memory_space<hbm>>
      %dma_wait3A_24 = arith.constant 0 : i32
      %dma_wait3A_25 = tpu.memref_slice %arg6[%mul3A_14, %dma_wait3A_24] : memref<1024x64xf32, #tpu.memory_space<vmem_shared>> -> memref<64x64xf32, #tpu.memory_space<vmem_shared>>
      tpu.wait_dma2 semaphore(%run_scoped3A : memref<!tpu.dma_semaphore, #tpu.memory_space<semaphore_mem>>) src(%dma_wait3A_25 : memref<64x64xf32, #tpu.memory_space<vmem_shared>>) dst(%dma_wait3A_23 : memref<64x64xf32, #tpu.memory_space<hbm>>)
      tpu.yield
    }) : () -> ()
    return
  }
}

#map = affine_map<(d0, d1) -> (0, 0)>
module attributes {stable_mosaic.version = 14 : i64} {
  func.func @_agg_kernel(%arg0: i32, %arg1: i32, %arg2: memref<106496x32xf32, #tpu.memory_space<hbm>>, %arg3: memref<12800x128xi32, #tpu.memory_space<hbm>>, %arg4: memref<6400x128xi32, #tpu.memory_space<hbm>>, %arg5: memref<106496x32xf32, #tpu.memory_space<hbm>>, %arg6: memref<53248x32xf32, #tpu.memory_space<vmem_shared>>, %arg7: memref<40x128xi32, #tpu.memory_space<vmem>>, %arg8: memref<40x128xi32, #tpu.memory_space<vmem>>, %arg9: memref<256x32xf32, #tpu.memory_space<vmem>>, %arg10: memref<!tpu.dma_semaphore, #tpu.memory_space<semaphore_mem>>, %arg11: memref<!tpu.dma_semaphore, #tpu.memory_space<semaphore_mem>>) attributes {dimension_semantics = [#tpu.dimension_semantics<core_parallel>, #tpu.dimension_semantics<subcore_parallel>], iteration_bounds = array<i64: 2, 16>, scalar_prefetch = 0 : i64, scratch_operands = 6 : i64, tpu.core_type = #tpu.core_type<sc_vector_subcore>, window_params = [{transform_indices = #map}, {transform_indices = #map}, {transform_indices = #map}, {transform_indices = #map}]} {
    %mul3A = arith.constant 53248 : i32
    %mul3A_0 = arith.muli %arg0, %mul3A : i32
    %mul3A_1 = arith.constant 3328 : i32
    %mul3A_2 = arith.muli %arg1, %mul3A_1 : i32
    %add3A = arith.addi %mul3A_0, %mul3A_2 : i32
    %mul3A_3 = arith.constant 3328 : i32
    %mul3A_4 = arith.muli %arg1, %mul3A_3 : i32
    "tpu.region"() ({
      %run_scoped3A = tpu.sem_alloc : memref<!tpu.dma_semaphore, #tpu.memory_space<semaphore_mem>>
      %dma_start3A = arith.constant 0 : i32
      %dma_start3A_17 = tpu.memref_slice %arg6[%mul3A_4, %dma_start3A] : memref<53248x32xf32, #tpu.memory_space<vmem_shared>> -> memref<3328x32xf32, #tpu.memory_space<vmem_shared>>
      %dma_start3A_18 = arith.constant 0 : i32
      %dma_start3A_19 = tpu.memref_slice %arg2[%add3A, %dma_start3A_18] : memref<106496x32xf32, #tpu.memory_space<hbm>> -> memref<3328x32xf32, #tpu.memory_space<hbm>>
      tpu.enqueue_dma source(%dma_start3A_19 : memref<3328x32xf32, #tpu.memory_space<hbm>>) target(%dma_start3A_17 : memref<3328x32xf32, #tpu.memory_space<vmem_shared>>) target_semaphore(%run_scoped3A : memref<!tpu.dma_semaphore, #tpu.memory_space<semaphore_mem>>)
      %dma_wait3A = arith.constant 0 : i32
      %dma_wait3A_20 = tpu.memref_slice %arg6[%mul3A_4, %dma_wait3A] : memref<53248x32xf32, #tpu.memory_space<vmem_shared>> -> memref<3328x32xf32, #tpu.memory_space<vmem_shared>>
      %dma_wait3A_21 = arith.constant 0 : i32
      %dma_wait3A_22 = tpu.memref_slice %arg2[%add3A, %dma_wait3A_21] : memref<106496x32xf32, #tpu.memory_space<hbm>> -> memref<3328x32xf32, #tpu.memory_space<hbm>>
      tpu.wait_dma2 semaphore(%run_scoped3A : memref<!tpu.dma_semaphore, #tpu.memory_space<semaphore_mem>>) src(%dma_wait3A_22 : memref<3328x32xf32, #tpu.memory_space<hbm>>) dst(%dma_wait3A_20 : memref<3328x32xf32, #tpu.memory_space<vmem_shared>>)
      tpu.yield
    }) : () -> ()
    %barrier3A = arith.constant 0 : index
    tpu.barrier barrier_id(%barrier3A)
    %scan3A = arith.constant 0 : i32
    %scan3A_5 = arith.constant 10 : i32
    %scan3A_6 = arith.addi %scan3A, %scan3A_5 : i32
    %scan3A_7 = arith.constant 1 : i32
    scf.for %scan3A_17 = %scan3A to %scan3A_6 step %scan3A_7  : i32 {
      %mul3A_18 = arith.constant 1 : i32
      %mul3A_19 = arith.muli %scan3A_17, %mul3A_18 : i32
      %add3A_20 = arith.constant 0 : i32
      %add3A_21 = arith.addi %add3A_20, %mul3A_19 : i32
      %mul3A_22 = arith.constant 400 : i32
      %mul3A_23 = arith.muli %arg1, %mul3A_22 : i32
      %mul3A_24 = arith.constant 40 : i32
      %mul3A_25 = arith.muli %add3A_21, %mul3A_24 : i32
      %add3A_26 = arith.addi %mul3A_23, %mul3A_25 : i32
      %mul3A_27 = arith.constant 6400 : i32
      %mul3A_28 = arith.muli %arg0, %mul3A_27 : i32
      %add3A_29 = arith.addi %mul3A_28, %add3A_26 : i32
      "tpu.region"() ({
        %run_scoped3A = tpu.sem_alloc : memref<!tpu.dma_semaphore, #tpu.memory_space<semaphore_mem>>
        %dma_start3A_44 = arith.constant 0 : i32
        %dma_start3A_45 = tpu.memref_slice %arg3[%add3A_29, %dma_start3A_44] : memref<12800x128xi32, #tpu.memory_space<hbm>> -> memref<40x128xi32, #tpu.memory_space<hbm>>
        %dma_start3A_46 = arith.constant 0 : i32
        %dma_start3A_47 = tpu.memref_slice %arg3[%add3A_29, %dma_start3A_46] : memref<12800x128xi32, #tpu.memory_space<hbm>> -> memref<40x128xi32, #tpu.memory_space<hbm>>
        tpu.enqueue_dma source(%dma_start3A_47 : memref<40x128xi32, #tpu.memory_space<hbm>>) target(%arg7 : memref<40x128xi32, #tpu.memory_space<vmem>>) target_semaphore(%run_scoped3A : memref<!tpu.dma_semaphore, #tpu.memory_space<semaphore_mem>>)
        %dma_wait3A = arith.constant 0 : i32
        %dma_wait3A_48 = tpu.memref_slice %arg3[%add3A_29, %dma_wait3A] : memref<12800x128xi32, #tpu.memory_space<hbm>> -> memref<40x128xi32, #tpu.memory_space<hbm>>
        %dma_wait3A_49 = arith.constant 0 : i32
        %dma_wait3A_50 = tpu.memref_slice %arg3[%add3A_29, %dma_wait3A_49] : memref<12800x128xi32, #tpu.memory_space<hbm>> -> memref<40x128xi32, #tpu.memory_space<hbm>>
        tpu.wait_dma2 semaphore(%run_scoped3A : memref<!tpu.dma_semaphore, #tpu.memory_space<semaphore_mem>>) src(%dma_wait3A_50 : memref<40x128xi32, #tpu.memory_space<hbm>>) dst(%arg7 : memref<40x128xi32, #tpu.memory_space<vmem>>)
        tpu.yield
      }) : () -> ()
      "tpu.region"() ({
        %run_scoped3A = tpu.sem_alloc : memref<!tpu.dma_semaphore, #tpu.memory_space<semaphore_mem>>
        %dma_start3A_44 = arith.constant 0 : i32
        %dma_start3A_45 = tpu.memref_slice %arg4[%add3A_26, %dma_start3A_44] : memref<6400x128xi32, #tpu.memory_space<hbm>> -> memref<40x128xi32, #tpu.memory_space<hbm>>
        %dma_start3A_46 = arith.constant 0 : i32
        %dma_start3A_47 = tpu.memref_slice %arg4[%add3A_26, %dma_start3A_46] : memref<6400x128xi32, #tpu.memory_space<hbm>> -> memref<40x128xi32, #tpu.memory_space<hbm>>
        tpu.enqueue_dma source(%dma_start3A_47 : memref<40x128xi32, #tpu.memory_space<hbm>>) target(%arg8 : memref<40x128xi32, #tpu.memory_space<vmem>>) target_semaphore(%run_scoped3A : memref<!tpu.dma_semaphore, #tpu.memory_space<semaphore_mem>>)
        %dma_wait3A = arith.constant 0 : i32
        %dma_wait3A_48 = tpu.memref_slice %arg4[%add3A_26, %dma_wait3A] : memref<6400x128xi32, #tpu.memory_space<hbm>> -> memref<40x128xi32, #tpu.memory_space<hbm>>
        %dma_wait3A_49 = arith.constant 0 : i32
        %dma_wait3A_50 = tpu.memref_slice %arg4[%add3A_26, %dma_wait3A_49] : memref<6400x128xi32, #tpu.memory_space<hbm>> -> memref<40x128xi32, #tpu.memory_space<hbm>>
        tpu.wait_dma2 semaphore(%run_scoped3A : memref<!tpu.dma_semaphore, #tpu.memory_space<semaphore_mem>>) src(%dma_wait3A_50 : memref<40x128xi32, #tpu.memory_space<hbm>>) dst(%arg8 : memref<40x128xi32, #tpu.memory_space<vmem>>)
        tpu.yield
      }) : () -> ()
      %dma_start3A = arith.constant 0 : i32
      %dma_start3A_30 = arith.constant 0 : i32
      %dma_start3A_31 = arith.constant 0 : i32
      %dma_start3A_32 = tpu.memref_slice %arg9[%dma_start3A_30, %dma_start3A_31] : memref<256x32xf32, #tpu.memory_space<vmem>> -> memref<128x32xf32, #tpu.memory_space<vmem>>
      %dma_start3A_33 = arith.constant 0 : i32
      %dma_start3A_34 = tpu.memref_slice %arg7[%dma_start3A, %dma_start3A_33] : memref<40x128xi32, #tpu.memory_space<vmem>> -> memref<1x128xi32, #tpu.memory_space<vmem>>
      %dma_start3A_35 = tpu.memref_squeeze %dma_start3A_34 : memref<1x128xi32, #tpu.memory_space<vmem>> -> memref<128xi32, #tpu.memory_space<vmem>>
      %dma_start3A_36 = arith.constant 0 : i32
      %dma_start3A_37 = arith.constant 0 : i32
      %dma_start3A_38 = tpu.memref_slice %arg2[%dma_start3A_36, %dma_start3A_37] : memref<106496x32xf32, #tpu.memory_space<hbm>> -> memref<106496x32xf32, #tpu.memory_space<hbm>>
      tpu.enqueue_indirect_dma source(%dma_start3A_38 : memref<106496x32xf32, #tpu.memory_space<hbm>>) target(%dma_start3A_32 : memref<128x32xf32, #tpu.memory_space<vmem>>) offsets(%dma_start3A_35 : memref<128xi32, #tpu.memory_space<vmem>>) semaphore(%arg10 : memref<!tpu.dma_semaphore, #tpu.memory_space<semaphore_mem>>)
      %scan3A_39 = arith.constant 0 : i32
      %scan3A_40 = arith.constant 20 : i32
      %scan3A_41 = arith.addi %scan3A_39, %scan3A_40 : i32
      %scan3A_42 = arith.constant 1 : i32
      scf.for %scan3A_44 = %scan3A_39 to %scan3A_41 step %scan3A_42  : i32 {
        %mul3A_45 = arith.constant 1 : i32
        %mul3A_46 = arith.muli %scan3A_44, %mul3A_45 : i32
        %add3A_47 = arith.constant 0 : i32
        %add3A_48 = arith.addi %add3A_47, %mul3A_46 : i32
        %mul3A_49 = arith.constant 2 : i32
        %mul3A_50 = arith.muli %mul3A_49, %add3A_48 : i32
        %add3A_51 = arith.constant 1 : i32
        %add3A_52 = arith.addi %mul3A_50, %add3A_51 : i32
        %dma_start3A_53 = arith.constant 128 : i32
        %dma_start3A_54 = arith.constant 0 : i32
        %dma_start3A_55 = tpu.memref_slice %arg9[%dma_start3A_53, %dma_start3A_54] : memref<256x32xf32, #tpu.memory_space<vmem>> -> memref<128x32xf32, #tpu.memory_space<vmem>>
        %dma_start3A_56 = arith.constant 0 : i32
        %dma_start3A_57 = tpu.memref_slice %arg7[%add3A_52, %dma_start3A_56] : memref<40x128xi32, #tpu.memory_space<vmem>> -> memref<1x128xi32, #tpu.memory_space<vmem>>
        %dma_start3A_58 = tpu.memref_squeeze %dma_start3A_57 : memref<1x128xi32, #tpu.memory_space<vmem>> -> memref<128xi32, #tpu.memory_space<vmem>>
        %dma_start3A_59 = arith.constant 0 : i32
        %dma_start3A_60 = arith.constant 0 : i32
        %dma_start3A_61 = tpu.memref_slice %arg2[%dma_start3A_59, %dma_start3A_60] : memref<106496x32xf32, #tpu.memory_space<hbm>> -> memref<106496x32xf32, #tpu.memory_space<hbm>>
        tpu.enqueue_indirect_dma source(%dma_start3A_61 : memref<106496x32xf32, #tpu.memory_space<hbm>>) target(%dma_start3A_55 : memref<128x32xf32, #tpu.memory_space<vmem>>) offsets(%dma_start3A_58 : memref<128xi32, #tpu.memory_space<vmem>>) semaphore(%arg11 : memref<!tpu.dma_semaphore, #tpu.memory_space<semaphore_mem>>)
        %dma_wait3A = arith.constant 0 : i32
        %dma_wait3A_62 = arith.constant 0 : i32
        %dma_wait3A_63 = tpu.memref_slice %arg9[%dma_wait3A, %dma_wait3A_62] : memref<256x32xf32, #tpu.memory_space<vmem>> -> memref<128x32xf32, #tpu.memory_space<vmem>>
        %dma_wait3A_64 = arith.constant 0 : i32
        %dma_wait3A_65 = tpu.memref_slice %arg7[%mul3A_50, %dma_wait3A_64] : memref<40x128xi32, #tpu.memory_space<vmem>> -> memref<1x128xi32, #tpu.memory_space<vmem>>
        %dma_wait3A_66 = tpu.memref_squeeze %dma_wait3A_65 : memref<1x128xi32, #tpu.memory_space<vmem>> -> memref<128xi32, #tpu.memory_space<vmem>>
        %dma_wait3A_67 = arith.constant 0 : i32
        %dma_wait3A_68 = arith.constant 0 : i32
        %dma_wait3A_69 = tpu.memref_slice %arg2[%dma_wait3A_67, %dma_wait3A_68] : memref<106496x32xf32, #tpu.memory_space<hbm>> -> memref<106496x32xf32, #tpu.memory_space<hbm>>
        tpu.wait_indirect_dma semaphore(%arg10 : memref<!tpu.dma_semaphore, #tpu.memory_space<semaphore_mem>>) src(%dma_wait3A_69 : memref<106496x32xf32, #tpu.memory_space<hbm>>) dst(%dma_wait3A_63 : memref<128x32xf32, #tpu.memory_space<vmem>>)
        "tpu.region"() ({
          %run_scoped3A = tpu.sem_alloc : memref<!tpu.dma_semaphore, #tpu.memory_space<semaphore_mem>>
          %dma_start3A_85 = arith.constant 0 : i32
          %dma_start3A_86 = arith.constant 0 : i32
          %dma_start3A_87 = tpu.memref_slice %arg9[%dma_start3A_85, %dma_start3A_86] : memref<256x32xf32, #tpu.memory_space<vmem>> -> memref<128x32xf32, #tpu.memory_space<vmem>>
          %dma_start3A_88 = arith.constant 0 : i32
          %dma_start3A_89 = tpu.memref_slice %arg8[%mul3A_50, %dma_start3A_88] : memref<40x128xi32, #tpu.memory_space<vmem>> -> memref<1x128xi32, #tpu.memory_space<vmem>>
          %dma_start3A_90 = tpu.memref_squeeze %dma_start3A_89 : memref<1x128xi32, #tpu.memory_space<vmem>> -> memref<128xi32, #tpu.memory_space<vmem>>
          %dma_start3A_91 = arith.constant 0 : i32
          %dma_start3A_92 = arith.constant 0 : i32
          %dma_start3A_93 = tpu.memref_slice %arg6[%dma_start3A_91, %dma_start3A_92] : memref<53248x32xf32, #tpu.memory_space<vmem_shared>> -> memref<53248x32xf32, #tpu.memory_space<vmem_shared>>
          tpu.enqueue_indirect_dma source(%dma_start3A_87 : memref<128x32xf32, #tpu.memory_space<vmem>>) target(%dma_start3A_93 : memref<53248x32xf32, #tpu.memory_space<vmem_shared>>) offsets(%dma_start3A_90 : memref<128xi32, #tpu.memory_space<vmem>>) semaphore(%run_scoped3A : memref<!tpu.dma_semaphore, #tpu.memory_space<semaphore_mem>>) {add = true}
          %dma_wait3A_94 = arith.constant 0 : i32
          %dma_wait3A_95 = arith.constant 0 : i32
          %dma_wait3A_96 = tpu.memref_slice %arg9[%dma_wait3A_94, %dma_wait3A_95] : memref<256x32xf32, #tpu.memory_space<vmem>> -> memref<128x32xf32, #tpu.memory_space<vmem>>
          %dma_wait3A_97 = arith.constant 0 : i32
          %dma_wait3A_98 = tpu.memref_slice %arg8[%mul3A_50, %dma_wait3A_97] : memref<40x128xi32, #tpu.memory_space<vmem>> -> memref<1x128xi32, #tpu.memory_space<vmem>>
          %dma_wait3A_99 = tpu.memref_squeeze %dma_wait3A_98 : memref<1x128xi32, #tpu.memory_space<vmem>> -> memref<128xi32, #tpu.memory_space<vmem>>
          %dma_wait3A_100 = arith.constant 0 : i32
          %dma_wait3A_101 = arith.constant 0 : i32
          %dma_wait3A_102 = tpu.memref_slice %arg6[%dma_wait3A_100, %dma_wait3A_101] : memref<53248x32xf32, #tpu.memory_space<vmem_shared>> -> memref<53248x32xf32, #tpu.memory_space<vmem_shared>>
          tpu.wait_indirect_dma semaphore(%run_scoped3A : memref<!tpu.dma_semaphore, #tpu.memory_space<semaphore_mem>>) src(%dma_wait3A_96 : memref<128x32xf32, #tpu.memory_space<vmem>>) dst(%dma_wait3A_102 : memref<53248x32xf32, #tpu.memory_space<vmem_shared>>)
          tpu.yield
        }) : () -> ()
        %lt3A = arith.constant 19 : i32
        %lt3A_70 = arith.cmpi slt, %add3A_48, %lt3A : i32
        %convert_element_type3A = arith.extui %lt3A_70 : i1 to i32
        %cond3A = arith.constant 0 : i32
        %cond3A_71 = arith.cmpi ne, %convert_element_type3A, %cond3A : i32
        scf.if %cond3A_71 {
          %add3A_85 = arith.constant 2 : i32
          %add3A_86 = arith.addi %mul3A_50, %add3A_85 : i32
          %dma_start3A_87 = arith.constant 0 : i32
          %dma_start3A_88 = arith.constant 0 : i32
          %dma_start3A_89 = tpu.memref_slice %arg9[%dma_start3A_87, %dma_start3A_88] : memref<256x32xf32, #tpu.memory_space<vmem>> -> memref<128x32xf32, #tpu.memory_space<vmem>>
          %dma_start3A_90 = arith.constant 0 : i32
          %dma_start3A_91 = tpu.memref_slice %arg7[%add3A_86, %dma_start3A_90] : memref<40x128xi32, #tpu.memory_space<vmem>> -> memref<1x128xi32, #tpu.memory_space<vmem>>
          %dma_start3A_92 = tpu.memref_squeeze %dma_start3A_91 : memref<1x128xi32, #tpu.memory_space<vmem>> -> memref<128xi32, #tpu.memory_space<vmem>>
          %dma_start3A_93 = arith.constant 0 : i32
          %dma_start3A_94 = arith.constant 0 : i32
          %dma_start3A_95 = tpu.memref_slice %arg2[%dma_start3A_93, %dma_start3A_94] : memref<106496x32xf32, #tpu.memory_space<hbm>> -> memref<106496x32xf32, #tpu.memory_space<hbm>>
          tpu.enqueue_indirect_dma source(%dma_start3A_95 : memref<106496x32xf32, #tpu.memory_space<hbm>>) target(%dma_start3A_89 : memref<128x32xf32, #tpu.memory_space<vmem>>) offsets(%dma_start3A_92 : memref<128xi32, #tpu.memory_space<vmem>>) semaphore(%arg10 : memref<!tpu.dma_semaphore, #tpu.memory_space<semaphore_mem>>)
        } else {
        }
        %add3A_72 = arith.constant 1 : i32
        %add3A_73 = arith.addi %mul3A_50, %add3A_72 : i32
        %dma_wait3A_74 = arith.constant 128 : i32
        %dma_wait3A_75 = arith.constant 0 : i32
        %dma_wait3A_76 = tpu.memref_slice %arg9[%dma_wait3A_74, %dma_wait3A_75] : memref<256x32xf32, #tpu.memory_space<vmem>> -> memref<128x32xf32, #tpu.memory_space<vmem>>
        %dma_wait3A_77 = arith.constant 0 : i32
        %dma_wait3A_78 = tpu.memref_slice %arg7[%add3A_73, %dma_wait3A_77] : memref<40x128xi32, #tpu.memory_space<vmem>> -> memref<1x128xi32, #tpu.memory_space<vmem>>
        %dma_wait3A_79 = tpu.memref_squeeze %dma_wait3A_78 : memref<1x128xi32, #tpu.memory_space<vmem>> -> memref<128xi32, #tpu.memory_space<vmem>>
        %dma_wait3A_80 = arith.constant 0 : i32
        %dma_wait3A_81 = arith.constant 0 : i32
        %dma_wait3A_82 = tpu.memref_slice %arg2[%dma_wait3A_80, %dma_wait3A_81] : memref<106496x32xf32, #tpu.memory_space<hbm>> -> memref<106496x32xf32, #tpu.memory_space<hbm>>
        tpu.wait_indirect_dma semaphore(%arg11 : memref<!tpu.dma_semaphore, #tpu.memory_space<semaphore_mem>>) src(%dma_wait3A_82 : memref<106496x32xf32, #tpu.memory_space<hbm>>) dst(%dma_wait3A_76 : memref<128x32xf32, #tpu.memory_space<vmem>>)
        %add3A_83 = arith.constant 1 : i32
        %add3A_84 = arith.addi %mul3A_50, %add3A_83 : i32
        "tpu.region"() ({
          %run_scoped3A = tpu.sem_alloc : memref<!tpu.dma_semaphore, #tpu.memory_space<semaphore_mem>>
          %dma_start3A_85 = arith.constant 128 : i32
          %dma_start3A_86 = arith.constant 0 : i32
          %dma_start3A_87 = tpu.memref_slice %arg9[%dma_start3A_85, %dma_start3A_86] : memref<256x32xf32, #tpu.memory_space<vmem>> -> memref<128x32xf32, #tpu.memory_space<vmem>>
          %dma_start3A_88 = arith.constant 0 : i32
          %dma_start3A_89 = tpu.memref_slice %arg8[%add3A_84, %dma_start3A_88] : memref<40x128xi32, #tpu.memory_space<vmem>> -> memref<1x128xi32, #tpu.memory_space<vmem>>
          %dma_start3A_90 = tpu.memref_squeeze %dma_start3A_89 : memref<1x128xi32, #tpu.memory_space<vmem>> -> memref<128xi32, #tpu.memory_space<vmem>>
          %dma_start3A_91 = arith.constant 0 : i32
          %dma_start3A_92 = arith.constant 0 : i32
          %dma_start3A_93 = tpu.memref_slice %arg6[%dma_start3A_91, %dma_start3A_92] : memref<53248x32xf32, #tpu.memory_space<vmem_shared>> -> memref<53248x32xf32, #tpu.memory_space<vmem_shared>>
          tpu.enqueue_indirect_dma source(%dma_start3A_87 : memref<128x32xf32, #tpu.memory_space<vmem>>) target(%dma_start3A_93 : memref<53248x32xf32, #tpu.memory_space<vmem_shared>>) offsets(%dma_start3A_90 : memref<128xi32, #tpu.memory_space<vmem>>) semaphore(%run_scoped3A : memref<!tpu.dma_semaphore, #tpu.memory_space<semaphore_mem>>) {add = true}
          %dma_wait3A_94 = arith.constant 128 : i32
          %dma_wait3A_95 = arith.constant 0 : i32
          %dma_wait3A_96 = tpu.memref_slice %arg9[%dma_wait3A_94, %dma_wait3A_95] : memref<256x32xf32, #tpu.memory_space<vmem>> -> memref<128x32xf32, #tpu.memory_space<vmem>>
          %dma_wait3A_97 = arith.constant 0 : i32
          %dma_wait3A_98 = tpu.memref_slice %arg8[%add3A_84, %dma_wait3A_97] : memref<40x128xi32, #tpu.memory_space<vmem>> -> memref<1x128xi32, #tpu.memory_space<vmem>>
          %dma_wait3A_99 = tpu.memref_squeeze %dma_wait3A_98 : memref<1x128xi32, #tpu.memory_space<vmem>> -> memref<128xi32, #tpu.memory_space<vmem>>
          %dma_wait3A_100 = arith.constant 0 : i32
          %dma_wait3A_101 = arith.constant 0 : i32
          %dma_wait3A_102 = tpu.memref_slice %arg6[%dma_wait3A_100, %dma_wait3A_101] : memref<53248x32xf32, #tpu.memory_space<vmem_shared>> -> memref<53248x32xf32, #tpu.memory_space<vmem_shared>>
          tpu.wait_indirect_dma semaphore(%run_scoped3A : memref<!tpu.dma_semaphore, #tpu.memory_space<semaphore_mem>>) src(%dma_wait3A_96 : memref<128x32xf32, #tpu.memory_space<vmem>>) dst(%dma_wait3A_102 : memref<53248x32xf32, #tpu.memory_space<vmem_shared>>)
          tpu.yield
        }) : () -> ()
      }
      %scan3A_43 = arith.constant 20 : i32
    }
    %scan3A_8 = arith.constant 10 : i32
    %barrier3A_9 = arith.constant 0 : index
    tpu.barrier barrier_id(%barrier3A_9)
    %mul3A_10 = arith.constant 3328 : i32
    %mul3A_11 = arith.muli %arg1, %mul3A_10 : i32
    %mul3A_12 = arith.constant 53248 : i32
    %mul3A_13 = arith.muli %arg0, %mul3A_12 : i32
    %mul3A_14 = arith.constant 3328 : i32
    %mul3A_15 = arith.muli %arg1, %mul3A_14 : i32
    %add3A_16 = arith.addi %mul3A_13, %mul3A_15 : i32
    "tpu.region"() ({
      %run_scoped3A = tpu.sem_alloc : memref<!tpu.dma_semaphore, #tpu.memory_space<semaphore_mem>>
      %dma_start3A = arith.constant 0 : i32
      %dma_start3A_17 = tpu.memref_slice %arg5[%add3A_16, %dma_start3A] : memref<106496x32xf32, #tpu.memory_space<hbm>> -> memref<3328x32xf32, #tpu.memory_space<hbm>>
      %dma_start3A_18 = arith.constant 0 : i32
      %dma_start3A_19 = tpu.memref_slice %arg6[%mul3A_11, %dma_start3A_18] : memref<53248x32xf32, #tpu.memory_space<vmem_shared>> -> memref<3328x32xf32, #tpu.memory_space<vmem_shared>>
      tpu.enqueue_dma source(%dma_start3A_19 : memref<3328x32xf32, #tpu.memory_space<vmem_shared>>) target(%dma_start3A_17 : memref<3328x32xf32, #tpu.memory_space<hbm>>) target_semaphore(%run_scoped3A : memref<!tpu.dma_semaphore, #tpu.memory_space<semaphore_mem>>)
      %dma_wait3A = arith.constant 0 : i32
      %dma_wait3A_20 = tpu.memref_slice %arg5[%add3A_16, %dma_wait3A] : memref<106496x32xf32, #tpu.memory_space<hbm>> -> memref<3328x32xf32, #tpu.memory_space<hbm>>
      %dma_wait3A_21 = arith.constant 0 : i32
      %dma_wait3A_22 = tpu.memref_slice %arg6[%mul3A_11, %dma_wait3A_21] : memref<53248x32xf32, #tpu.memory_space<vmem_shared>> -> memref<3328x32xf32, #tpu.memory_space<vmem_shared>>
      tpu.wait_dma2 semaphore(%run_scoped3A : memref<!tpu.dma_semaphore, #tpu.memory_space<semaphore_mem>>) src(%dma_wait3A_22 : memref<3328x32xf32, #tpu.memory_space<vmem_shared>>) dst(%dma_wait3A_20 : memref<3328x32xf32, #tpu.memory_space<hbm>>)
      tpu.yield
    }) : () -> ()
    return
  }
}

#map = affine_map<(d0, d1) -> (0, 0)>
module attributes {stable_mosaic.version = 14 : i64} {
  func.func @_agg_kernel(%arg0: i32, %arg1: i32, %arg2: memref<106496x32xf32, #tpu.memory_space<hbm>>, %arg3: memref<12800x128xi32, #tpu.memory_space<hbm>>, %arg4: memref<6400x128xi32, #tpu.memory_space<hbm>>, %arg5: memref<106496x32xf32, #tpu.memory_space<hbm>>, %arg6: memref<53248x32xf32, #tpu.memory_space<vmem_shared>>, %arg7: memref<40x128xi32, #tpu.memory_space<vmem>>, %arg8: memref<40x128xi32, #tpu.memory_space<vmem>>, %arg9: memref<256x32xf32, #tpu.memory_space<vmem>>, %arg10: memref<!tpu.dma_semaphore, #tpu.memory_space<semaphore_mem>>, %arg11: memref<!tpu.dma_semaphore, #tpu.memory_space<semaphore_mem>>) attributes {dimension_semantics = [#tpu.dimension_semantics<core_parallel>, #tpu.dimension_semantics<subcore_parallel>], iteration_bounds = array<i64: 2, 16>, scalar_prefetch = 0 : i64, scratch_operands = 6 : i64, tpu.core_type = #tpu.core_type<sc_vector_subcore>, window_params = [{transform_indices = #map}, {transform_indices = #map}, {transform_indices = #map}, {transform_indices = #map}]} {
    %mul3A = arith.constant 53248 : i32
    %mul3A_0 = arith.muli %arg0, %mul3A : i32
    %mul3A_1 = arith.constant 3328 : i32
    %mul3A_2 = arith.muli %arg1, %mul3A_1 : i32
    %add3A = arith.addi %mul3A_0, %mul3A_2 : i32
    %mul3A_3 = arith.constant 3328 : i32
    %mul3A_4 = arith.muli %arg1, %mul3A_3 : i32
    "tpu.region"() ({
      %run_scoped3A = tpu.sem_alloc : memref<!tpu.dma_semaphore, #tpu.memory_space<semaphore_mem>>
      %dma_start3A = arith.constant 0 : i32
      %dma_start3A_17 = tpu.memref_slice %arg6[%mul3A_4, %dma_start3A] : memref<53248x32xf32, #tpu.memory_space<vmem_shared>> -> memref<3328x32xf32, #tpu.memory_space<vmem_shared>>
      %dma_start3A_18 = arith.constant 0 : i32
      %dma_start3A_19 = tpu.memref_slice %arg2[%add3A, %dma_start3A_18] : memref<106496x32xf32, #tpu.memory_space<hbm>> -> memref<3328x32xf32, #tpu.memory_space<hbm>>
      tpu.enqueue_dma source(%dma_start3A_19 : memref<3328x32xf32, #tpu.memory_space<hbm>>) target(%dma_start3A_17 : memref<3328x32xf32, #tpu.memory_space<vmem_shared>>) target_semaphore(%run_scoped3A : memref<!tpu.dma_semaphore, #tpu.memory_space<semaphore_mem>>)
      %dma_wait3A = arith.constant 0 : i32
      %dma_wait3A_20 = tpu.memref_slice %arg6[%mul3A_4, %dma_wait3A] : memref<53248x32xf32, #tpu.memory_space<vmem_shared>> -> memref<3328x32xf32, #tpu.memory_space<vmem_shared>>
      %dma_wait3A_21 = arith.constant 0 : i32
      %dma_wait3A_22 = tpu.memref_slice %arg2[%add3A, %dma_wait3A_21] : memref<106496x32xf32, #tpu.memory_space<hbm>> -> memref<3328x32xf32, #tpu.memory_space<hbm>>
      tpu.wait_dma2 semaphore(%run_scoped3A : memref<!tpu.dma_semaphore, #tpu.memory_space<semaphore_mem>>) src(%dma_wait3A_22 : memref<3328x32xf32, #tpu.memory_space<hbm>>) dst(%dma_wait3A_20 : memref<3328x32xf32, #tpu.memory_space<vmem_shared>>)
      tpu.yield
    }) : () -> ()
    %barrier3A = arith.constant 0 : index
    tpu.barrier barrier_id(%barrier3A)
    %scan3A = arith.constant 0 : i32
    %scan3A_5 = arith.constant 10 : i32
    %scan3A_6 = arith.addi %scan3A, %scan3A_5 : i32
    %scan3A_7 = arith.constant 1 : i32
    scf.for %scan3A_17 = %scan3A to %scan3A_6 step %scan3A_7  : i32 {
      %mul3A_18 = arith.constant 1 : i32
      %mul3A_19 = arith.muli %scan3A_17, %mul3A_18 : i32
      %add3A_20 = arith.constant 0 : i32
      %add3A_21 = arith.addi %add3A_20, %mul3A_19 : i32
      %mul3A_22 = arith.constant 400 : i32
      %mul3A_23 = arith.muli %arg1, %mul3A_22 : i32
      %mul3A_24 = arith.constant 40 : i32
      %mul3A_25 = arith.muli %add3A_21, %mul3A_24 : i32
      %add3A_26 = arith.addi %mul3A_23, %mul3A_25 : i32
      %mul3A_27 = arith.constant 6400 : i32
      %mul3A_28 = arith.muli %arg0, %mul3A_27 : i32
      %add3A_29 = arith.addi %mul3A_28, %add3A_26 : i32
      "tpu.region"() ({
        %run_scoped3A = tpu.sem_alloc : memref<!tpu.dma_semaphore, #tpu.memory_space<semaphore_mem>>
        %dma_start3A_44 = arith.constant 0 : i32
        %dma_start3A_45 = tpu.memref_slice %arg3[%add3A_29, %dma_start3A_44] : memref<12800x128xi32, #tpu.memory_space<hbm>> -> memref<40x128xi32, #tpu.memory_space<hbm>>
        %dma_start3A_46 = arith.constant 0 : i32
        %dma_start3A_47 = tpu.memref_slice %arg3[%add3A_29, %dma_start3A_46] : memref<12800x128xi32, #tpu.memory_space<hbm>> -> memref<40x128xi32, #tpu.memory_space<hbm>>
        tpu.enqueue_dma source(%dma_start3A_47 : memref<40x128xi32, #tpu.memory_space<hbm>>) target(%arg7 : memref<40x128xi32, #tpu.memory_space<vmem>>) target_semaphore(%run_scoped3A : memref<!tpu.dma_semaphore, #tpu.memory_space<semaphore_mem>>)
        %dma_wait3A = arith.constant 0 : i32
        %dma_wait3A_48 = tpu.memref_slice %arg3[%add3A_29, %dma_wait3A] : memref<12800x128xi32, #tpu.memory_space<hbm>> -> memref<40x128xi32, #tpu.memory_space<hbm>>
        %dma_wait3A_49 = arith.constant 0 : i32
        %dma_wait3A_50 = tpu.memref_slice %arg3[%add3A_29, %dma_wait3A_49] : memref<12800x128xi32, #tpu.memory_space<hbm>> -> memref<40x128xi32, #tpu.memory_space<hbm>>
        tpu.wait_dma2 semaphore(%run_scoped3A : memref<!tpu.dma_semaphore, #tpu.memory_space<semaphore_mem>>) src(%dma_wait3A_50 : memref<40x128xi32, #tpu.memory_space<hbm>>) dst(%arg7 : memref<40x128xi32, #tpu.memory_space<vmem>>)
        tpu.yield
      }) : () -> ()
      "tpu.region"() ({
        %run_scoped3A = tpu.sem_alloc : memref<!tpu.dma_semaphore, #tpu.memory_space<semaphore_mem>>
        %dma_start3A_44 = arith.constant 0 : i32
        %dma_start3A_45 = tpu.memref_slice %arg4[%add3A_26, %dma_start3A_44] : memref<6400x128xi32, #tpu.memory_space<hbm>> -> memref<40x128xi32, #tpu.memory_space<hbm>>
        %dma_start3A_46 = arith.constant 0 : i32
        %dma_start3A_47 = tpu.memref_slice %arg4[%add3A_26, %dma_start3A_46] : memref<6400x128xi32, #tpu.memory_space<hbm>> -> memref<40x128xi32, #tpu.memory_space<hbm>>
        tpu.enqueue_dma source(%dma_start3A_47 : memref<40x128xi32, #tpu.memory_space<hbm>>) target(%arg8 : memref<40x128xi32, #tpu.memory_space<vmem>>) target_semaphore(%run_scoped3A : memref<!tpu.dma_semaphore, #tpu.memory_space<semaphore_mem>>)
        %dma_wait3A = arith.constant 0 : i32
        %dma_wait3A_48 = tpu.memref_slice %arg4[%add3A_26, %dma_wait3A] : memref<6400x128xi32, #tpu.memory_space<hbm>> -> memref<40x128xi32, #tpu.memory_space<hbm>>
        %dma_wait3A_49 = arith.constant 0 : i32
        %dma_wait3A_50 = tpu.memref_slice %arg4[%add3A_26, %dma_wait3A_49] : memref<6400x128xi32, #tpu.memory_space<hbm>> -> memref<40x128xi32, #tpu.memory_space<hbm>>
        tpu.wait_dma2 semaphore(%run_scoped3A : memref<!tpu.dma_semaphore, #tpu.memory_space<semaphore_mem>>) src(%dma_wait3A_50 : memref<40x128xi32, #tpu.memory_space<hbm>>) dst(%arg8 : memref<40x128xi32, #tpu.memory_space<vmem>>)
        tpu.yield
      }) : () -> ()
      %dma_start3A = arith.constant 0 : i32
      %dma_start3A_30 = arith.constant 0 : i32
      %dma_start3A_31 = arith.constant 0 : i32
      %dma_start3A_32 = tpu.memref_slice %arg9[%dma_start3A_30, %dma_start3A_31] : memref<256x32xf32, #tpu.memory_space<vmem>> -> memref<128x32xf32, #tpu.memory_space<vmem>>
      %dma_start3A_33 = arith.constant 0 : i32
      %dma_start3A_34 = tpu.memref_slice %arg7[%dma_start3A, %dma_start3A_33] : memref<40x128xi32, #tpu.memory_space<vmem>> -> memref<1x128xi32, #tpu.memory_space<vmem>>
      %dma_start3A_35 = tpu.memref_squeeze %dma_start3A_34 : memref<1x128xi32, #tpu.memory_space<vmem>> -> memref<128xi32, #tpu.memory_space<vmem>>
      %dma_start3A_36 = arith.constant 0 : i32
      %dma_start3A_37 = arith.constant 0 : i32
      %dma_start3A_38 = tpu.memref_slice %arg2[%dma_start3A_36, %dma_start3A_37] : memref<106496x32xf32, #tpu.memory_space<hbm>> -> memref<106496x32xf32, #tpu.memory_space<hbm>>
      tpu.enqueue_indirect_dma source(%dma_start3A_38 : memref<106496x32xf32, #tpu.memory_space<hbm>>) target(%dma_start3A_32 : memref<128x32xf32, #tpu.memory_space<vmem>>) offsets(%dma_start3A_35 : memref<128xi32, #tpu.memory_space<vmem>>) semaphore(%arg10 : memref<!tpu.dma_semaphore, #tpu.memory_space<semaphore_mem>>)
      %scan3A_39 = arith.constant 0 : i32
      %scan3A_40 = arith.constant 20 : i32
      %scan3A_41 = arith.addi %scan3A_39, %scan3A_40 : i32
      %scan3A_42 = arith.constant 1 : i32
      scf.for %scan3A_44 = %scan3A_39 to %scan3A_41 step %scan3A_42  : i32 {
        %mul3A_45 = arith.constant 1 : i32
        %mul3A_46 = arith.muli %scan3A_44, %mul3A_45 : i32
        %add3A_47 = arith.constant 0 : i32
        %add3A_48 = arith.addi %add3A_47, %mul3A_46 : i32
        %mul3A_49 = arith.constant 2 : i32
        %mul3A_50 = arith.muli %mul3A_49, %add3A_48 : i32
        %add3A_51 = arith.constant 1 : i32
        %add3A_52 = arith.addi %mul3A_50, %add3A_51 : i32
        %dma_start3A_53 = arith.constant 128 : i32
        %dma_start3A_54 = arith.constant 0 : i32
        %dma_start3A_55 = tpu.memref_slice %arg9[%dma_start3A_53, %dma_start3A_54] : memref<256x32xf32, #tpu.memory_space<vmem>> -> memref<128x32xf32, #tpu.memory_space<vmem>>
        %dma_start3A_56 = arith.constant 0 : i32
        %dma_start3A_57 = tpu.memref_slice %arg7[%add3A_52, %dma_start3A_56] : memref<40x128xi32, #tpu.memory_space<vmem>> -> memref<1x128xi32, #tpu.memory_space<vmem>>
        %dma_start3A_58 = tpu.memref_squeeze %dma_start3A_57 : memref<1x128xi32, #tpu.memory_space<vmem>> -> memref<128xi32, #tpu.memory_space<vmem>>
        %dma_start3A_59 = arith.constant 0 : i32
        %dma_start3A_60 = arith.constant 0 : i32
        %dma_start3A_61 = tpu.memref_slice %arg2[%dma_start3A_59, %dma_start3A_60] : memref<106496x32xf32, #tpu.memory_space<hbm>> -> memref<106496x32xf32, #tpu.memory_space<hbm>>
        tpu.enqueue_indirect_dma source(%dma_start3A_61 : memref<106496x32xf32, #tpu.memory_space<hbm>>) target(%dma_start3A_55 : memref<128x32xf32, #tpu.memory_space<vmem>>) offsets(%dma_start3A_58 : memref<128xi32, #tpu.memory_space<vmem>>) semaphore(%arg11 : memref<!tpu.dma_semaphore, #tpu.memory_space<semaphore_mem>>)
        %dma_wait3A = arith.constant 0 : i32
        %dma_wait3A_62 = arith.constant 0 : i32
        %dma_wait3A_63 = tpu.memref_slice %arg9[%dma_wait3A, %dma_wait3A_62] : memref<256x32xf32, #tpu.memory_space<vmem>> -> memref<128x32xf32, #tpu.memory_space<vmem>>
        %dma_wait3A_64 = arith.constant 0 : i32
        %dma_wait3A_65 = tpu.memref_slice %arg7[%mul3A_50, %dma_wait3A_64] : memref<40x128xi32, #tpu.memory_space<vmem>> -> memref<1x128xi32, #tpu.memory_space<vmem>>
        %dma_wait3A_66 = tpu.memref_squeeze %dma_wait3A_65 : memref<1x128xi32, #tpu.memory_space<vmem>> -> memref<128xi32, #tpu.memory_space<vmem>>
        %dma_wait3A_67 = arith.constant 0 : i32
        %dma_wait3A_68 = arith.constant 0 : i32
        %dma_wait3A_69 = tpu.memref_slice %arg2[%dma_wait3A_67, %dma_wait3A_68] : memref<106496x32xf32, #tpu.memory_space<hbm>> -> memref<106496x32xf32, #tpu.memory_space<hbm>>
        tpu.wait_indirect_dma semaphore(%arg10 : memref<!tpu.dma_semaphore, #tpu.memory_space<semaphore_mem>>) src(%dma_wait3A_69 : memref<106496x32xf32, #tpu.memory_space<hbm>>) dst(%dma_wait3A_63 : memref<128x32xf32, #tpu.memory_space<vmem>>)
        "tpu.region"() ({
          %run_scoped3A = tpu.sem_alloc : memref<!tpu.dma_semaphore, #tpu.memory_space<semaphore_mem>>
          %dma_start3A_85 = arith.constant 0 : i32
          %dma_start3A_86 = arith.constant 0 : i32
          %dma_start3A_87 = tpu.memref_slice %arg9[%dma_start3A_85, %dma_start3A_86] : memref<256x32xf32, #tpu.memory_space<vmem>> -> memref<128x32xf32, #tpu.memory_space<vmem>>
          %dma_start3A_88 = arith.constant 0 : i32
          %dma_start3A_89 = tpu.memref_slice %arg8[%mul3A_50, %dma_start3A_88] : memref<40x128xi32, #tpu.memory_space<vmem>> -> memref<1x128xi32, #tpu.memory_space<vmem>>
          %dma_start3A_90 = tpu.memref_squeeze %dma_start3A_89 : memref<1x128xi32, #tpu.memory_space<vmem>> -> memref<128xi32, #tpu.memory_space<vmem>>
          %dma_start3A_91 = arith.constant 0 : i32
          %dma_start3A_92 = arith.constant 0 : i32
          %dma_start3A_93 = tpu.memref_slice %arg6[%dma_start3A_91, %dma_start3A_92] : memref<53248x32xf32, #tpu.memory_space<vmem_shared>> -> memref<53248x32xf32, #tpu.memory_space<vmem_shared>>
          tpu.enqueue_indirect_dma source(%dma_start3A_87 : memref<128x32xf32, #tpu.memory_space<vmem>>) target(%dma_start3A_93 : memref<53248x32xf32, #tpu.memory_space<vmem_shared>>) offsets(%dma_start3A_90 : memref<128xi32, #tpu.memory_space<vmem>>) semaphore(%run_scoped3A : memref<!tpu.dma_semaphore, #tpu.memory_space<semaphore_mem>>) {add = true}
          %dma_wait3A_94 = arith.constant 0 : i32
          %dma_wait3A_95 = arith.constant 0 : i32
          %dma_wait3A_96 = tpu.memref_slice %arg9[%dma_wait3A_94, %dma_wait3A_95] : memref<256x32xf32, #tpu.memory_space<vmem>> -> memref<128x32xf32, #tpu.memory_space<vmem>>
          %dma_wait3A_97 = arith.constant 0 : i32
          %dma_wait3A_98 = tpu.memref_slice %arg8[%mul3A_50, %dma_wait3A_97] : memref<40x128xi32, #tpu.memory_space<vmem>> -> memref<1x128xi32, #tpu.memory_space<vmem>>
          %dma_wait3A_99 = tpu.memref_squeeze %dma_wait3A_98 : memref<1x128xi32, #tpu.memory_space<vmem>> -> memref<128xi32, #tpu.memory_space<vmem>>
          %dma_wait3A_100 = arith.constant 0 : i32
          %dma_wait3A_101 = arith.constant 0 : i32
          %dma_wait3A_102 = tpu.memref_slice %arg6[%dma_wait3A_100, %dma_wait3A_101] : memref<53248x32xf32, #tpu.memory_space<vmem_shared>> -> memref<53248x32xf32, #tpu.memory_space<vmem_shared>>
          tpu.wait_indirect_dma semaphore(%run_scoped3A : memref<!tpu.dma_semaphore, #tpu.memory_space<semaphore_mem>>) src(%dma_wait3A_96 : memref<128x32xf32, #tpu.memory_space<vmem>>) dst(%dma_wait3A_102 : memref<53248x32xf32, #tpu.memory_space<vmem_shared>>)
          tpu.yield
        }) : () -> ()
        %lt3A = arith.constant 19 : i32
        %lt3A_70 = arith.cmpi slt, %add3A_48, %lt3A : i32
        %convert_element_type3A = arith.extui %lt3A_70 : i1 to i32
        %cond3A = arith.constant 0 : i32
        %cond3A_71 = arith.cmpi ne, %convert_element_type3A, %cond3A : i32
        scf.if %cond3A_71 {
          %add3A_85 = arith.constant 2 : i32
          %add3A_86 = arith.addi %mul3A_50, %add3A_85 : i32
          %dma_start3A_87 = arith.constant 0 : i32
          %dma_start3A_88 = arith.constant 0 : i32
          %dma_start3A_89 = tpu.memref_slice %arg9[%dma_start3A_87, %dma_start3A_88] : memref<256x32xf32, #tpu.memory_space<vmem>> -> memref<128x32xf32, #tpu.memory_space<vmem>>
          %dma_start3A_90 = arith.constant 0 : i32
          %dma_start3A_91 = tpu.memref_slice %arg7[%add3A_86, %dma_start3A_90] : memref<40x128xi32, #tpu.memory_space<vmem>> -> memref<1x128xi32, #tpu.memory_space<vmem>>
          %dma_start3A_92 = tpu.memref_squeeze %dma_start3A_91 : memref<1x128xi32, #tpu.memory_space<vmem>> -> memref<128xi32, #tpu.memory_space<vmem>>
          %dma_start3A_93 = arith.constant 0 : i32
          %dma_start3A_94 = arith.constant 0 : i32
          %dma_start3A_95 = tpu.memref_slice %arg2[%dma_start3A_93, %dma_start3A_94] : memref<106496x32xf32, #tpu.memory_space<hbm>> -> memref<106496x32xf32, #tpu.memory_space<hbm>>
          tpu.enqueue_indirect_dma source(%dma_start3A_95 : memref<106496x32xf32, #tpu.memory_space<hbm>>) target(%dma_start3A_89 : memref<128x32xf32, #tpu.memory_space<vmem>>) offsets(%dma_start3A_92 : memref<128xi32, #tpu.memory_space<vmem>>) semaphore(%arg10 : memref<!tpu.dma_semaphore, #tpu.memory_space<semaphore_mem>>)
        } else {
        }
        %add3A_72 = arith.constant 1 : i32
        %add3A_73 = arith.addi %mul3A_50, %add3A_72 : i32
        %dma_wait3A_74 = arith.constant 128 : i32
        %dma_wait3A_75 = arith.constant 0 : i32
        %dma_wait3A_76 = tpu.memref_slice %arg9[%dma_wait3A_74, %dma_wait3A_75] : memref<256x32xf32, #tpu.memory_space<vmem>> -> memref<128x32xf32, #tpu.memory_space<vmem>>
        %dma_wait3A_77 = arith.constant 0 : i32
        %dma_wait3A_78 = tpu.memref_slice %arg7[%add3A_73, %dma_wait3A_77] : memref<40x128xi32, #tpu.memory_space<vmem>> -> memref<1x128xi32, #tpu.memory_space<vmem>>
        %dma_wait3A_79 = tpu.memref_squeeze %dma_wait3A_78 : memref<1x128xi32, #tpu.memory_space<vmem>> -> memref<128xi32, #tpu.memory_space<vmem>>
        %dma_wait3A_80 = arith.constant 0 : i32
        %dma_wait3A_81 = arith.constant 0 : i32
        %dma_wait3A_82 = tpu.memref_slice %arg2[%dma_wait3A_80, %dma_wait3A_81] : memref<106496x32xf32, #tpu.memory_space<hbm>> -> memref<106496x32xf32, #tpu.memory_space<hbm>>
        tpu.wait_indirect_dma semaphore(%arg11 : memref<!tpu.dma_semaphore, #tpu.memory_space<semaphore_mem>>) src(%dma_wait3A_82 : memref<106496x32xf32, #tpu.memory_space<hbm>>) dst(%dma_wait3A_76 : memref<128x32xf32, #tpu.memory_space<vmem>>)
        %add3A_83 = arith.constant 1 : i32
        %add3A_84 = arith.addi %mul3A_50, %add3A_83 : i32
        "tpu.region"() ({
          %run_scoped3A = tpu.sem_alloc : memref<!tpu.dma_semaphore, #tpu.memory_space<semaphore_mem>>
          %dma_start3A_85 = arith.constant 128 : i32
          %dma_start3A_86 = arith.constant 0 : i32
          %dma_start3A_87 = tpu.memref_slice %arg9[%dma_start3A_85, %dma_start3A_86] : memref<256x32xf32, #tpu.memory_space<vmem>> -> memref<128x32xf32, #tpu.memory_space<vmem>>
          %dma_start3A_88 = arith.constant 0 : i32
          %dma_start3A_89 = tpu.memref_slice %arg8[%add3A_84, %dma_start3A_88] : memref<40x128xi32, #tpu.memory_space<vmem>> -> memref<1x128xi32, #tpu.memory_space<vmem>>
          %dma_start3A_90 = tpu.memref_squeeze %dma_start3A_89 : memref<1x128xi32, #tpu.memory_space<vmem>> -> memref<128xi32, #tpu.memory_space<vmem>>
          %dma_start3A_91 = arith.constant 0 : i32
          %dma_start3A_92 = arith.constant 0 : i32
          %dma_start3A_93 = tpu.memref_slice %arg6[%dma_start3A_91, %dma_start3A_92] : memref<53248x32xf32, #tpu.memory_space<vmem_shared>> -> memref<53248x32xf32, #tpu.memory_space<vmem_shared>>
          tpu.enqueue_indirect_dma source(%dma_start3A_87 : memref<128x32xf32, #tpu.memory_space<vmem>>) target(%dma_start3A_93 : memref<53248x32xf32, #tpu.memory_space<vmem_shared>>) offsets(%dma_start3A_90 : memref<128xi32, #tpu.memory_space<vmem>>) semaphore(%run_scoped3A : memref<!tpu.dma_semaphore, #tpu.memory_space<semaphore_mem>>) {add = true}
          %dma_wait3A_94 = arith.constant 128 : i32
          %dma_wait3A_95 = arith.constant 0 : i32
          %dma_wait3A_96 = tpu.memref_slice %arg9[%dma_wait3A_94, %dma_wait3A_95] : memref<256x32xf32, #tpu.memory_space<vmem>> -> memref<128x32xf32, #tpu.memory_space<vmem>>
          %dma_wait3A_97 = arith.constant 0 : i32
          %dma_wait3A_98 = tpu.memref_slice %arg8[%add3A_84, %dma_wait3A_97] : memref<40x128xi32, #tpu.memory_space<vmem>> -> memref<1x128xi32, #tpu.memory_space<vmem>>
          %dma_wait3A_99 = tpu.memref_squeeze %dma_wait3A_98 : memref<1x128xi32, #tpu.memory_space<vmem>> -> memref<128xi32, #tpu.memory_space<vmem>>
          %dma_wait3A_100 = arith.constant 0 : i32
          %dma_wait3A_101 = arith.constant 0 : i32
          %dma_wait3A_102 = tpu.memref_slice %arg6[%dma_wait3A_100, %dma_wait3A_101] : memref<53248x32xf32, #tpu.memory_space<vmem_shared>> -> memref<53248x32xf32, #tpu.memory_space<vmem_shared>>
          tpu.wait_indirect_dma semaphore(%run_scoped3A : memref<!tpu.dma_semaphore, #tpu.memory_space<semaphore_mem>>) src(%dma_wait3A_96 : memref<128x32xf32, #tpu.memory_space<vmem>>) dst(%dma_wait3A_102 : memref<53248x32xf32, #tpu.memory_space<vmem_shared>>)
          tpu.yield
        }) : () -> ()
      }
      %scan3A_43 = arith.constant 20 : i32
    }
    %scan3A_8 = arith.constant 10 : i32
    %barrier3A_9 = arith.constant 0 : index
    tpu.barrier barrier_id(%barrier3A_9)
    %mul3A_10 = arith.constant 3328 : i32
    %mul3A_11 = arith.muli %arg1, %mul3A_10 : i32
    %mul3A_12 = arith.constant 53248 : i32
    %mul3A_13 = arith.muli %arg0, %mul3A_12 : i32
    %mul3A_14 = arith.constant 3328 : i32
    %mul3A_15 = arith.muli %arg1, %mul3A_14 : i32
    %add3A_16 = arith.addi %mul3A_13, %mul3A_15 : i32
    "tpu.region"() ({
      %run_scoped3A = tpu.sem_alloc : memref<!tpu.dma_semaphore, #tpu.memory_space<semaphore_mem>>
      %dma_start3A = arith.constant 0 : i32
      %dma_start3A_17 = tpu.memref_slice %arg5[%add3A_16, %dma_start3A] : memref<106496x32xf32, #tpu.memory_space<hbm>> -> memref<3328x32xf32, #tpu.memory_space<hbm>>
      %dma_start3A_18 = arith.constant 0 : i32
      %dma_start3A_19 = tpu.memref_slice %arg6[%mul3A_11, %dma_start3A_18] : memref<53248x32xf32, #tpu.memory_space<vmem_shared>> -> memref<3328x32xf32, #tpu.memory_space<vmem_shared>>
      tpu.enqueue_dma source(%dma_start3A_19 : memref<3328x32xf32, #tpu.memory_space<vmem_shared>>) target(%dma_start3A_17 : memref<3328x32xf32, #tpu.memory_space<hbm>>) target_semaphore(%run_scoped3A : memref<!tpu.dma_semaphore, #tpu.memory_space<semaphore_mem>>)
      %dma_wait3A = arith.constant 0 : i32
      %dma_wait3A_20 = tpu.memref_slice %arg5[%add3A_16, %dma_wait3A] : memref<106496x32xf32, #tpu.memory_space<hbm>> -> memref<3328x32xf32, #tpu.memory_space<hbm>>
      %dma_wait3A_21 = arith.constant 0 : i32
      %dma_wait3A_22 = tpu.memref_slice %arg6[%mul3A_11, %dma_wait3A_21] : memref<53248x32xf32, #tpu.memory_space<vmem_shared>> -> memref<3328x32xf32, #tpu.memory_space<vmem_shared>>
      tpu.wait_dma2 semaphore(%run_scoped3A : memref<!tpu.dma_semaphore, #tpu.memory_space<semaphore_mem>>) src(%dma_wait3A_22 : memref<3328x32xf32, #tpu.memory_space<vmem_shared>>) dst(%dma_wait3A_20 : memref<3328x32xf32, #tpu.memory_space<hbm>>)
      tpu.yield
    }) : () -> ()
    return
  }
}

#map = affine_map<(d0, d1) -> (0, 0)>
module attributes {stable_mosaic.version = 14 : i64} {
  func.func @_pool_kernel(%arg0: i32, %arg1: i32, %arg2: memref<53248x64xf32, #tpu.memory_space<hbm>>, %arg3: memref<416x128xi32, #tpu.memory_space<hbm>>, %arg4: memref<1024x64xf32, #tpu.memory_space<hbm>>, %arg5: memref<2048x64xf32, #tpu.memory_space<hbm>>, %arg6: memref<1024x64xf32, #tpu.memory_space<vmem_shared>>, %arg7: memref<128x64xf32, #tpu.memory_space<vmem>>, %arg8: memref<16x128xi32, #tpu.memory_space<vmem>>) attributes {dimension_semantics = [#tpu.dimension_semantics<core_parallel>, #tpu.dimension_semantics<subcore_parallel>], iteration_bounds = array<i64: 2, 16>, scalar_prefetch = 0 : i64, scratch_operands = 3 : i64, tpu.core_type = #tpu.core_type<sc_vector_subcore>, window_params = [{transform_indices = #map}, {transform_indices = #map}, {transform_indices = #map}, {transform_indices = #map}]} {
    %mul3A = arith.constant 16 : i32
    %mul3A_0 = arith.muli %arg0, %mul3A : i32
    %add3A = arith.addi %mul3A_0, %arg1 : i32
    %mul3A_1 = arith.constant 64 : i32
    %mul3A_2 = arith.muli %arg1, %mul3A_1 : i32
    %mul3A_3 = arith.constant 64 : i32
    %mul3A_4 = arith.muli %arg1, %mul3A_3 : i32
    "tpu.region"() ({
      %run_scoped3A = tpu.sem_alloc : memref<!tpu.dma_semaphore, #tpu.memory_space<semaphore_mem>>
      %dma_start3A = arith.constant 0 : i32
      %dma_start3A_20 = tpu.memref_slice %arg6[%mul3A_4, %dma_start3A] : memref<1024x64xf32, #tpu.memory_space<vmem_shared>> -> memref<64x64xf32, #tpu.memory_space<vmem_shared>>
      %dma_start3A_21 = arith.constant 0 : i32
      %dma_start3A_22 = tpu.memref_slice %arg4[%mul3A_2, %dma_start3A_21] : memref<1024x64xf32, #tpu.memory_space<hbm>> -> memref<64x64xf32, #tpu.memory_space<hbm>>
      tpu.enqueue_dma source(%dma_start3A_22 : memref<64x64xf32, #tpu.memory_space<hbm>>) target(%dma_start3A_20 : memref<64x64xf32, #tpu.memory_space<vmem_shared>>) target_semaphore(%run_scoped3A : memref<!tpu.dma_semaphore, #tpu.memory_space<semaphore_mem>>)
      %dma_wait3A = arith.constant 0 : i32
      %dma_wait3A_23 = tpu.memref_slice %arg6[%mul3A_4, %dma_wait3A] : memref<1024x64xf32, #tpu.memory_space<vmem_shared>> -> memref<64x64xf32, #tpu.memory_space<vmem_shared>>
      %dma_wait3A_24 = arith.constant 0 : i32
      %dma_wait3A_25 = tpu.memref_slice %arg4[%mul3A_2, %dma_wait3A_24] : memref<1024x64xf32, #tpu.memory_space<hbm>> -> memref<64x64xf32, #tpu.memory_space<hbm>>
      tpu.wait_dma2 semaphore(%run_scoped3A : memref<!tpu.dma_semaphore, #tpu.memory_space<semaphore_mem>>) src(%dma_wait3A_25 : memref<64x64xf32, #tpu.memory_space<hbm>>) dst(%dma_wait3A_23 : memref<64x64xf32, #tpu.memory_space<vmem_shared>>)
      tpu.yield
    }) : () -> ()
    %lt3A = arith.constant 26 : i32
    %lt3A_5 = arith.cmpi slt, %add3A, %lt3A : i32
    %convert_element_type3A = arith.extui %lt3A_5 : i1 to i32
    %cond3A = arith.constant 0 : i32
    %cond3A_6 = arith.cmpi ne, %convert_element_type3A, %cond3A : i32
    scf.if %cond3A_6 {
      %mul3A_20 = arith.constant 16 : i32
      %mul3A_21 = arith.muli %add3A, %mul3A_20 : i32
      "tpu.region"() ({
        %run_scoped3A = tpu.sem_alloc : memref<!tpu.dma_semaphore, #tpu.memory_space<semaphore_mem>>
        %dma_start3A = arith.constant 0 : i32
        %dma_start3A_22 = tpu.memref_slice %arg3[%mul3A_21, %dma_start3A] : memref<416x128xi32, #tpu.memory_space<hbm>> -> memref<16x128xi32, #tpu.memory_space<hbm>>
        %dma_start3A_23 = arith.constant 0 : i32
        %dma_start3A_24 = tpu.memref_slice %arg3[%mul3A_21, %dma_start3A_23] : memref<416x128xi32, #tpu.memory_space<hbm>> -> memref<16x128xi32, #tpu.memory_space<hbm>>
        tpu.enqueue_dma source(%dma_start3A_24 : memref<16x128xi32, #tpu.memory_space<hbm>>) target(%arg8 : memref<16x128xi32, #tpu.memory_space<vmem>>) target_semaphore(%run_scoped3A : memref<!tpu.dma_semaphore, #tpu.memory_space<semaphore_mem>>)
        %dma_wait3A = arith.constant 0 : i32
        %dma_wait3A_25 = tpu.memref_slice %arg3[%mul3A_21, %dma_wait3A] : memref<416x128xi32, #tpu.memory_space<hbm>> -> memref<16x128xi32, #tpu.memory_space<hbm>>
        %dma_wait3A_26 = arith.constant 0 : i32
        %dma_wait3A_27 = tpu.memref_slice %arg3[%mul3A_21, %dma_wait3A_26] : memref<416x128xi32, #tpu.memory_space<hbm>> -> memref<16x128xi32, #tpu.memory_space<hbm>>
        tpu.wait_dma2 semaphore(%run_scoped3A : memref<!tpu.dma_semaphore, #tpu.memory_space<semaphore_mem>>) src(%dma_wait3A_27 : memref<16x128xi32, #tpu.memory_space<hbm>>) dst(%arg8 : memref<16x128xi32, #tpu.memory_space<vmem>>)
        tpu.yield
      }) : () -> ()
    } else {
    }
    %barrier3A = arith.constant 0 : index
    tpu.barrier barrier_id(%barrier3A)
    %lt3A_7 = arith.constant 26 : i32
    %lt3A_8 = arith.cmpi slt, %add3A, %lt3A_7 : i32
    %convert_element_type3A_9 = arith.extui %lt3A_8 : i1 to i32
    %cond3A_10 = arith.constant 0 : i32
    %cond3A_11 = arith.cmpi ne, %convert_element_type3A_9, %cond3A_10 : i32
    scf.if %cond3A_11 {
      %mul3A_20 = arith.constant 16 : i32
      %mul3A_21 = arith.muli %add3A, %mul3A_20 : i32
      %mul3A_22 = arith.constant 128 : i32
      %mul3A_23 = arith.muli %mul3A_21, %mul3A_22 : i32
      %scan3A = arith.constant 0 : i32
      %scan3A_24 = arith.constant 16 : i32
      %scan3A_25 = arith.addi %scan3A, %scan3A_24 : i32
      %scan3A_26 = arith.constant 1 : i32
      scf.for %scan3A_28 = %scan3A to %scan3A_25 step %scan3A_26  : i32 {
        %mul3A_29 = arith.constant 1 : i32
        %mul3A_30 = arith.muli %scan3A_28, %mul3A_29 : i32
        %add3A_31 = arith.constant 0 : i32
        %add3A_32 = arith.addi %add3A_31, %mul3A_30 : i32
        %mul3A_33 = arith.constant 128 : i32
        %mul3A_34 = arith.muli %add3A_32, %mul3A_33 : i32
        %add3A_35 = arith.addi %mul3A_23, %mul3A_34 : i32
        "tpu.region"() ({
          %run_scoped3A = tpu.sem_alloc : memref<!tpu.dma_semaphore, #tpu.memory_space<semaphore_mem>>
          %dma_start3A = arith.constant 0 : i32
          %dma_start3A_36 = tpu.memref_slice %arg2[%add3A_35, %dma_start3A] : memref<53248x64xf32, #tpu.memory_space<hbm>> -> memref<128x64xf32, #tpu.memory_space<hbm>>
          %dma_start3A_37 = arith.constant 0 : i32
          %dma_start3A_38 = tpu.memref_slice %arg2[%add3A_35, %dma_start3A_37] : memref<53248x64xf32, #tpu.memory_space<hbm>> -> memref<128x64xf32, #tpu.memory_space<hbm>>
          tpu.enqueue_dma source(%dma_start3A_38 : memref<128x64xf32, #tpu.memory_space<hbm>>) target(%arg7 : memref<128x64xf32, #tpu.memory_space<vmem>>) target_semaphore(%run_scoped3A : memref<!tpu.dma_semaphore, #tpu.memory_space<semaphore_mem>>)
          %dma_wait3A = arith.constant 0 : i32
          %dma_wait3A_39 = tpu.memref_slice %arg2[%add3A_35, %dma_wait3A] : memref<53248x64xf32, #tpu.memory_space<hbm>> -> memref<128x64xf32, #tpu.memory_space<hbm>>
          %dma_wait3A_40 = arith.constant 0 : i32
          %dma_wait3A_41 = tpu.memref_slice %arg2[%add3A_35, %dma_wait3A_40] : memref<53248x64xf32, #tpu.memory_space<hbm>> -> memref<128x64xf32, #tpu.memory_space<hbm>>
          tpu.wait_dma2 semaphore(%run_scoped3A : memref<!tpu.dma_semaphore, #tpu.memory_space<semaphore_mem>>) src(%dma_wait3A_41 : memref<128x64xf32, #tpu.memory_space<hbm>>) dst(%arg7 : memref<128x64xf32, #tpu.memory_space<vmem>>)
          tpu.yield
        }) : () -> ()
        "tpu.region"() ({
          %run_scoped3A = tpu.sem_alloc : memref<!tpu.dma_semaphore, #tpu.memory_space<semaphore_mem>>
          %dma_start3A = arith.constant 0 : i32
          %dma_start3A_36 = tpu.memref_slice %arg8[%add3A_32, %dma_start3A] : memref<16x128xi32, #tpu.memory_space<vmem>> -> memref<1x128xi32, #tpu.memory_space<vmem>>
          %dma_start3A_37 = tpu.memref_squeeze %dma_start3A_36 : memref<1x128xi32, #tpu.memory_space<vmem>> -> memref<128xi32, #tpu.memory_space<vmem>>
          %dma_start3A_38 = arith.constant 0 : i32
          %dma_start3A_39 = arith.constant 0 : i32
          %dma_start3A_40 = tpu.memref_slice %arg6[%dma_start3A_38, %dma_start3A_39] : memref<1024x64xf32, #tpu.memory_space<vmem_shared>> -> memref<1024x64xf32, #tpu.memory_space<vmem_shared>>
          tpu.enqueue_indirect_dma source(%arg7 : memref<128x64xf32, #tpu.memory_space<vmem>>) target(%dma_start3A_40 : memref<1024x64xf32, #tpu.memory_space<vmem_shared>>) offsets(%dma_start3A_37 : memref<128xi32, #tpu.memory_space<vmem>>) semaphore(%run_scoped3A : memref<!tpu.dma_semaphore, #tpu.memory_space<semaphore_mem>>) {add = true}
          %dma_wait3A = arith.constant 0 : i32
          %dma_wait3A_41 = tpu.memref_slice %arg8[%add3A_32, %dma_wait3A] : memref<16x128xi32, #tpu.memory_space<vmem>> -> memref<1x128xi32, #tpu.memory_space<vmem>>
          %dma_wait3A_42 = tpu.memref_squeeze %dma_wait3A_41 : memref<1x128xi32, #tpu.memory_space<vmem>> -> memref<128xi32, #tpu.memory_space<vmem>>
          %dma_wait3A_43 = arith.constant 0 : i32
          %dma_wait3A_44 = arith.constant 0 : i32
          %dma_wait3A_45 = tpu.memref_slice %arg6[%dma_wait3A_43, %dma_wait3A_44] : memref<1024x64xf32, #tpu.memory_space<vmem_shared>> -> memref<1024x64xf32, #tpu.memory_space<vmem_shared>>
          tpu.wait_indirect_dma semaphore(%run_scoped3A : memref<!tpu.dma_semaphore, #tpu.memory_space<semaphore_mem>>) src(%arg7 : memref<128x64xf32, #tpu.memory_space<vmem>>) dst(%dma_wait3A_45 : memref<1024x64xf32, #tpu.memory_space<vmem_shared>>)
          tpu.yield
        }) : () -> ()
      }
      %scan3A_27 = arith.constant 16 : i32
    } else {
    }
    %barrier3A_12 = arith.constant 0 : index
    tpu.barrier barrier_id(%barrier3A_12)
    %mul3A_13 = arith.constant 64 : i32
    %mul3A_14 = arith.muli %arg1, %mul3A_13 : i32
    %mul3A_15 = arith.constant 1024 : i32
    %mul3A_16 = arith.muli %arg0, %mul3A_15 : i32
    %mul3A_17 = arith.constant 64 : i32
    %mul3A_18 = arith.muli %arg1, %mul3A_17 : i32
    %add3A_19 = arith.addi %mul3A_16, %mul3A_18 : i32
    "tpu.region"() ({
      %run_scoped3A = tpu.sem_alloc : memref<!tpu.dma_semaphore, #tpu.memory_space<semaphore_mem>>
      %dma_start3A = arith.constant 0 : i32
      %dma_start3A_20 = tpu.memref_slice %arg5[%add3A_19, %dma_start3A] : memref<2048x64xf32, #tpu.memory_space<hbm>> -> memref<64x64xf32, #tpu.memory_space<hbm>>
      %dma_start3A_21 = arith.constant 0 : i32
      %dma_start3A_22 = tpu.memref_slice %arg6[%mul3A_14, %dma_start3A_21] : memref<1024x64xf32, #tpu.memory_space<vmem_shared>> -> memref<64x64xf32, #tpu.memory_space<vmem_shared>>
      tpu.enqueue_dma source(%dma_start3A_22 : memref<64x64xf32, #tpu.memory_space<vmem_shared>>) target(%dma_start3A_20 : memref<64x64xf32, #tpu.memory_space<hbm>>) target_semaphore(%run_scoped3A : memref<!tpu.dma_semaphore, #tpu.memory_space<semaphore_mem>>)
      %dma_wait3A = arith.constant 0 : i32
      %dma_wait3A_23 = tpu.memref_slice %arg5[%add3A_19, %dma_wait3A] : memref<2048x64xf32, #tpu.memory_space<hbm>> -> memref<64x64xf32, #tpu.memory_space<hbm>>
      %dma_wait3A_24 = arith.constant 0 : i32
      %dma_wait3A_25 = tpu.memref_slice %arg6[%mul3A_14, %dma_wait3A_24] : memref<1024x64xf32, #tpu.memory_space<vmem_shared>> -> memref<64x64xf32, #tpu.memory_space<vmem_shared>>
      tpu.wait_dma2 semaphore(%run_scoped3A : memref<!tpu.dma_semaphore, #tpu.memory_space<semaphore_mem>>) src(%dma_wait3A_25 : memref<64x64xf32, #tpu.memory_space<vmem_shared>>) dst(%dma_wait3A_23 : memref<64x64xf32, #tpu.memory_space<hbm>>)
      tpu.yield
    }) : () -> ()
    return
  }
}

module attributes {stable_mosaic.version = 14 : i64} {
  func.func @_dense_body(%arg0: i32, %arg1: i32, %arg2: memref<512x19xf32, #tpu.memory_space<vmem>>, %arg3: memref<512x32xf32, #tpu.memory_space<vmem>>, %arg4: memref<2x512xf32, #tpu.memory_space<vmem>>, %arg5: memref<7x32xf32, #tpu.memory_space<vmem>>, %arg6: memref<1x32xf32, #tpu.memory_space<vmem>>, %arg7: memref<12x32xf32, #tpu.memory_space<vmem>>, %arg8: memref<1x32xf32, #tpu.memory_space<vmem>>, %arg9: memref<96x96xf32, #tpu.memory_space<vmem>>, %arg10: memref<1x96xf32, #tpu.memory_space<vmem>>, %arg11: memref<1x96x32xf32, #tpu.memory_space<vmem>>, %arg12: memref<1x512x32xf32, #tpu.memory_space<vmem>>, %arg13: memref<512x96xf32, #tpu.memory_space<vmem>>) attributes {dimension_semantics = [#tpu.dimension_semantics<arbitrary>, #tpu.dimension_semantics<arbitrary>], iteration_bounds = array<i64: 104, 2>, scalar_prefetch = 0 : i64, scratch_operands = 1 : i64, tpu.core_type = #tpu.core_type<tc>, window_params = [{transform_indices = @transform_0, window_bounds = array<i64: 512, 19>}, {transform_indices = @transform_1, window_bounds = array<i64: 512, 32>}, {transform_indices = @transform_2, window_bounds = array<i64: 2, 512>}, {pipeline_mode = #tpu.pipeline_mode<synchronous>, transform_indices = @transform_3, window_bounds = array<i64: 7, 32>}, {pipeline_mode = #tpu.pipeline_mode<synchronous>, transform_indices = @transform_4, window_bounds = array<i64: 1, 32>}, {pipeline_mode = #tpu.pipeline_mode<synchronous>, transform_indices = @transform_5, window_bounds = array<i64: 12, 32>}, {pipeline_mode = #tpu.pipeline_mode<synchronous>, transform_indices = @transform_6, window_bounds = array<i64: 1, 32>}, {pipeline_mode = #tpu.pipeline_mode<synchronous>, transform_indices = @transform_7, window_bounds = array<i64: 96, 96>}, {pipeline_mode = #tpu.pipeline_mode<synchronous>, transform_indices = @transform_8, window_bounds = array<i64: 1, 96>}, {transform_indices = @transform_9, window_bounds = array<i64: 1, 96, 32>}, {transform_indices = @transform_10, window_bounds = array<i64: 1, 512, 32>}]} {
    %eq3A = arith.constant 0 : i32
    %eq3A_0 = arith.cmpi eq, %arg1, %eq3A : i32
    %convert_element_type3A = arith.extui %eq3A_0 : i1 to i32
    %cond3A = arith.constant 0 : i32
    %cond3A_1 = arith.cmpi ne, %convert_element_type3A, %cond3A : i32
    scf.if %cond3A_1 {
      %get3A_23 = arith.constant 0 : index
      %get3A_24 = arith.constant 0 : index
      %get3A_25 = vector.load %arg2[%get3A_23, %get3A_24] : memref<512x19xf32, #tpu.memory_space<vmem>>, vector<512x19xf32>
      %slice3A_26 = vector.extract_strided_slice %get3A_25 {offsets = [0, 0], sizes = [512, 7], strides = [1, 1]} : vector<512x19xf32> to vector<512x7xf32>
      %get3A_27 = arith.constant 0 : index
      %get3A_28 = arith.constant 0 : index
      %get3A_29 = vector.load %arg5[%get3A_27, %get3A_28] : memref<7x32xf32, #tpu.memory_space<vmem>>, vector<7x32xf32>
      %dot_general3A_30 = arith.constant dense<0.000000e+00> : vector<512x32xf32>
      %dot_general3A_31 = tpu.matmul %slice3A_26, %get3A_29, %dot_general3A_30 {dimension_numbers = #tpu.dot_dimension_numbers<[1], [0], [0], [1], [0, 0, 1, 1], [], []>, transpose_lhs_hint = false} : vector<512x7xf32>, vector<7x32xf32>, vector<512x32xf32> -> vector<512x32xf32>
      %get3A_32 = arith.constant 0 : index
      %get3A_33 = arith.constant 0 : index
      %get3A_34 = vector.load %arg6[%get3A_32, %get3A_33] : memref<1x32xf32, #tpu.memory_space<vmem>>, vector<1x32xf32>
      %add3A_35 = vector.broadcast %get3A_34 : vector<1x32xf32> to vector<512x32xf32>
      %add3A_36 = arith.addf %dot_general3A_31, %add3A_35 : vector<512x32xf32>
      %max3A = arith.constant 0.000000e+00 : f32
      %max3A_37 = vector.broadcast %max3A : f32 to vector<512x32xf32>
      %max3A_38 = arith.maximumf %add3A_36, %max3A_37 : vector<512x32xf32>
      %slice3A_39 = vector.extract_strided_slice %get3A_25 {offsets = [0, 7], sizes = [512, 12], strides = [1, 1]} : vector<512x19xf32> to vector<512x12xf32>
      %get3A_40 = arith.constant 0 : index
      %get3A_41 = arith.constant 0 : index
      %get3A_42 = vector.load %arg7[%get3A_40, %get3A_41] : memref<12x32xf32, #tpu.memory_space<vmem>>, vector<12x32xf32>
      %dot_general3A_43 = arith.constant dense<0.000000e+00> : vector<512x32xf32>
      %dot_general3A_44 = tpu.matmul %slice3A_39, %get3A_42, %dot_general3A_43 {dimension_numbers = #tpu.dot_dimension_numbers<[1], [0], [0], [1], [0, 0, 1, 1], [], []>, transpose_lhs_hint = false} : vector<512x12xf32>, vector<12x32xf32>, vector<512x32xf32> -> vector<512x32xf32>
      %get3A_45 = arith.constant 0 : index
      %get3A_46 = arith.constant 0 : index
      %get3A_47 = vector.load %arg8[%get3A_45, %get3A_46] : memref<1x32xf32, #tpu.memory_space<vmem>>, vector<1x32xf32>
      %add3A_48 = vector.broadcast %get3A_47 : vector<1x32xf32> to vector<512x32xf32>
      %add3A_49 = arith.addf %dot_general3A_44, %add3A_48 : vector<512x32xf32>
      %max3A_50 = arith.constant 0.000000e+00 : f32
      %max3A_51 = vector.broadcast %max3A_50 : f32 to vector<512x32xf32>
      %max3A_52 = arith.maximumf %add3A_49, %max3A_51 : vector<512x32xf32>
      %get3A_53 = arith.constant 0 : index
      %get3A_54 = arith.constant 0 : index
      %get3A_55 = vector.load %arg3[%get3A_53, %get3A_54] : memref<512x32xf32, #tpu.memory_space<vmem>>, vector<512x32xf32>
      %concatenate3A = tpu.concatenate %max3A_38, %max3A_52, %get3A_55 in 1 : vector<512x32xf32>, vector<512x32xf32>, vector<512x32xf32> -> vector<512x96xf32>
      %get3A_56 = arith.constant 0 : index
      %get3A_57 = arith.constant 0 : index
      %get3A_58 = vector.load %arg9[%get3A_56, %get3A_57] : memref<96x96xf32, #tpu.memory_space<vmem>>, vector<96x96xf32>
      %dot_general3A_59 = arith.constant dense<0.000000e+00> : vector<512x96xf32>
      %dot_general3A_60 = tpu.matmul %concatenate3A, %get3A_58, %dot_general3A_59 {dimension_numbers = #tpu.dot_dimension_numbers<[1], [0], [0], [1], [0, 0, 1, 1], [], []>, transpose_lhs_hint = false} : vector<512x96xf32>, vector<96x96xf32>, vector<512x96xf32> -> vector<512x96xf32>
      %get3A_61 = arith.constant 0 : index
      %get3A_62 = arith.constant 0 : index
      %get3A_63 = vector.load %arg10[%get3A_61, %get3A_62] : memref<1x96xf32, #tpu.memory_space<vmem>>, vector<1x96xf32>
      %add3A_64 = vector.broadcast %get3A_63 : vector<1x96xf32> to vector<512x96xf32>
      %add3A_65 = arith.addf %dot_general3A_60, %add3A_64 : vector<512x96xf32>
      %max3A_66 = arith.constant 0.000000e+00 : f32
      %max3A_67 = vector.broadcast %max3A_66 : f32 to vector<512x96xf32>
      %max3A_68 = arith.maximumf %add3A_65, %max3A_67 : vector<512x96xf32>
      %swap3A_69 = arith.constant 0 : index
      %swap3A_70 = arith.constant 0 : index
      %swap3A_71 = vector.load %arg13[%swap3A_69, %swap3A_70] : memref<512x96xf32, #tpu.memory_space<vmem>>, vector<512x96xf32>
      tpu.vector_store %arg13[%swap3A_69, %swap3A_70], %max3A_68 {strides = array<i32>} : memref<512x96xf32, #tpu.memory_space<vmem>>, vector<512x96xf32>,
    } else {
    }
    %get3A = arith.constant 0 : index
    %get3A_2 = arith.constant 0 : index
    %get3A_3 = vector.load %arg4[%get3A, %get3A_2] : memref<2x512xf32, #tpu.memory_space<vmem>>, vector<2x512xf32>
    %slice3A = vector.extract_strided_slice %get3A_3 {offsets = [0, 0], sizes = [1, 512], strides = [1, 1]} : vector<2x512xf32> to vector<1x512xf32>
    %squeeze3A = vector.shape_cast %slice3A : vector<1x512xf32> to vector<512xf32>
    %slice3A_4 = vector.extract_strided_slice %get3A_3 {offsets = [1, 0], sizes = [1, 512], strides = [1, 1]} : vector<2x512xf32> to vector<1x512xf32>
    %squeeze3A_5 = vector.shape_cast %slice3A_4 : vector<1x512xf32> to vector<512xf32>
    %add3A = arith.addf %squeeze3A, %squeeze3A_5 : vector<512xf32>
    %add3A_6 = arith.constant 1.000000e+00 : f32
    %add3A_7 = vector.broadcast %add3A_6 : f32 to vector<512xf32>
    %add3A_8 = arith.addf %add3A, %add3A_7 : vector<512xf32>
    %rsqrt3A = math.rsqrt %add3A_8 : vector<512xf32>
    %get3A_9 = arith.constant 0 : index
    %get3A_10 = arith.constant 0 : index
    %get3A_11 = vector.load %arg13[%get3A_9, %get3A_10] : memref<512x96xf32, #tpu.memory_space<vmem>>, vector<512x96xf32>
    %get3A_12 = arith.constant 0 : index
    %get3A_13 = arith.constant 0 : index
    %get3A_14 = arith.constant 0 : index
    %get3A_15 = vector.load %arg11[%get3A_12, %get3A_13, %get3A_14] : memref<1x96x32xf32, #tpu.memory_space<vmem>>, vector<1x96x32xf32>
    %get3A_16 = vector.shape_cast %get3A_15 : vector<1x96x32xf32> to vector<96x32xf32>
    %dot_general3A = arith.constant dense<0.000000e+00> : vector<512x32xf32>
    %dot_general3A_17 = tpu.matmul %get3A_11, %get3A_16, %dot_general3A {dimension_numbers = #tpu.dot_dimension_numbers<[1], [0], [0], [1], [0, 0, 1, 1], [], []>, transpose_lhs_hint = false} : vector<512x96xf32>, vector<96x32xf32>, vector<512x32xf32> -> vector<512x32xf32>
    %broadcast_in_dim3A = vector.shape_cast %rsqrt3A : vector<512xf32> to vector<512x1xf32>
    %mul3A = vector.broadcast %broadcast_in_dim3A : vector<512x1xf32> to vector<512x32xf32>
    %mul3A_18 = arith.mulf %dot_general3A_17, %mul3A : vector<512x32xf32>
    %broadcast_in_dim3A_19 = vector.shape_cast %mul3A_18 : vector<512x32xf32> to vector<1x512x32xf32>
    %swap3A = arith.constant 0 : index
    %swap3A_20 = arith.constant 0 : index
    %swap3A_21 = arith.constant 0 : index
    %swap3A_22 = vector.load %arg12[%swap3A, %swap3A_20, %swap3A_21] : memref<1x512x32xf32, #tpu.memory_space<vmem>>, vector<1x512x32xf32>
    tpu.vector_store %arg12[%swap3A, %swap3A_20, %swap3A_21], %broadcast_in_dim3A_19 {strides = array<i32>} : memref<1x512x32xf32, #tpu.memory_space<vmem>>, vector<1x512x32xf32>,
    return
  }
  func.func @transform_0(%arg0: i32, %arg1: i32) -> (i32, i32) {
    %c0_i32 = arith.constant 0 : i32
    %c0_i32_0 = arith.constant 0 : i32
    return %arg0, %c0_i32 : i32, i32
  }
  func.func @transform_1(%arg0: i32, %arg1: i32) -> (i32, i32) {
    %c0_i32 = arith.constant 0 : i32
    %c0_i32_0 = arith.constant 0 : i32
    return %arg0, %c0_i32 : i32, i32
  }
  func.func @transform_2(%arg0: i32, %arg1: i32) -> (i32, i32) {
    %c0_i32 = arith.constant 0 : i32
    %c0_i32_0 = arith.constant 0 : i32
    return %c0_i32, %arg0 : i32, i32
  }
  func.func @transform_3(%arg0: i32, %arg1: i32) -> (i32, i32) {
    %c0_i32 = arith.constant 0 : i32
    %c0_i32_0 = arith.constant 0 : i32
    %c0_i32_1 = arith.constant 0 : i32
    return %c0_i32, %c0_i32_0 : i32, i32
  }
  func.func @transform_4(%arg0: i32, %arg1: i32) -> (i32, i32) {
    %c0_i32 = arith.constant 0 : i32
    %c0_i32_0 = arith.constant 0 : i32
    %c0_i32_1 = arith.constant 0 : i32
    return %c0_i32, %c0_i32_0 : i32, i32
  }
  func.func @transform_5(%arg0: i32, %arg1: i32) -> (i32, i32) {
    %c0_i32 = arith.constant 0 : i32
    %c0_i32_0 = arith.constant 0 : i32
    %c0_i32_1 = arith.constant 0 : i32
    return %c0_i32, %c0_i32_0 : i32, i32
  }
  func.func @transform_6(%arg0: i32, %arg1: i32) -> (i32, i32) {
    %c0_i32 = arith.constant 0 : i32
    %c0_i32_0 = arith.constant 0 : i32
    %c0_i32_1 = arith.constant 0 : i32
    return %c0_i32, %c0_i32_0 : i32, i32
  }
  func.func @transform_7(%arg0: i32, %arg1: i32) -> (i32, i32) {
    %c0_i32 = arith.constant 0 : i32
    %c0_i32_0 = arith.constant 0 : i32
    %c0_i32_1 = arith.constant 0 : i32
    return %c0_i32, %c0_i32_0 : i32, i32
  }
  func.func @transform_8(%arg0: i32, %arg1: i32) -> (i32, i32) {
    %c0_i32 = arith.constant 0 : i32
    %c0_i32_0 = arith.constant 0 : i32
    %c0_i32_1 = arith.constant 0 : i32
    return %c0_i32, %c0_i32_0 : i32, i32
  }
  func.func @transform_9(%arg0: i32, %arg1: i32) -> (i32, i32, i32) {
    %c0_i32 = arith.constant 0 : i32
    %c0_i32_0 = arith.constant 0 : i32
    %c0_i32_1 = arith.constant 0 : i32
    return %arg1, %c0_i32, %c0_i32_0 : i32, i32, i32
  }
  func.func @transform_10(%arg0: i32, %arg1: i32) -> (i32, i32, i32) {
    %c0_i32 = arith.constant 0 : i32
    %c0_i32_0 = arith.constant 0 : i32
    return %arg1, %arg0, %c0_i32 : i32, i32, i32
  }
}

module attributes {stable_mosaic.version = 14 : i64} {
  func.func @_post1_body(%arg0: i32, %arg1: i32, %arg2: memref<2x512x32xf32, #tpu.memory_space<vmem>>, %arg3: memref<2x512xf32, #tpu.memory_space<vmem>>, %arg4: memref<1x64xf32, #tpu.memory_space<vmem>>, %arg5: memref<1x64x32xf32, #tpu.memory_space<vmem>>, %arg6: memref<512x64xf32, #tpu.memory_space<vmem>>, %arg7: memref<1x512x32xf32, #tpu.memory_space<vmem>>, %arg8: memref<512x64xf32, #tpu.memory_space<vmem>>) attributes {dimension_semantics = [#tpu.dimension_semantics<arbitrary>, #tpu.dimension_semantics<arbitrary>], iteration_bounds = array<i64: 104, 2>, scalar_prefetch = 0 : i64, scratch_operands = 1 : i64, tpu.core_type = #tpu.core_type<tc>, window_params = [{transform_indices = @transform_0, window_bounds = array<i64: 2, 512, 32>}, {transform_indices = @transform_1, window_bounds = array<i64: 2, 512>}, {pipeline_mode = #tpu.pipeline_mode<synchronous>, transform_indices = @transform_2, window_bounds = array<i64: 1, 64>}, {transform_indices = @transform_3, window_bounds = array<i64: 1, 64, 32>}, {transform_indices = @transform_4, window_bounds = array<i64: 512, 64>}, {transform_indices = @transform_5, window_bounds = array<i64: 1, 512, 32>}]} {
    %get3A = arith.constant 0 : index
    %get3A_0 = arith.constant 0 : index
    %get3A_1 = vector.load %arg3[%get3A, %get3A_0] : memref<2x512xf32, #tpu.memory_space<vmem>>, vector<2x512xf32>
    %slice3A = vector.extract_strided_slice %get3A_1 {offsets = [0, 0], sizes = [1, 512], strides = [1, 1]} : vector<2x512xf32> to vector<1x512xf32>
    %squeeze3A = vector.shape_cast %slice3A : vector<1x512xf32> to vector<512xf32>
    %slice3A_2 = vector.extract_strided_slice %get3A_1 {offsets = [1, 0], sizes = [1, 512], strides = [1, 1]} : vector<2x512xf32> to vector<1x512xf32>
    %squeeze3A_3 = vector.shape_cast %slice3A_2 : vector<1x512xf32> to vector<512xf32>
    %add3A = arith.addf %squeeze3A, %squeeze3A_3 : vector<512xf32>
    %add3A_4 = arith.constant 1.000000e+00 : f32
    %add3A_5 = vector.broadcast %add3A_4 : f32 to vector<512xf32>
    %add3A_6 = arith.addf %add3A, %add3A_5 : vector<512xf32>
    %rsqrt3A = math.rsqrt %add3A_6 : vector<512xf32>
    %eq3A = arith.constant 0 : i32
    %eq3A_7 = arith.cmpi eq, %arg1, %eq3A : i32
    %convert_element_type3A = arith.extui %eq3A_7 : i1 to i32
    %cond3A = arith.constant 0 : i32
    %cond3A_8 = arith.cmpi ne, %convert_element_type3A, %cond3A : i32
    scf.if %cond3A_8 {
      %get3A_23 = arith.constant 0 : index
      %get3A_24 = arith.constant 0 : index
      %get3A_25 = arith.constant 0 : index
      %get3A_26 = vector.load %arg2[%get3A_23, %get3A_24, %get3A_25] : memref<2x512x32xf32, #tpu.memory_space<vmem>>, vector<2x512x32xf32>
      %slice3A_27 = vector.extract_strided_slice %get3A_26 {offsets = [0, 0, 0], sizes = [1, 512, 32], strides = [1, 1, 1]} : vector<2x512x32xf32> to vector<1x512x32xf32>
      %squeeze3A_28 = vector.shape_cast %slice3A_27 : vector<1x512x32xf32> to vector<512x32xf32>
      %slice3A_29 = vector.extract_strided_slice %get3A_26 {offsets = [1, 0, 0], sizes = [1, 512, 32], strides = [1, 1, 1]} : vector<2x512x32xf32> to vector<1x512x32xf32>
      %squeeze3A_30 = vector.shape_cast %slice3A_29 : vector<1x512x32xf32> to vector<512x32xf32>
      %concatenate3A = tpu.concatenate %squeeze3A_28, %squeeze3A_30 in 1 : vector<512x32xf32>, vector<512x32xf32> -> vector<512x64xf32>
      %broadcast_in_dim3A_31 = vector.shape_cast %rsqrt3A : vector<512xf32> to vector<512x1xf32>
      %mul3A_32 = vector.broadcast %broadcast_in_dim3A_31 : vector<512x1xf32> to vector<512x64xf32>
      %mul3A_33 = arith.mulf %concatenate3A, %mul3A_32 : vector<512x64xf32>
      %get3A_34 = arith.constant 0 : index
      %get3A_35 = arith.constant 0 : index
      %get3A_36 = vector.load %arg4[%get3A_34, %get3A_35] : memref<1x64xf32, #tpu.memory_space<vmem>>, vector<1x64xf32>
      %add3A_37 = vector.broadcast %get3A_36 : vector<1x64xf32> to vector<512x64xf32>
      %add3A_38 = arith.addf %mul3A_33, %add3A_37 : vector<512x64xf32>
      %max3A = arith.constant 0.000000e+00 : f32
      %max3A_39 = vector.broadcast %max3A : f32 to vector<512x64xf32>
      %max3A_40 = arith.maximumf %add3A_38, %max3A_39 : vector<512x64xf32>
      %swap3A_41 = arith.constant 0 : index
      %swap3A_42 = arith.constant 0 : index
      %swap3A_43 = vector.load %arg8[%swap3A_41, %swap3A_42] : memref<512x64xf32, #tpu.memory_space<vmem>>, vector<512x64xf32>
      tpu.vector_store %arg8[%swap3A_41, %swap3A_42], %max3A_40 {strides = array<i32>} : memref<512x64xf32, #tpu.memory_space<vmem>>, vector<512x64xf32>,
      %swap3A_44 = arith.constant 0 : index
      %swap3A_45 = arith.constant 0 : index
      %swap3A_46 = vector.load %arg6[%swap3A_44, %swap3A_45] : memref<512x64xf32, #tpu.memory_space<vmem>>, vector<512x64xf32>
      tpu.vector_store %arg6[%swap3A_44, %swap3A_45], %max3A_40 {strides = array<i32>} : memref<512x64xf32, #tpu.memory_space<vmem>>, vector<512x64xf32>,
    } else {
    }
    %get3A_9 = arith.constant 0 : index
    %get3A_10 = arith.constant 0 : index
    %get3A_11 = vector.load %arg8[%get3A_9, %get3A_10] : memref<512x64xf32, #tpu.memory_space<vmem>>, vector<512x64xf32>
    %get3A_12 = arith.constant 0 : index
    %get3A_13 = arith.constant 0 : index
    %get3A_14 = arith.constant 0 : index
    %get3A_15 = vector.load %arg5[%get3A_12, %get3A_13, %get3A_14] : memref<1x64x32xf32, #tpu.memory_space<vmem>>, vector<1x64x32xf32>
    %get3A_16 = vector.shape_cast %get3A_15 : vector<1x64x32xf32> to vector<64x32xf32>
    %dot_general3A = arith.constant dense<0.000000e+00> : vector<512x32xf32>
    %dot_general3A_17 = tpu.matmul %get3A_11, %get3A_16, %dot_general3A {dimension_numbers = #tpu.dot_dimension_numbers<[1], [0], [0], [1], [0, 0, 1, 1], [], []>, transpose_lhs_hint = false} : vector<512x64xf32>, vector<64x32xf32>, vector<512x32xf32> -> vector<512x32xf32>
    %broadcast_in_dim3A = vector.shape_cast %rsqrt3A : vector<512xf32> to vector<512x1xf32>
    %mul3A = vector.broadcast %broadcast_in_dim3A : vector<512x1xf32> to vector<512x32xf32>
    %mul3A_18 = arith.mulf %dot_general3A_17, %mul3A : vector<512x32xf32>
    %broadcast_in_dim3A_19 = vector.shape_cast %mul3A_18 : vector<512x32xf32> to vector<1x512x32xf32>
    %swap3A = arith.constant 0 : index
    %swap3A_20 = arith.constant 0 : index
    %swap3A_21 = arith.constant 0 : index
    %swap3A_22 = vector.load %arg7[%swap3A, %swap3A_20, %swap3A_21] : memref<1x512x32xf32, #tpu.memory_space<vmem>>, vector<1x512x32xf32>
    tpu.vector_store %arg7[%swap3A, %swap3A_20, %swap3A_21], %broadcast_in_dim3A_19 {strides = array<i32>} : memref<1x512x32xf32, #tpu.memory_space<vmem>>, vector<1x512x32xf32>,
    return
  }
  func.func @transform_0(%arg0: i32, %arg1: i32) -> (i32, i32, i32) {
    %c0_i32 = arith.constant 0 : i32
    %c0_i32_0 = arith.constant 0 : i32
    %c0_i32_1 = arith.constant 0 : i32
    return %c0_i32, %arg0, %c0_i32_0 : i32, i32, i32
  }
  func.func @transform_1(%arg0: i32, %arg1: i32) -> (i32, i32) {
    %c0_i32 = arith.constant 0 : i32
    %c0_i32_0 = arith.constant 0 : i32
    return %c0_i32, %arg0 : i32, i32
  }
  func.func @transform_2(%arg0: i32, %arg1: i32) -> (i32, i32) {
    %c0_i32 = arith.constant 0 : i32
    %c0_i32_0 = arith.constant 0 : i32
    %c0_i32_1 = arith.constant 0 : i32
    return %c0_i32, %c0_i32_0 : i32, i32
  }
  func.func @transform_3(%arg0: i32, %arg1: i32) -> (i32, i32, i32) {
    %c0_i32 = arith.constant 0 : i32
    %c0_i32_0 = arith.constant 0 : i32
    %c0_i32_1 = arith.constant 0 : i32
    return %arg1, %c0_i32, %c0_i32_0 : i32, i32, i32
  }
  func.func @transform_4(%arg0: i32, %arg1: i32) -> (i32, i32) {
    %c0_i32 = arith.constant 0 : i32
    %c0_i32_0 = arith.constant 0 : i32
    return %arg0, %c0_i32 : i32, i32
  }
  func.func @transform_5(%arg0: i32, %arg1: i32) -> (i32, i32, i32) {
    %c0_i32 = arith.constant 0 : i32
    %c0_i32_0 = arith.constant 0 : i32
    return %arg1, %arg0, %c0_i32 : i32, i32, i32
  }
}

module attributes {stable_mosaic.version = 14 : i64} {
  func.func @_post2_body(%arg0: i32, %arg1: memref<2x512x32xf32, #tpu.memory_space<vmem>>, %arg2: memref<2x512xf32, #tpu.memory_space<vmem>>, %arg3: memref<1x64xf32, #tpu.memory_space<vmem>>, %arg4: memref<512x64xf32, #tpu.memory_space<vmem>>) attributes {dimension_semantics = [#tpu.dimension_semantics<arbitrary>], iteration_bounds = array<i64: 104>, scalar_prefetch = 0 : i64, scratch_operands = 0 : i64, tpu.core_type = #tpu.core_type<tc>, window_params = [{transform_indices = @transform_0, window_bounds = array<i64: 2, 512, 32>}, {transform_indices = @transform_1, window_bounds = array<i64: 2, 512>}, {pipeline_mode = #tpu.pipeline_mode<synchronous>, transform_indices = @transform_2, window_bounds = array<i64: 1, 64>}, {transform_indices = @transform_3, window_bounds = array<i64: 512, 64>}]} {
    %get3A = arith.constant 0 : index
    %get3A_0 = arith.constant 0 : index
    %get3A_1 = arith.constant 0 : index
    %get3A_2 = vector.load %arg1[%get3A, %get3A_0, %get3A_1] : memref<2x512x32xf32, #tpu.memory_space<vmem>>, vector<2x512x32xf32>
    %slice3A = vector.extract_strided_slice %get3A_2 {offsets = [0, 0, 0], sizes = [1, 512, 32], strides = [1, 1, 1]} : vector<2x512x32xf32> to vector<1x512x32xf32>
    %squeeze3A = vector.shape_cast %slice3A : vector<1x512x32xf32> to vector<512x32xf32>
    %slice3A_3 = vector.extract_strided_slice %get3A_2 {offsets = [1, 0, 0], sizes = [1, 512, 32], strides = [1, 1, 1]} : vector<2x512x32xf32> to vector<1x512x32xf32>
    %squeeze3A_4 = vector.shape_cast %slice3A_3 : vector<1x512x32xf32> to vector<512x32xf32>
    %concatenate3A = tpu.concatenate %squeeze3A, %squeeze3A_4 in 1 : vector<512x32xf32>, vector<512x32xf32> -> vector<512x64xf32>
    %get3A_5 = arith.constant 0 : index
    %get3A_6 = arith.constant 0 : index
    %get3A_7 = vector.load %arg2[%get3A_5, %get3A_6] : memref<2x512xf32, #tpu.memory_space<vmem>>, vector<2x512xf32>
    %slice3A_8 = vector.extract_strided_slice %get3A_7 {offsets = [0, 0], sizes = [1, 512], strides = [1, 1]} : vector<2x512xf32> to vector<1x512xf32>
    %squeeze3A_9 = vector.shape_cast %slice3A_8 : vector<1x512xf32> to vector<512xf32>
    %slice3A_10 = vector.extract_strided_slice %get3A_7 {offsets = [1, 0], sizes = [1, 512], strides = [1, 1]} : vector<2x512xf32> to vector<1x512xf32>
    %squeeze3A_11 = vector.shape_cast %slice3A_10 : vector<1x512xf32> to vector<512xf32>
    %add3A = arith.addf %squeeze3A_9, %squeeze3A_11 : vector<512xf32>
    %add3A_12 = arith.constant 1.000000e+00 : f32
    %add3A_13 = vector.broadcast %add3A_12 : f32 to vector<512xf32>
    %add3A_14 = arith.addf %add3A, %add3A_13 : vector<512xf32>
    %rsqrt3A = math.rsqrt %add3A_14 : vector<512xf32>
    %broadcast_in_dim3A = vector.shape_cast %rsqrt3A : vector<512xf32> to vector<512x1xf32>
    %mul3A = vector.broadcast %broadcast_in_dim3A : vector<512x1xf32> to vector<512x64xf32>
    %mul3A_15 = arith.mulf %concatenate3A, %mul3A : vector<512x64xf32>
    %get3A_16 = arith.constant 0 : index
    %get3A_17 = arith.constant 0 : index
    %get3A_18 = vector.load %arg3[%get3A_16, %get3A_17] : memref<1x64xf32, #tpu.memory_space<vmem>>, vector<1x64xf32>
    %add3A_19 = vector.broadcast %get3A_18 : vector<1x64xf32> to vector<512x64xf32>
    %add3A_20 = arith.addf %mul3A_15, %add3A_19 : vector<512x64xf32>
    %max3A = arith.constant 0.000000e+00 : f32
    %max3A_21 = vector.broadcast %max3A : f32 to vector<512x64xf32>
    %max3A_22 = arith.maximumf %add3A_20, %max3A_21 : vector<512x64xf32>
    %swap3A = arith.constant 0 : index
    %swap3A_23 = arith.constant 0 : index
    %swap3A_24 = vector.load %arg4[%swap3A, %swap3A_23] : memref<512x64xf32, #tpu.memory_space<vmem>>, vector<512x64xf32>
    tpu.vector_store %arg4[%swap3A, %swap3A_23], %max3A_22 {strides = array<i32>} : memref<512x64xf32, #tpu.memory_space<vmem>>, vector<512x64xf32>,
    return
  }
  func.func @transform_0(%arg0: i32) -> (i32, i32, i32) {
    %c0_i32 = arith.constant 0 : i32
    %c0_i32_0 = arith.constant 0 : i32
    %c0_i32_1 = arith.constant 0 : i32
    return %c0_i32, %arg0, %c0_i32_0 : i32, i32, i32
  }
  func.func @transform_1(%arg0: i32) -> (i32, i32) {
    %c0_i32 = arith.constant 0 : i32
    %c0_i32_0 = arith.constant 0 : i32
    return %c0_i32, %arg0 : i32, i32
  }
  func.func @transform_2(%arg0: i32) -> (i32, i32) {
    %c0_i32 = arith.constant 0 : i32
    %c0_i32_0 = arith.constant 0 : i32
    %c0_i32_1 = arith.constant 0 : i32
    return %c0_i32, %c0_i32_0 : i32, i32
  }
  func.func @transform_3(%arg0: i32) -> (i32, i32) {
    %c0_i32 = arith.constant 0 : i32
    %c0_i32_0 = arith.constant 0 : i32
    return %arg0, %c0_i32 : i32, i32
  }
}

module attributes {stable_mosaic.version = 14 : i64} {
  func.func @_final_body(%arg0: memref<2048x64xf32, #tpu.memory_space<vmem>>, %arg1: memref<2048x64xf32, #tpu.memory_space<vmem>>, %arg2: memref<2x1024xf32, #tpu.memory_space<vmem>>, %arg3: memref<128x64xf32, #tpu.memory_space<vmem>>, %arg4: memref<1x64xf32, #tpu.memory_space<vmem>>, %arg5: memref<64x1xf32, #tpu.memory_space<vmem>>, %arg6: memref<1x1xf32, #tpu.memory_space<vmem>>, %arg7: memref<1024x1xf32, #tpu.memory_space<vmem>>) attributes {dimension_semantics = [], scalar_prefetch = 0 : i64, scratch_operands = 0 : i64, tpu.core_type = #tpu.core_type<tc>} {
    %get3A = arith.constant 0 : index
    %get3A_0 = arith.constant 0 : index
    %get3A_1 = vector.load %arg0[%get3A, %get3A_0] : memref<2048x64xf32, #tpu.memory_space<vmem>>, vector<2048x64xf32>
    %get3A_2 = arith.constant 0 : index
    %get3A_3 = arith.constant 0 : index
    %get3A_4 = vector.load %arg1[%get3A_2, %get3A_3] : memref<2048x64xf32, #tpu.memory_space<vmem>>, vector<2048x64xf32>
    %slice3A = vector.extract_strided_slice %get3A_1 {offsets = [0, 0], sizes = [1024, 64], strides = [1, 1]} : vector<2048x64xf32> to vector<1024x64xf32>
    %slice3A_5 = vector.extract_strided_slice %get3A_1 {offsets = [1024, 0], sizes = [1024, 64], strides = [1, 1]} : vector<2048x64xf32> to vector<1024x64xf32>
    %add3A = arith.addf %slice3A, %slice3A_5 : vector<1024x64xf32>
    %slice3A_6 = vector.extract_strided_slice %get3A_4 {offsets = [0, 0], sizes = [1024, 64], strides = [1, 1]} : vector<2048x64xf32> to vector<1024x64xf32>
    %add3A_7 = arith.addf %add3A, %slice3A_6 : vector<1024x64xf32>
    %slice3A_8 = vector.extract_strided_slice %get3A_4 {offsets = [1024, 0], sizes = [1024, 64], strides = [1, 1]} : vector<2048x64xf32> to vector<1024x64xf32>
    %add3A_9 = arith.addf %add3A_7, %slice3A_8 : vector<1024x64xf32>
    %get3A_10 = arith.constant 0 : index
    %get3A_11 = arith.constant 0 : index
    %get3A_12 = vector.load %arg2[%get3A_10, %get3A_11] : memref<2x1024xf32, #tpu.memory_space<vmem>>, vector<2x1024xf32>
    %slice3A_13 = vector.extract_strided_slice %get3A_12 {offsets = [0, 0], sizes = [1, 1024], strides = [1, 1]} : vector<2x1024xf32> to vector<1x1024xf32>
    %squeeze3A = vector.shape_cast %slice3A_13 : vector<1x1024xf32> to vector<1024xf32>
    %slice3A_14 = vector.extract_strided_slice %get3A_12 {offsets = [1, 0], sizes = [1, 1024], strides = [1, 1]} : vector<2x1024xf32> to vector<1x1024xf32>
    %squeeze3A_15 = vector.shape_cast %slice3A_14 : vector<1x1024xf32> to vector<1024xf32>
    %add3A_16 = arith.addf %squeeze3A, %squeeze3A_15 : vector<1024xf32>
    %max3A = arith.constant 1.000000e+00 : f32
    %max3A_17 = vector.broadcast %max3A : f32 to vector<1024xf32>
    %max3A_18 = arith.maximumf %add3A_16, %max3A_17 : vector<1024xf32>
    %broadcast_in_dim3A = vector.shape_cast %max3A_18 : vector<1024xf32> to vector<1024x1xf32>
    %div3A = vector.broadcast %broadcast_in_dim3A : vector<1024x1xf32> to vector<1024x64xf32>
    %div3A_19 = arith.divf %add3A_9, %div3A : vector<1024x64xf32>
    %get3A_20 = arith.constant 0 : index
    %get3A_21 = arith.constant 0 : index
    %get3A_22 = vector.load %arg3[%get3A_20, %get3A_21] : memref<128x64xf32, #tpu.memory_space<vmem>>, vector<128x64xf32>
    %slice3A_23 = vector.extract_strided_slice %get3A_22 {offsets = [0, 0], sizes = [64, 64], strides = [1, 1]} : vector<128x64xf32> to vector<64x64xf32>
    %slice3A_24 = vector.extract_strided_slice %get3A_22 {offsets = [64, 0], sizes = [64, 64], strides = [1, 1]} : vector<128x64xf32> to vector<64x64xf32>
    %add3A_25 = arith.addf %slice3A_23, %slice3A_24 : vector<64x64xf32>
    %dot_general3A = arith.constant dense<0.000000e+00> : vector<1024x64xf32>
    %dot_general3A_26 = tpu.matmul %div3A_19, %add3A_25, %dot_general3A {dimension_numbers = #tpu.dot_dimension_numbers<[1], [0], [0], [1], [0, 0, 1, 1], [], []>, transpose_lhs_hint = false} : vector<1024x64xf32>, vector<64x64xf32>, vector<1024x64xf32> -> vector<1024x64xf32>
    %get3A_27 = arith.constant 0 : index
    %get3A_28 = arith.constant 0 : index
    %get3A_29 = vector.load %arg4[%get3A_27, %get3A_28] : memref<1x64xf32, #tpu.memory_space<vmem>>, vector<1x64xf32>
    %add3A_30 = vector.broadcast %get3A_29 : vector<1x64xf32> to vector<1024x64xf32>
    %add3A_31 = arith.addf %dot_general3A_26, %add3A_30 : vector<1024x64xf32>
    %max3A_32 = arith.constant 0.000000e+00 : f32
    %max3A_33 = vector.broadcast %max3A_32 : f32 to vector<1024x64xf32>
    %max3A_34 = arith.maximumf %add3A_31, %max3A_33 : vector<1024x64xf32>
    %get3A_35 = arith.constant 0 : index
    %get3A_36 = arith.constant 0 : index
    %get3A_37 = vector.load %arg5[%get3A_35, %get3A_36] : memref<64x1xf32, #tpu.memory_space<vmem>>, vector<64x1xf32>
    %dot_general3A_38 = arith.constant dense<0.000000e+00> : vector<1024x1xf32>
    %dot_general3A_39 = tpu.matmul %max3A_34, %get3A_37, %dot_general3A_38 {dimension_numbers = #tpu.dot_dimension_numbers<[1], [0], [0], [1], [0, 0, 1, 1], [], []>, transpose_lhs_hint = false} : vector<1024x64xf32>, vector<64x1xf32>, vector<1024x1xf32> -> vector<1024x1xf32>
    %get3A_40 = arith.constant 0 : index
    %get3A_41 = arith.constant 0 : index
    %get3A_42 = vector.load %arg6[%get3A_40, %get3A_41] : memref<1x1xf32, #tpu.memory_space<vmem>>, vector<1x1xf32>
    %add3A_43 = vector.broadcast %get3A_42 : vector<1x1xf32> to vector<1024x1xf32>
    %add3A_44 = arith.addf %dot_general3A_39, %add3A_43 : vector<1024x1xf32>
    %swap3A = arith.constant 0 : index
    %swap3A_45 = arith.constant 0 : index
    %swap3A_46 = vector.load %arg7[%swap3A, %swap3A_45] : memref<1024x1xf32, #tpu.memory_space<vmem>>, vector<1024x1xf32>
    tpu.vector_store %arg7[%swap3A, %swap3A_45], %add3A_44 {strides = array<i32>} : memref<1024x1xf32, #tpu.memory_space<vmem>>, vector<1024x1xf32>,
    return
  }
}

</mosaic_0001>

<sc_bundles>
// kernel: kernel.11.cloned.1.call-start
scs
__scs_entry_jumppad:
0x0: {  	(pc) =	sbr.rel $0x88, $3  }
0x1: {  	(tag) =	ssettag $0x0;
	lr =	simm.s32 $0x1  }
0x2: {  	[smem:$0x3F8F] =	sst lr;
	_ =	strace $0xD0000000  }
0x3: {  	_ = 	snop  }
0x4: {  	_ = 	snop  }
0x5: {  	_ = 	snop  }
0x6: {  	_ = 	snop  }
0x7: {  	_ = 	snop  }
__scs_overlays_trampoline_lowered:
0x8: {  	[smem:$0x3F9E] =	sst s0  }
0x9: {  	[smem:$0x3F9F] =	sst s1  }
0xa: {  	[smem:$0x3FA0] =	sst s2  }
0xb: {  	[smem:$0x3FA1] =	sst s3  }
0xc: {  	[smem:$0x3FA2] =	sst s4  }
0xd: {  	[smem:$0x3FA3] =	sst s5  }
0xe: {  	[smem:$0x3FA4] =	sst s6  }
0xf: {  	[smem:$0x3FA5] =	sst s7  }
0x10: {  	[smem:$0x3FA6] =	sst s8  }
0x11: {  	[smem:$0x3FA7] =	sst s9;
	s0 =	simm.s32 @!p0 $0x0  }
0x12: {  	s1 =	sld [smem:$0x3F8D];
	s0 =	simm.s32 @p0 $0x1  }
0x13: {  	[smem:$0x3FA8] =	sst s0;
	s0 =	simm.s32 @!p1 $0x0  }
0x14: {  	s2 =	sld [smem:$0x3F8C];
	s0 =	simm.s32 @p1 $0x1  }
0x15: {  	[smem:$0x3FA9] =	sst s0;
	s0 =	simm.s32 @!p2 $0x0  }
0x16: {  	s3 =	sld [smem:$0x3FDB];
	s0 =	simm.s32 @p2 $0x1  }
0x17: {  	s4 =	simm.s32 $0x1BF5;
	[smem:$0x3FAB] =	sst s0  }
0x18: {  	s0 =	sld [smem:$0x3F8E];
	_ =	swait.ge [sflag:s4], $0x0  }
0x19: {  	s7 =	sld [smem:$0x3F8F]  }
0x1a: {  	s8 =	sadd.s32 $0xFFFFE003, lr  }
0x1b: {  	s9 =	sadd.s32 $0xFFFFFEF7, lr;
	s5 =	simm.s32 $0xFFFFFFFF;
	p2 =	slt.u32 s8, $0xFFFFF086  }
0x1c: {  	p1 =	slt.u32 s9, $0xF7A;
	s5 =	simm.s32 @!p2 $0x0  }
0x1d: {  	s5 =	simm.s32 @p1 $0x1;
	p0 =	seq.s32 s7, s2  }
0x1e: {  	s7 =	smul.u32 @!p0 $0xF7A, s2;
	p2 =	seq.s32 @!p0 s5, $0x0  }
0x1f: {  	s9 =	smul.u32 $0xF7A, s1;
	s8 =	simm.s32 @!p0 $0x1BF5;
	p2 =	por !p2, p0  }
0x20: {  	[sflag:s8] =	ssyncset.s32 @!p0 $0xFFFFF086;
	s6 =	sadd.s32 @!p0 s3, s7;
	s7 =	simm.s32 @!p0 $0x108  }
0x21: {  	s3 =	sadd.s32 s3, s9;
	s6 =	sadd.s32 @!p0 $0x88, s6;
	s7 =	simm.s32 @p2 $0x1082  }
0x22: {  	[simem:s7], [sflag:s8] =	dma.local @!p0 [hbm:s6], $0xF7A  }
0x23: {  	s9 =	sor.u32 $0xD0000000, s2;
	s6 =	simm.s32 $0x108;
	_ =	swait.ge @!p0 [sflag:s8], $0x0  }
0x24: {  	s3 =	sadd.s32 $0x88, s3;
	s6 =	simm.s32 @!p1 $0x1082;
	[sflag:s4] =	ssyncset.s32 $0xFFFFF086  }
0x25: {  	[simem:s6], [sflag:s4] =	dma.local [hbm:s3], $0xF7A  }
0x26: {  	[smem:$0x3F8F] =	sst s1;
	(tag) =	ssettag s2;
	_ =	strace s9  }
0x27: {  	s1 =	sld [smem:$0x3F9F]  }
0x28: {  	s2 =	sld [smem:$0x3FA0]  }
0x29: {  	s4 =	sld [smem:$0x3FA2]  }
0x2a: {  	p0 =	seq.s32 s5, $0x0;
	s5 =	sld [smem:$0x3FA3]  }
0x2b: {  	s6 =	sld [smem:$0x3FA4]  }
0x2c: {  	s7 =	sld [smem:$0x3FA5]  }
0x2d: {  	s3 =	simm.s32 $0x108;
	s8 =	sld [smem:$0x3FA6]  }
0x2e: {  	s3 =	simm.s32 @!p0 $0x1082;
	s9 =	sld [smem:$0x3FA7]  }
0x2f: {  	lr =	sadd.s32 s0, s3;
	s0 =	sld [smem:$0x3F9E]  }
0x30: {  	s3 =	sld [smem:$0x3FA1]  }
0x31: {  	[smem:$0x3FAA] =	sst s10  }
0x32: {  	s10 =	sld [smem:$0x3FA8];
	_ =	sdelay $0x3  }
0x33: {  	p0 =	seq.s32 s10, $0x1;
	s10 =	sld [smem:$0x3FAA];
	_ =	sdelay $0x3  }
0x34: {  	[smem:$0x3FAA] =	sst s10  }
0x35: {  	s10 =	sld [smem:$0x3FA9];
	_ =	sdelay $0x3  }
0x36: {  	p1 =	seq.s32 s10, $0x1;
	s10 =	sld [smem:$0x3FAA];
	_ =	sdelay $0x3  }
0x37: {  	[smem:$0x3FAA] =	sst s10  }
0x38: {  	s10 =	sld [smem:$0x3FAB]  }
0x39: {  	_ = 	snop;
	(pc) =	sbr.ind lr, $3  }
0x3a: {  	_ = 	snop  }
0x3b: {  	_ = 	snop  }
0x3c: {  	p2 =	seq.s32 s10, $0x1;
	s10 =	sld [smem:$0x3FAA]  }
0x3d: {  	_ =	shalt  }
0x3e: {  	_ =	shalt  }
0x3f: {  	_ =	shalt  }
0x40: {  	_ =	shalt  }
0x41: {  	_ =	shalt  }
0x42: {  	_ =	shalt  }
0x43: {  	_ =	shalt  }
0x44: {  	_ =	shalt  }
0x45: {  	_ =	shalt  }
0x46: {  	_ =	shalt  }
0x47: {  	_ =	shalt  }
0x48: {  	_ =	shalt  }
0x49: {  	_ =	shalt  }
0x4a: {  	_ =	shalt  }
0x4b: {  	_ =	shalt  }
0x4c: {  	_ =	shalt  }
0x4d: {  	_ =	shalt  }
0x4e: {  	_ =	shalt  }
0x4f: {  	_ =	shalt  }
0x50: {  	_ =	shalt  }
0x51: {  	_ =	shalt  }
0x52: {  	_ =	shalt  }
0x53: {  	_ =	shalt  }
0x54: {  	_ =	shalt  }
0x55: {  	_ =	shalt  }
0x56: {  	_ =	shalt  }
0x57: {  	_ =	shalt  }
0x58: {  	_ =	shalt  }
0x59: {  	_ =	shalt  }
0x5a: {  	_ =	shalt  }
0x5b: {  	_ =	shalt  }
0x5c: {  	_ =	shalt  }
0x5d: {  	_ =	shalt  }
0x5e: {  	_ =	shalt  }
0x5f: {  	_ =	shalt  }
0x60: {  	_ =	shalt  }
0x61: {  	_ =	shalt  }
0x62: {  	_ =	shalt  }
0x63: {  	_ =	shalt  }
0x64: {  	_ =	shalt  }
0x65: {  	_ =	shalt  }
0x66: {  	_ =	shalt  }
0x67: {  	_ =	shalt  }
0x68: {  	_ =	shalt  }
0x69: {  	_ =	shalt  }
0x6a: {  	_ =	shalt  }
0x6b: {  	_ =	shalt  }
0x6c: {  	_ =	shalt  }
0x6d: {  	_ =	shalt  }
0x6e: {  	_ =	shalt  }
0x6f: {  	_ =	shalt  }
0x70: {  	_ =	shalt  }
0x71: {  	_ =	shalt  }
0x72: {  	_ =	shalt  }
0x73: {  	_ =	shalt  }
0x74: {  	_ =	shalt  }
0x75: {  	_ =	shalt  }
0x76: {  	_ =	shalt  }
0x77: {  	_ =	shalt  }
0x78: {  	_ =	shalt  }
0x79: {  	_ =	shalt  }
0x7a: {  	_ =	shalt  }
0x7b: {  	_ =	shalt  }
0x7c: {  	_ =	shalt  }
0x7d: {  	_ =	shalt  }
0x7e: {  	_ =	shalt  }
0x7f: {  	_ =	shalt  }
0x80: {  	_ =	shalt  }
0x81: {  	_ =	shalt  }
0x82: {  	_ =	shalt  }
0x83: {  	_ =	shalt  }
0x84: {  	_ =	shalt  }
0x85: {  	_ =	shalt  }
0x86: {  	_ =	shalt  }
0x87: {  	_ =	shalt  }
.Lfunc_end0:
.L_simem_size_0:
called_computation_lowered:
.L_overlay_start_0:
0x88: {  	s2 =	sld [smem:$0x3FD9]  }
0x89: {  	s3 =	sld [smem:$0x3FFE];
	_ =	sdelay $0x1  }
0x8a: {  	s1 =	srdreg.scid  }
0x8b: {  	s0 =	sand.u32 $0x1, s1  }
0x8c: {  	s17 =	sshll.u32 s0, $0xA;
	s2 =	sadd.s32 s3, s2  }
0x8d: {  	s2 =	sadd.s32 s2, s17  }
0x8e: {  	[smem:$0x3FB6] =	sst s2  }
0x8f: {  	_ = 	snop  }
0x90: {  	s2 =	sld [smem:$0x3FD0];
	(tm) =	ssettm $0x1  }
0x91: {  	s18 =	sld [smem:$0x3FFB];
	_ =	sdelay $0x3  }
0x92: {  	_ =	strace s18  }
0x93: {  	s3 =	sld [smem:$0x3FFC];
	_ =	sdelay $0x3  }
0x94: {  	_ =	strace s3  }
0x95: {  	s3 =	sld [smem:$0x3FFD];
	_ =	sdelay $0x3  }
0x96: {  	_ =	strace s3  }
0x97: {  	_ =	strace $0x8FFFFFFF  }
0x98: {  	s19 =	sld [smem:$0x3FDB];
	_ =	sdelay $0x1  }
0x99: {  	s4 =	simm.s32 $_scs_section_size  }
0x9a: {  	s5 =	simm.s32 $_size__tile_overlayer_lowered;
	s6 =	simm.s32 $_tile_overlayer_lowered  }
0x9b: {  	s22 =	simm.s32 $0x1BFF;
	s21 =	sshll.u32 s6, $0x1;
	s3 =	sadd.s32 s4, s19  }
0x9c: {  	s7 =	simm.s32 $0x0;
	s20 =	sshll.u32 s5, $0x1;
	s5 =	sadd.s32 s21, s3  }
0x9d: {  	[timem:s7], [sflag:s22] =	dma.local [hbm:s5], s20  }
0x9e: {  	_ =	swait.ge [sflag:s22], s20  }
0x9f: {  	s4 =	ssub.s32 $0x0, s20;
	[sflag:s22] =	ssyncset.done $0x0  }
0xa0: {  	[sflag:s22] =	ssyncadd.s32 s4;
	_ =	sdelay $0x1  }
0xa1: {  	s23 =	simm.s32 $0x1B8B  }
0xa2: {  	_ =	swait.ge [sflag:s23], $0x1  }
0xa3: {  	[sflag:s23] =	ssyncset.done $0x0  }
0xa4: {  	s25 =	simm.s32 $0x1B8E;
	s24 =	sld [smem:$0x3FFE];
	[sflag:s23] =	ssyncadd.s32 $0xFFFFFFFF  }
0xa5: {  	s26 =	simm.s32 $execute0_lowered;
	[smem:$0x3FD2] =	sst s25  }
0xa6: {  	s5 =	sshll.u32 s26, $0x1;
	_ =	strace $0x80000046;
	[dreg:$0x1] =	wrdreg $0xFFFFFFFF  }
0xa7: {  	s28 =	simm.s32 $_size_execute0_lowered;
	s3 =	sadd.s32 s3, s5;
	[dreg:$0x0] =	wrdreg $0x0  }
0xa8: {  	s5 =	sshll.u32 s28, $0x1;
	[dreg:$0x2] =	wrdreg s3  }
0xa9: {  	[dreg:$0x3] =	wrdreg s5  }
0xaa: {  	[dreg:$0x4] =	wrdreg $0xC0  }
0xab: {  	_ =	task [dreg:s7], $0x5FFFF  }
0xac: {  	[dreg:$0x1] =	wrdreg $0xFFFFFFFF  }
0xad: {  	[dreg:$0x0] =	wrdreg $0x60  }
0xae: {  	[dreg:$0x2] =	wrdreg s24  }
0xaf: {  	[dreg:$0x3] =	wrdreg s2  }
0xb0: {  	[dreg:$0x4] =	wrdreg $0x0  }
0xb1: {  	[dreg:$0x5] =	wrdreg $0xD000  }
0xb2: {  	[dreg:$0x6] =	wrdreg $0x9  }
0xb3: {  	_ =	task.clear_ibuf [dreg:s7], $0x7FFFF;
	_ =	strace $0x90000046  }
0xb4: {  	s29 =	simm.s32 $0x9;
	_ =	strace $0x80000048  }
0xb5: {  	_ =	swait.ge [sflag:s29], $0x1  }
0xb6: {  	[sflag:s29] =	ssyncadd.s32 $0xFFFFFFFF  }
0xb7: {  	_ =	strace $0x90000048  }
0xb8: {  	_ =	sfence  }
0xb9: {  	s30 =	sld [smem:$0x0];
	_ =	sdelay $0x2  }
0xba: {  	s31 =	sshll.u32 s1, $0xD;
	s1 =	sshrl.u32 s1, $0x2  }
0xbb: {  	s3 =	sand.u32 $0x4000, s31;
	s1 =	sadd.s32 s1, s30  }
0xbc: {  	s0 =	sor.u32 s3, s0;
	s1 =	sshll.u32 s1, $0x11  }
0xbd: {  	s0 =	sor.u32 s1, s0  }
0xbe: {  	s0 =	sadd.s32 $0x8F2B, s0  }
0xbf: {  	[sflag:s0] =	ssyncadd.remote.s32 $0x1  }
0xc0: {  	_ =	sfence.sel $0xFFFF  }
0xc1: {  	[dreg:$0x0] =	wrdreg $0xFFFFFFFF;
	(pc) =	sbr.abs _section_cstart, $3  }
0xc2: {  	[dreg:$0x1] =	wrdreg $0xFFFFFFFF  }
0xc3: {  	_ =	task.clear_ibuf [dreg:s7], $0x2FFFF;
	_ =	strace $0x9FFFFFFF  }
0xc4: {  	(tm) =	ssettm $0x7FFFFFFF  }
0xc5: {  	_ =	shalt  }
tec
execute0_lowered:
.L_overlay_start_1:
0x0: {  	(tag) =	ssettag $0x1  }
0x1: {  	s2 =	rddreg [dreg:$0x0]  }
0x2: {  	s0 =	rddreg [dreg:$0x1]  }
0x3: {  	s1 =	rddreg [dreg:$0x2]  }
0x4: {  	s4 =	srdreg.scid;
	s3 =	rddreg [dreg:$0x3]  }
0x5: {  	s18 =	stileid.u32;
	s28 =	simm.s32 $0x7540;
	s29 =	simm.s32 $0x75C0  }
0x6: {  	s30 =	simm.s32 $0x7640;
	s31 =	simm.s32 $0x76C0;
	s7 =	smul.u32 $0xC80, s18  }
0x7: {  	s5 =	sand.u32 $0x1, s4;
	s4 =	simm.s32 $0x0;
	s9 =	smul.u32 $0xD00, s18  }
0x8: {  	s13 =	sshll.u32 s18, $0x7;
	s26 =	sshll.u32 s18, $0x6;
	p0 =	sne.s32 s18, $0x0  }
0x9: {  	p2 =	sgt.u32 s18, $0x7;
	s6 =	smul.u32 $0xC800, s5;
	[smem:$0x7FF] =	sst s4  }
0xa: {  	s8 =	sshll.u32 s5, $0x4;
	s10 =	smul.u32 $0xD000, s5;
	s22 =	sshll.u32 s5, $0xA  }
0xb: {  	s5 =	ssub.s32 $0x2, s5;
	_ =	strace $0x80000047;
	s15 =	sor.u32 s18, s8  }
0xc: {  	s19 =	sshrl.u32 s9, $0x3;
	s8 =	sadd.s32 s13, s22;
	s25 =	sshrl.u32 s5, $0x1  }
0xd: {  	s16 =	sadd.s32 s9, s1;
	s18 =	simm.s32 $0x77C0;
	s6 =	sadd.s32 s7, s6  }
0xe: {  	s17 =	sshll.u32 s15, $0x8;
	s20 =	sadd.s32 s19, s2;
	s21 =	sadd.s32 s9, s10  }
0xf: {  	s24 =	sshrl.u32 s8, $0x3;
	s14 =	ssub.s32 s5, s25;
	p1 =	sgt.u32 s15, $0x19  }
0x10: {  	s15 =	simm.s32 $0xD40;
	s19 =	simm.s32 $0x7840;
	s11 =	sadd.s32 s6, s2  }
0x11: {  	s12 =	sadd.s32 s17, s2;
	s7 =	sshrl.u32 s21, $0x3;
	s5 =	sadd.s32 $0x1F000, s20  }
0x12: {  	s6 =	sor.u32 $0x1C01, s26;
	s17 =	simm.s32 $0x7940;
	s26 =	simm.s32 $0x74C0  }
0x13: {  	s20 =	simm.s32 $0x78C0;
	s21 =	simm.s32 $0x0;
	s23 =	sadd.s32 s7, s2  }
.Ltmp0:
0x14: {  	s2 =	sadd.s32 s24, s2;
	s7 =	sadd.s32 $0x4600, s11;
	(pc) =	sbr.rel .LBB2_1-.Ltmp0, $4  }
0x15: {  	s8 =	sadd.s32 $0x1D600, s12;
	s11 =	smax.u32 s14, $0x1;
	s12 =	sshrl.u32 s16, $0x3  }
0x16: {  	s14 =	sshrl.u32 @!p0 s3, $0x3;
	s16 =	simm.s32 $0x80;
	s24 =	simm.s32 $0x7440  }
0x17: {  	s9 =	sadd.s32 $0x20A00, s23;
	s10 =	sadd.s32 $0x23E00, s2;
	s2 =	sadd.s32 s13, s3  }
0x18: {  	v0 =	vimm.f32 $1.000000000e+00;
	s13 =	simm.s32 $0x1;
	s25 =	sshrl.u32 @!p2 s2, $0x3;
	s2 =	simm.s32 $0x7740  }
.LBB2_5:
0x19: {  	[bflag:$0x0] =	sbarrier.arrive $0xFFFF  }
0x1a: {  	[hbm:s9], [sflag:s6] =	dma.local [spmem:s12], $0x1A0  }
0x1b: {  	s21 =	sadd.s32 $0x1, s21;
	_ =	swait.ge [sflag:s13], $0x1A0  }
0x1c: {  	p3 =	sne.s32 s21, s11;
	[sflag:s13] =	ssyncset.done $0x0  }
.Ltmp1:
0x1d: {  	s22 =	simm.s32 @!p2 $0x1;
	[sflag:s13] =	ssyncadd.s32 $0xFFFFFE60;
	(pc) =	sbr.rel @!p3 .LBB2_6-.Ltmp1, $4  }
0x1e: {  	[hbm:s10], [sflag:s6] =	dma.local @!p2 [spmem:s25], $0x10  }
0x1f: {  	_ =	swait.ge @!p2 [sflag:s22], $0x10  }
0x20: {  	[sflag:s22] =	ssyncset.done @!p2 $0x0  }
0x21: {  	[sflag:s22] =	ssyncadd.s32 @!p2 $0xFFFFFFF0  }
.LBB2_1:
0x22: {  	[spmem:s12], [sflag:s6] =	dma.local [hbm:s5], $0x1A0  }
0x23: {  	_ =	swait.ge [sflag:s13], $0x1A0  }
0x24: {  	[sflag:s13] =	ssyncset.done $0x0  }
0x25: {  	s22 =	simm.s32 @!p0 $0x1;
	[sflag:s13] =	ssyncadd.s32 $0xFFFFFE60  }
0x26: {  	[spmem:s14], [sflag:s6] =	dma.local @!p0 [hbm:s0], $0x80  }
0x27: {  	_ =	swait.ge @!p0 [sflag:s22], $0x80  }
0x28: {  	[sflag:s22] =	ssyncset.done @!p0 $0x0  }
0x29: {  	[sflag:s22] =	ssyncadd.s32 @!p0 $0xFFFFFF80  }
0x2a: {  	[tilespmem:$0x7940] =	vst v0  }
0x2b: {  	[tilespmem:$0x7950] =	vst v0  }
0x2c: {  	[tilespmem:$0x7960] =	vst v0  }
0x2d: {  	[tilespmem:$0x7970] =	vst v0  }
0x2e: {  	[tilespmem:$0x7980] =	vst v0  }
0x2f: {  	[tilespmem:$0x7990] =	vst v0  }
0x30: {  	[tilespmem:$0x79A0] =	vst v0  }
0x31: {  	[tilespmem:$0x79B0] =	vst v0  }
0x32: {  	[tilespmem:s15], [sflag:$0x1] =	stream.linear.gather [hbm4b:s7+s4], $0x6400, $0x38;
	[tilespmem:$0x79C0] =	vst v63  }
0x33: {  	_ =	swait.ge [sflag:s13], $0x6400  }
0x34: {  	[sflag:s13] =	ssyncset.done $0x0  }
0x35: {  	s23 =	simm.s32 @!p1 $0x7140;
	s22 =	simm.s32 @!p1 $0x0;
	[sflag:s13] =	ssyncadd.s32 $0xFFFF9C00  }
0x36: {  	[tilespmem:s23], [sflag:$0x1] =	stream.linear.gather @!p1 [hbm4b:s8+s22], $0x800, $0x38;
	[tilespmem:$0x79C0] =	vst v63  }
0x37: {  	s22 =	simm.s32 @!p1 $0x1  }
0x38: {  	_ =	swait.ge @!p1 [sflag:s22], $0x800  }
0x39: {  	[sflag:s22] =	ssyncset.done @!p1 $0x0  }
0x3a: {  	[sflag:s22] =	ssyncadd.s32 @!p1 $0xFFFFF800  }
0x3b: {  	s23 =	simm.s32 $0xD40;
	[bflag:$0x0] =	sbarrier.arrive $0xFFFF  }
0x3c: {  	[spmem:s1] =	stream.indirect.scatter.add.f32 [tilespmem:s17], [sflag:$0x1], $0x1, s23, s16, $0xb8;
	[tilespmem:$0x79C0] =	vst v63  }
0x3d: {  	s22 =	simm.s32 $0x200;
	_ =	swait.ge [sflag:s13], $0x80  }
.LBB2_2:
0x3e: {  	s23 =	sshra.s32 s22, $0x2;
	[sflag:s13] =	ssyncset.done $0x0;
	p3 =	sne.s32 s22, $0x18E00  }
.Ltmp2:
0x3f: {  	s23 =	sadd.s32 $0xD40, s23;
	[sflag:s13] =	ssyncadd.s32 $0xFFFFFF80;
	(pc) =	sbr.rel @p3 .LBB2_2-.Ltmp2, $3  }
0x40: {  	[spmem:s1] =	stream.indirect.scatter.add.f32 [tilespmem:s17], [sflag:$0x1], $0x1, s23, s16, $0xb8;
	[tilespmem:$0x79C0] =	vst v63  }
0x41: {  	s22 =	sadd.s32 $0x200, s22;
	_ =	sdelay $0x1  }
0x42: {  	_ =	swait.ge [sflag:s13], $0x80  }
.Ltmp3:
0x43: {  	(pc) =	sbr.rel @p1 .LBB2_5-.Ltmp3, $3  }
0x44: {  	_ =	sdelay $0x1  }
0x45: {  	[sflag:s13] =	ssyncset.done $0x0  }
0x46: {  	[sflag:s13] =	ssyncadd.s32 $0xFFFFFF80  }
0x47: {  	s22 =	simm.s32 $0x7140  }
0x48: {  	[spmem:s3] =	stream.indirect.scatter.add.f32 [tilespmem:s17], [sflag:$0x1], $0x1, s22, s16, $0xb8;
	[tilespmem:$0x79C0] =	vst v63  }
0x49: {  	_ =	swait.ge [sflag:s13], $0x80  }
0x4a: {  	[sflag:s13] =	ssyncset.done $0x0  }
0x4b: {  	s23 =	simm.s32 $0x71C0;
	[sflag:s13] =	ssyncadd.s32 $0xFFFFFF80  }
0x4c: {  	[spmem:s3] =	stream.indirect.scatter.add.f32 [tilespmem:s17], [sflag:$0x1], $0x1, s23, s16, $0xb8;
	[tilespmem:$0x79C0] =	vst v63  }
0x4d: {  	_ =	swait.ge [sflag:s13], $0x80  }
0x4e: {  	[sflag:s13] =	ssyncset.done $0x0  }
0x4f: {  	s23 =	simm.s32 $0x7240;
	[sflag:s13] =	ssyncadd.s32 $0xFFFFFF80  }
0x50: {  	[spmem:s3] =	stream.indirect.scatter.add.f32 [tilespmem:s17], [sflag:$0x1], $0x1, s23, s16, $0xb8;
	[tilespmem:$0x79C0] =	vst v63  }
0x51: {  	_ =	swait.ge [sflag:s13], $0x80  }
0x52: {  	[sflag:s13] =	ssyncset.done $0x0  }
0x53: {  	s23 =	simm.s32 $0x72C0;
	[sflag:s13] =	ssyncadd.s32 $0xFFFFFF80  }
0x54: {  	[spmem:s3] =	stream.indirect.scatter.add.f32 [tilespmem:s17], [sflag:$0x1], $0x1, s23, s16, $0xb8;
	[tilespmem:$0x79C0] =	vst v63  }
0x55: {  	_ =	swait.ge [sflag:s13], $0x80  }
0x56: {  	[sflag:s13] =	ssyncset.done $0x0  }
0x57: {  	s23 =	simm.s32 $0x7340;
	[sflag:s13] =	ssyncadd.s32 $0xFFFFFF80  }
0x58: {  	[spmem:s3] =	stream.indirect.scatter.add.f32 [tilespmem:s17], [sflag:$0x1], $0x1, s23, s16, $0xb8;
	[tilespmem:$0x79C0] =	vst v63  }
0x59: {  	_ =	swait.ge [sflag:s13], $0x80  }
0x5a: {  	[sflag:s13] =	ssyncset.done $0x0  }
0x5b: {  	s23 =	simm.s32 $0x73C0;
	[sflag:s13] =	ssyncadd.s32 $0xFFFFFF80  }
0x5c: {  	[spmem:s3] =	stream.indirect.scatter.add.f32 [tilespmem:s17], [sflag:$0x1], $0x1, s23, s16, $0xb8;
	[tilespmem:$0x79C0] =	vst v63  }
0x5d: {  	_ =	swait.ge [sflag:s13], $0x80  }
0x5e: {  	[sflag:s13] =	ssyncset.done $0x0  }
0x5f: {  	[sflag:s13] =	ssyncadd.s32 $0xFFFFFF80  }
0x60: {  	[spmem:s3] =	stream.indirect.scatter.add.f32 [tilespmem:s17], [sflag:$0x1], $0x1, s24, s16, $0xb8;
	[tilespmem:$0x79C0] =	vst v63  }
0x61: {  	_ =	swait.ge [sflag:s13], $0x80  }
0x62: {  	[sflag:s13] =	ssyncset.done $0x0  }
0x63: {  	[sflag:s13] =	ssyncadd.s32 $0xFFFFFF80  }
0x64: {  	[spmem:s3] =	stream.indirect.scatter.add.f32 [tilespmem:s17], [sflag:$0x1], $0x1, s26, s16, $0xb8;
	[tilespmem:$0x79C0] =	vst v63  }
0x65: {  	_ =	swait.ge [sflag:s13], $0x80  }
0x66: {  	[sflag:s13] =	ssyncset.done $0x0  }
0x67: {  	[sflag:s13] =	ssyncadd.s32 $0xFFFFFF80  }
0x68: {  	[spmem:s3] =	stream.indirect.scatter.add.f32 [tilespmem:s17], [sflag:$0x1], $0x1, s28, s16, $0xb8;
	[tilespmem:$0x79C0] =	vst v63  }
0x69: {  	_ =	swait.ge [sflag:s13], $0x80  }
0x6a: {  	[sflag:s13] =	ssyncset.done $0x0  }
0x6b: {  	[sflag:s13] =	ssyncadd.s32 $0xFFFFFF80  }
0x6c: {  	[spmem:s3] =	stream.indirect.scatter.add.f32 [tilespmem:s17], [sflag:$0x1], $0x1, s29, s16, $0xb8;
	[tilespmem:$0x79C0] =	vst v63  }
0x6d: {  	_ =	swait.ge [sflag:s13], $0x80  }
0x6e: {  	[sflag:s13] =	ssyncset.done $0x0  }
0x6f: {  	[sflag:s13] =	ssyncadd.s32 $0xFFFFFF80  }
0x70: {  	[spmem:s3] =	stream.indirect.scatter.add.f32 [tilespmem:s17], [sflag:$0x1], $0x1, s30, s16, $0xb8;
	[tilespmem:$0x79C0] =	vst v63  }
0x71: {  	_ =	swait.ge [sflag:s13], $0x80  }
0x72: {  	[sflag:s13] =	ssyncset.done $0x0  }
0x73: {  	[sflag:s13] =	ssyncadd.s32 $0xFFFFFF80  }
0x74: {  	[spmem:s3] =	stream.indirect.scatter.add.f32 [tilespmem:s17], [sflag:$0x1], $0x1, s31, s16, $0xb8;
	[tilespmem:$0x79C0] =	vst v63  }
0x75: {  	_ =	swait.ge [sflag:s13], $0x80  }
0x76: {  	[sflag:s13] =	ssyncset.done $0x0  }
0x77: {  	[sflag:s13] =	ssyncadd.s32 $0xFFFFFF80  }
0x78: {  	[spmem:s3] =	stream.indirect.scatter.add.f32 [tilespmem:s17], [sflag:$0x1], $0x1, s2, s16, $0xb8;
	[tilespmem:$0x79C0] =	vst v63  }
0x79: {  	_ =	swait.ge [sflag:s13], $0x80  }
0x7a: {  	[sflag:s13] =	ssyncset.done $0x0  }
0x7b: {  	[sflag:s13] =	ssyncadd.s32 $0xFFFFFF80  }
0x7c: {  	[spmem:s3] =	stream.indirect.scatter.add.f32 [tilespmem:s17], [sflag:$0x1], $0x1, s18, s16, $0xb8;
	[tilespmem:$0x79C0] =	vst v63  }
0x7d: {  	_ =	swait.ge [sflag:s13], $0x80  }
0x7e: {  	[sflag:s13] =	ssyncset.done $0x0  }
0x7f: {  	[sflag:s13] =	ssyncadd.s32 $0xFFFFFF80  }
0x80: {  	[spmem:s3] =	stream.indirect.scatter.add.f32 [tilespmem:s17], [sflag:$0x1], $0x1, s19, s16, $0xb8;
	[tilespmem:$0x79C0] =	vst v63  }
0x81: {  	_ =	swait.ge [sflag:s13], $0x80  }
0x82: {  	[sflag:s13] =	ssyncset.done $0x0  }
.Ltmp4:
0x83: {  	[sflag:s13] =	ssyncadd.s32 $0xFFFFFF80;
	(pc) =	sbr.rel .LBB2_5-.Ltmp4, $4  }
0x84: {  	[spmem:s3] =	stream.indirect.scatter.add.f32 [tilespmem:s17], [sflag:$0x1], $0x1, s20, s16, $0xb8;
	[tilespmem:$0x79C0] =	vst v63  }
0x85: {  	_ =	swait.ge [sflag:s13], $0x80  }
0x86: {  	[sflag:s13] =	ssyncset.done $0x0  }
0x87: {  	[sflag:s13] =	ssyncadd.s32 $0xFFFFFF80  }
.LBB2_6:
0x88: {  	_ =	sfence.sel $0x180000  }
0x89: {  	[bflag:$0x0] =	sbarrier.arrive $0xFFFF  }
0x8a: {  	_ =	strace $0x90000047  }
0x8b: {  	[bflag:$0x2] =	sbarrier.arrive $0xFFFF  }
0x8c: {  	s0 =	rddreg [dreg:$0x4]  }
0x8d: {  	s0 =	sadd.s32 @!p0 $0x100000, s0  }
0x8e: {  	[sflag:s0] =	ssyncadd.tile.s32 @!p0 $0x1;
	_ =	shalt  }
.Lfunc_end2:
_tile_overlayer_lowered:
.L_overlay_start_2:
0x8f: {  	(tag) =	ssettag $0x2  }
0x90: {  	s0 =	rddreg [dreg:$0x0];
	s2 =	stileid.u32  }
0x91: {  	s1 =	rddreg [dreg:$0x1];
	p0 =	sne.s32 s2, $0x0  }
0x92: {  	s3 =	rddreg [dreg:$0x2];
	[bflag:$0x3] =	sbarrier.arrive $0xFFFF;
	s2 =	simm.s32 @!p0 $0x1C01  }
0x93: {  	[timem:s3], [sflag:s2] =	dma.local @!p0 [hbm:s0], s1  }
0x94: {  	s0 =	simm.s32 @!p0 $0x1  }
0x95: {  	_ =	swait.ge @!p0 [sflag:s0], s1  }
0x96: {  	s1 =	ssub.s32 @!p0 $0x0, s1;
	[sflag:s0] =	ssyncset.done @!p0 $0x0  }
0x97: {  	[sflag:s0] =	ssyncadd.s32 @!p0 s1  }
0x98: {  	[bflag:$0x3] =	sbarrier.arrive $0xFFFF  }
0x99: {  	_ =	shalt  }

// kernel: kernel.14.cloned.1.call-start
scs
__scs_entry_jumppad:
0x0: {  	(pc) =	sbr.rel $0x88, $3  }
0x1: {  	(tag) =	ssettag $0x0;
	lr =	simm.s32 $0x1  }
0x2: {  	[smem:$0x3F8F] =	sst lr;
	_ =	strace $0xD0000000  }
0x3: {  	_ = 	snop  }
0x4: {  	_ = 	snop  }
0x5: {  	_ = 	snop  }
0x6: {  	_ = 	snop  }
0x7: {  	_ = 	snop  }
__scs_overlays_trampoline_lowered:
0x8: {  	[smem:$0x3F9E] =	sst s0  }
0x9: {  	[smem:$0x3F9F] =	sst s1  }
0xa: {  	[smem:$0x3FA0] =	sst s2  }
0xb: {  	[smem:$0x3FA1] =	sst s3  }
0xc: {  	[smem:$0x3FA2] =	sst s4  }
0xd: {  	[smem:$0x3FA3] =	sst s5  }
0xe: {  	[smem:$0x3FA4] =	sst s6  }
0xf: {  	[smem:$0x3FA5] =	sst s7  }
0x10: {  	[smem:$0x3FA6] =	sst s8  }
0x11: {  	[smem:$0x3FA7] =	sst s9;
	s0 =	simm.s32 @!p0 $0x0  }
0x12: {  	s1 =	sld [smem:$0x3F8D];
	s0 =	simm.s32 @p0 $0x1  }
0x13: {  	[smem:$0x3FA8] =	sst s0;
	s0 =	simm.s32 @!p1 $0x0  }
0x14: {  	s2 =	sld [smem:$0x3F8C];
	s0 =	simm.s32 @p1 $0x1  }
0x15: {  	[smem:$0x3FA9] =	sst s0;
	s0 =	simm.s32 @!p2 $0x0  }
0x16: {  	s3 =	sld [smem:$0x3FDB];
	s0 =	simm.s32 @p2 $0x1  }
0x17: {  	s4 =	simm.s32 $0x1BF5;
	[smem:$0x3FAB] =	sst s0  }
0x18: {  	s0 =	sld [smem:$0x3F8E];
	_ =	swait.ge [sflag:s4], $0x0  }
0x19: {  	s7 =	sld [smem:$0x3F8F]  }
0x1a: {  	s8 =	sadd.s32 $0xFFFFE003, lr  }
0x1b: {  	s9 =	sadd.s32 $0xFFFFFEF7, lr;
	s5 =	simm.s32 $0xFFFFFFFF;
	p2 =	slt.u32 s8, $0xFFFFF086  }
0x1c: {  	p1 =	slt.u32 s9, $0xF7A;
	s5 =	simm.s32 @!p2 $0x0  }
0x1d: {  	s5 =	simm.s32 @p1 $0x1;
	p0 =	seq.s32 s7, s2  }
0x1e: {  	s7 =	smul.u32 @!p0 $0xF7A, s2;
	p2 =	seq.s32 @!p0 s5, $0x0  }
0x1f: {  	s9 =	smul.u32 $0xF7A, s1;
	s8 =	simm.s32 @!p0 $0x1BF5;
	p2 =	por !p2, p0  }
0x20: {  	[sflag:s8] =	ssyncset.s32 @!p0 $0xFFFFF086;
	s6 =	sadd.s32 @!p0 s3, s7;
	s7 =	simm.s32 @!p0 $0x108  }
0x21: {  	s3 =	sadd.s32 s3, s9;
	s6 =	sadd.s32 @!p0 $0x88, s6;
	s7 =	simm.s32 @p2 $0x1082  }
0x22: {  	[simem:s7], [sflag:s8] =	dma.local @!p0 [hbm:s6], $0xF7A  }
0x23: {  	s9 =	sor.u32 $0xD0000000, s2;
	s6 =	simm.s32 $0x108;
	_ =	swait.ge @!p0 [sflag:s8], $0x0  }
0x24: {  	s3 =	sadd.s32 $0x88, s3;
	s6 =	simm.s32 @!p1 $0x1082;
	[sflag:s4] =	ssyncset.s32 $0xFFFFF086  }
0x25: {  	[simem:s6], [sflag:s4] =	dma.local [hbm:s3], $0xF7A  }
0x26: {  	[smem:$0x3F8F] =	sst s1;
	(tag) =	ssettag s2;
	_ =	strace s9  }
0x27: {  	s1 =	sld [smem:$0x3F9F]  }
0x28: {  	s2 =	sld [smem:$0x3FA0]  }
0x29: {  	s4 =	sld [smem:$0x3FA2]  }
0x2a: {  	p0 =	seq.s32 s5, $0x0;
	s5 =	sld [smem:$0x3FA3]  }
0x2b: {  	s6 =	sld [smem:$0x3FA4]  }
0x2c: {  	s7 =	sld [smem:$0x3FA5]  }
0x2d: {  	s3 =	simm.s32 $0x108;
	s8 =	sld [smem:$0x3FA6]  }
0x2e: {  	s3 =	simm.s32 @!p0 $0x1082;
	s9 =	sld [smem:$0x3FA7]  }
0x2f: {  	lr =	sadd.s32 s0, s3;
	s0 =	sld [smem:$0x3F9E]  }
0x30: {  	s3 =	sld [smem:$0x3FA1]  }
0x31: {  	[smem:$0x3FAA] =	sst s10  }
0x32: {  	s10 =	sld [smem:$0x3FA8];
	_ =	sdelay $0x3  }
0x33: {  	p0 =	seq.s32 s10, $0x1;
	s10 =	sld [smem:$0x3FAA];
	_ =	sdelay $0x3  }
0x34: {  	[smem:$0x3FAA] =	sst s10  }
0x35: {  	s10 =	sld [smem:$0x3FA9];
	_ =	sdelay $0x3  }
0x36: {  	p1 =	seq.s32 s10, $0x1;
	s10 =	sld [smem:$0x3FAA];
	_ =	sdelay $0x3  }
0x37: {  	[smem:$0x3FAA] =	sst s10  }
0x38: {  	s10 =	sld [smem:$0x3FAB]  }
0x39: {  	_ = 	snop;
	(pc) =	sbr.ind lr, $3  }
0x3a: {  	_ = 	snop  }
0x3b: {  	_ = 	snop  }
0x3c: {  	p2 =	seq.s32 s10, $0x1;
	s10 =	sld [smem:$0x3FAA]  }
0x3d: {  	_ =	shalt  }
0x3e: {  	_ =	shalt  }
0x3f: {  	_ =	shalt  }
0x40: {  	_ =	shalt  }
0x41: {  	_ =	shalt  }
0x42: {  	_ =	shalt  }
0x43: {  	_ =	shalt  }
0x44: {  	_ =	shalt  }
0x45: {  	_ =	shalt  }
0x46: {  	_ =	shalt  }
0x47: {  	_ =	shalt  }
0x48: {  	_ =	shalt  }
0x49: {  	_ =	shalt  }
0x4a: {  	_ =	shalt  }
0x4b: {  	_ =	shalt  }
0x4c: {  	_ =	shalt  }
0x4d: {  	_ =	shalt  }
0x4e: {  	_ =	shalt  }
0x4f: {  	_ =	shalt  }
0x50: {  	_ =	shalt  }
0x51: {  	_ =	shalt  }
0x52: {  	_ =	shalt  }
0x53: {  	_ =	shalt  }
0x54: {  	_ =	shalt  }
0x55: {  	_ =	shalt  }
0x56: {  	_ =	shalt  }
0x57: {  	_ =	shalt  }
0x58: {  	_ =	shalt  }
0x59: {  	_ =	shalt  }
0x5a: {  	_ =	shalt  }
0x5b: {  	_ =	shalt  }
0x5c: {  	_ =	shalt  }
0x5d: {  	_ =	shalt  }
0x5e: {  	_ =	shalt  }
0x5f: {  	_ =	shalt  }
0x60: {  	_ =	shalt  }
0x61: {  	_ =	shalt  }
0x62: {  	_ =	shalt  }
0x63: {  	_ =	shalt  }
0x64: {  	_ =	shalt  }
0x65: {  	_ =	shalt  }
0x66: {  	_ =	shalt  }
0x67: {  	_ =	shalt  }
0x68: {  	_ =	shalt  }
0x69: {  	_ =	shalt  }
0x6a: {  	_ =	shalt  }
0x6b: {  	_ =	shalt  }
0x6c: {  	_ =	shalt  }
0x6d: {  	_ =	shalt  }
0x6e: {  	_ =	shalt  }
0x6f: {  	_ =	shalt  }
0x70: {  	_ =	shalt  }
0x71: {  	_ =	shalt  }
0x72: {  	_ =	shalt  }
0x73: {  	_ =	shalt  }
0x74: {  	_ =	shalt  }
0x75: {  	_ =	shalt  }
0x76: {  	_ =	shalt  }
0x77: {  	_ =	shalt  }
0x78: {  	_ =	shalt  }
0x79: {  	_ =	shalt  }
0x7a: {  	_ =	shalt  }
0x7b: {  	_ =	shalt  }
0x7c: {  	_ =	shalt  }
0x7d: {  	_ =	shalt  }
0x7e: {  	_ =	shalt  }
0x7f: {  	_ =	shalt  }
0x80: {  	_ =	shalt  }
0x81: {  	_ =	shalt  }
0x82: {  	_ =	shalt  }
0x83: {  	_ =	shalt  }
0x84: {  	_ =	shalt  }
0x85: {  	_ =	shalt  }
0x86: {  	_ =	shalt  }
0x87: {  	_ =	shalt  }
.Lfunc_end0:
.L_simem_size_0:
called_computation.1_lowered:
.L_overlay_start_0:
0x88: {  	s2 =	sld [smem:$0x3FD9]  }
0x89: {  	s3 =	sld [smem:$0x3FFE];
	_ =	sdelay $0x1  }
0x8a: {  	s1 =	srdreg.scid  }
0x8b: {  	s0 =	sand.u32 $0x1, s1  }
0x8c: {  	s16 =	sshll.u32 s0, $0xA;
	s2 =	sadd.s32 s3, s2  }
0x8d: {  	s2 =	sadd.s32 s2, s16  }
0x8e: {  	[smem:$0x3FB6] =	sst s2  }
0x8f: {  	_ = 	snop  }
0x90: {  	(tm) =	ssettm $0x1  }
0x91: {  	s17 =	sld [smem:$0x3FFB];
	_ =	sdelay $0x3  }
0x92: {  	_ =	strace s17  }
0x93: {  	s2 =	sld [smem:$0x3FFC];
	_ =	sdelay $0x3  }
0x94: {  	_ =	strace s2  }
0x95: {  	s2 =	sld [smem:$0x3FFD];
	_ =	sdelay $0x3  }
0x96: {  	_ =	strace s2  }
0x97: {  	_ =	strace $0x8FFFFFFF  }
0x98: {  	s18 =	sld [smem:$0x3FDB];
	_ =	sdelay $0x1  }
0x99: {  	s19 =	simm.s32 $_scs_section_size  }
0x9a: {  	s4 =	simm.s32 $_size__tile_overlayer_lowered;
	s5 =	simm.s32 $_tile_overlayer_lowered  }
0x9b: {  	s22 =	simm.s32 $0x1BFF;
	s21 =	sshll.u32 s5, $0x1;
	s2 =	sadd.s32 s19, s18  }
0x9c: {  	s6 =	simm.s32 $0x0;
	s20 =	sshll.u32 s4, $0x1;
	s4 =	sadd.s32 s21, s2  }
0x9d: {  	[timem:s6], [sflag:s22] =	dma.local [hbm:s4], s20  }
0x9e: {  	_ =	swait.ge [sflag:s22], s20  }
0x9f: {  	s3 =	ssub.s32 $0x0, s20;
	[sflag:s22] =	ssyncset.done $0x0  }
0xa0: {  	[sflag:s22] =	ssyncadd.s32 s3;
	_ =	sdelay $0x1  }
0xa1: {  	s23 =	simm.s32 $0x1B8B  }
0xa2: {  	_ =	swait.ge [sflag:s23], $0x1  }
0xa3: {  	[sflag:s23] =	ssyncset.done $0x0  }
0xa4: {  	s25 =	simm.s32 $0x1B8E;
	s24 =	sld [smem:$0x3FFE];
	[sflag:s23] =	ssyncadd.s32 $0xFFFFFFFF  }
0xa5: {  	s26 =	simm.s32 $execute0_lowered;
	[smem:$0x3FD2] =	sst s25  }
0xa6: {  	s4 =	sshll.u32 s26, $0x1;
	_ =	strace $0x80000049;
	[dreg:$0x1] =	wrdreg $0xFFFFFFFF  }
0xa7: {  	s28 =	simm.s32 $_size_execute0_lowered;
	s2 =	sadd.s32 s2, s4;
	[dreg:$0x0] =	wrdreg $0x0  }
0xa8: {  	s4 =	sshll.u32 s28, $0x1;
	[dreg:$0x2] =	wrdreg s2  }
0xa9: {  	[dreg:$0x3] =	wrdreg s4  }
0xaa: {  	[dreg:$0x4] =	wrdreg $0xC0  }
0xab: {  	_ =	task [dreg:s6], $0x5FFFF  }
0xac: {  	[dreg:$0x1] =	wrdreg $0xFFFFFFFF  }
0xad: {  	[dreg:$0x0] =	wrdreg $0x60  }
0xae: {  	[dreg:$0x2] =	wrdreg s24  }
0xaf: {  	[dreg:$0x3] =	wrdreg $0x0  }
0xb0: {  	[dreg:$0x4] =	wrdreg $0x9  }
0xb1: {  	_ =	task.clear_ibuf [dreg:s6], $0x5FFFF;
	_ =	strace $0x90000049  }
0xb2: {  	s29 =	simm.s32 $0x9;
	_ =	strace $0x8000004B  }
0xb3: {  	_ =	swait.ge [sflag:s29], $0x1  }
0xb4: {  	[sflag:s29] =	ssyncadd.s32 $0xFFFFFFFF  }
0xb5: {  	_ =	strace $0x9000004B  }
0xb6: {  	_ =	sfence  }
0xb7: {  	s30 =	sld [smem:$0x0];
	_ =	sdelay $0x2  }
0xb8: {  	s31 =	sshll.u32 s1, $0xD;
	s1 =	sshrl.u32 s1, $0x2  }
0xb9: {  	s3 =	sand.u32 $0x4000, s31;
	s1 =	sadd.s32 s1, s30  }
0xba: {  	s0 =	sor.u32 s3, s0;
	s1 =	sshll.u32 s1, $0x11  }
0xbb: {  	s0 =	sor.u32 s1, s0  }
0xbc: {  	s0 =	sadd.s32 $0x8F2B, s0  }
0xbd: {  	[sflag:s0] =	ssyncadd.remote.s32 $0x1  }
0xbe: {  	_ =	sfence.sel $0xFFFF  }
0xbf: {  	[dreg:$0x0] =	wrdreg $0xFFFFFFFF;
	(pc) =	sbr.abs _section_cstart, $3  }
0xc0: {  	[dreg:$0x1] =	wrdreg $0xFFFFFFFF  }
0xc1: {  	_ =	task.clear_ibuf [dreg:s6], $0x2FFFF;
	_ =	strace $0x9FFFFFFF  }
0xc2: {  	(tm) =	ssettm $0x7FFFFFFF  }
0xc3: {  	_ =	shalt  }
tec
execute0_lowered:
.L_overlay_start_1:
0x0: {  	(tag) =	ssettag $0x1  }
0x1: {  	s7 =	rddreg [dreg:$0x0]  }
0x2: {  	s1 =	rddreg [dreg:$0x1];
	s2 =	srdreg.scid  }
0x3: {  	s0 =	rddreg [dreg:$0x2];
	s3 =	simm.s32 $0x0;
	s15 =	simm.s32 $0x1A000  }
0x4: {  	s16 =	simm.s32 $0x1B400;
	s17 =	simm.s32 $0x80;
	s18 =	simm.s32 $0x1C800  }
0x5: {  	s19 =	simm.s32 $0x1D800;
	s20 =	simm.s32 $0x1;
	s21 =	simm.s32 $0x2  }
0x6: {  	s22 =	simm.s32 $0x1B380;
	s23 =	simm.s32 $0x1C700;
	s10 =	sand.u32 $0x1, s2  }
0x7: {  	s24 =	simm.s32 $0x1C780;
	s2 =	stileid.u32;
	s6 =	smul.u32 $0xD000, s10  }
0x8: {  	[smem:$0x7FF] =	sst s3;
	s4 =	sadd.s32 $0x24000, s7;
	s8 =	smul.u32 $0xD00, s2  }
0x9: {  	s5 =	sadd.s32 $0x1C4000, s7;
	_ =	strace $0x8000004A;
	s9 =	smul.u32 $0x68000, s2  }
0xa: {  	s11 =	ssub.s32 $0x2, s10;
	s31 =	sshll.u32 s2, $0x6;
	s10 =	smul.u32 $0x1900, s10  }
0xb: {  	s30 =	sshrl.u32 s11, $0x1;
	s8 =	sadd.s32 s8, s6;
	s6 =	sadd.s32 $0x4600, s7  }
0xc: {  	s9 =	sshrl.u32 s9, $0x2;
	s13 =	ssub.s32 s11, s30;
	s8 =	sshll.u32 s8, $0x2  }
0xd: {  	s14 =	sadd.s32 s9, s1;
	s9 =	smul.u32 $0x190, s2;
	s12 =	sadd.s32 s8, s7  }
0xe: {  	s7 =	sadd.s32 s4, s8;
	s8 =	sor.u32 $0x1C03, s31;
	s11 =	sadd.s32 $0x8C000, s12  }
0xf: {  	s12 =	smax.u32 s13, $0x1;
	s13 =	sshrl.u32 s14, $0x3;
	s14 =	simm.s32 $0x3  }
.LBB2_1:
0x10: {  	[spmem:s13], [sflag:s8] =	dma.local [hbm:s7], $0x3400  }
0x11: {  	_ =	swait.ge [sflag:s14], $0x3400  }
0x12: {  	[sflag:s14] =	ssyncset.done $0x0  }
0x13: {  	[sflag:s14] =	ssyncadd.s32 $0xFFFFCC00  }
0x14: {  	s25 =	simm.s32 $0x0;
	[bflag:$0x0] =	sbarrier.arrive $0xFFFF  }
.LBB2_2:
0x15: {  	s26 =	smul.u32 $0x28, s25;
	_ =	sdelay $0x1  }
0x16: {  	s26 =	sadd.s32 s9, s26  }
0x17: {  	s28 =	sadd.s32 s10, s26  }
0x18: {  	s28 =	sshll.u32 s28, $0x4  }
0x19: {  	s29 =	simm.s32 $0x0;
	s28 =	sadd.s32 s5, s28  }
0x1a: {  	[tilespmem:s15], [sflag:$0x3] =	stream.linear.gather [hbm4b:s28+s29], $0x1400, $0x38;
	[tilespmem:$0x1E800] =	vst v63  }
0x1b: {  	_ =	swait.ge [sflag:s14], $0x1400  }
0x1c: {  	s26 =	sshll.u32 s26, $0x4;
	[sflag:s14] =	ssyncset.done $0x0  }
0x1d: {  	s26 =	sadd.s32 s6, s26;
	[sflag:s14] =	ssyncadd.s32 $0xFFFFEC00  }
0x1e: {  	[tilespmem:s16], [sflag:$0x3] =	stream.linear.gather [hbm4b:s26+s29], $0x1400, $0x38;
	[tilespmem:$0x1E800] =	vst v63  }
0x1f: {  	_ =	swait.ge [sflag:s14], $0x1400  }
0x20: {  	[sflag:s14] =	ssyncset.done $0x0  }
0x21: {  	[sflag:s14] =	ssyncadd.s32 $0xFFFFEC00  }
0x22: {  	[tilespmem:s18], [sflag:$0x1] =	stream.indirect.gather [hbm4b:s4+s17], $0x20, s15, s17, $0xb8;
	[tilespmem:$0x1E800] =	vst v63  }
0x23: {  	s31 =	simm.s32 $0x1A080  }
0x24: {  	[tilespmem:s19], [sflag:$0x2] =	stream.indirect.gather [hbm4b:s4+s17], $0x20, s31, s17, $0xb8;
	[tilespmem:$0x1E800] =	vst v63  }
0x25: {  	_ =	swait.ge [sflag:s20], $0x1000  }
0x26: {  	[sflag:s20] =	ssyncset.done $0x0  }
0x27: {  	s29 =	simm.s32 $0x1B400;
	[sflag:s20] =	ssyncadd.s32 $0xFFFFF000  }
0x28: {  	[spmem:s1] =	stream.indirect.scatter.add.f32 [tilespmem:s18], [sflag:$0x3], $0x20, s29, s17, $0xb8;
	[tilespmem:$0x1E800] =	vst v63  }
0x29: {  	_ =	swait.ge [sflag:s14], $0x1000  }
0x2a: {  	[sflag:s14] =	ssyncset.done $0x0  }
0x2b: {  	s30 =	simm.s32 $0x1A100;
	[sflag:s14] =	ssyncadd.s32 $0xFFFFF000  }
0x2c: {  	[tilespmem:s18], [sflag:$0x1] =	stream.indirect.gather [hbm4b:s4+s17], $0x20, s30, s17, $0xb8;
	[tilespmem:$0x1E800] =	vst v63  }
0x2d: {  	_ =	swait.ge [sflag:s21], $0x1000  }
0x2e: {  	[sflag:s21] =	ssyncset.done $0x0  }
0x2f: {  	s31 =	simm.s32 $0x1B480;
	[sflag:s21] =	ssyncadd.s32 $0xFFFFF000  }
0x30: {  	[spmem:s1] =	stream.indirect.scatter.add.f32 [tilespmem:s19], [sflag:$0x3], $0x20, s31, s17, $0xb8;
	[tilespmem:$0x1E800] =	vst v63  }
0x31: {  	_ =	swait.ge [sflag:s14], $0x1000  }
0x32: {  	s28 =	simm.s32 $0x800;
	s26 =	simm.s32 $0x100;
	[sflag:s14] =	ssyncset.done $0x0  }
.LBB2_3:
0x33: {  	s29 =	sadd.s32 $0x1A080, s26  }
0x34: {  	[sflag:s14] =	ssyncadd.s32 $0xFFFFF000;
	s30 =	smov.u32 s28;
	s31 =	sadd.s32 $0x400, s28  }
0x35: {  	[tilespmem:s19], [sflag:$0x2] =	stream.indirect.gather [hbm4b:s4+s17], $0x20, s29, s17, $0xb8;
	[tilespmem:$0x1E800] =	vst v63  }
0x36: {  	p0 =	sne.s32 s28, $0x4800;
	_ =	swait.ge [sflag:s20], $0x1000  }
0x37: {  	[sflag:s20] =	ssyncset.done $0x0  }
0x38: {  	s28 =	sadd.s32 $0x1B400, s26;
	[sflag:s20] =	ssyncadd.s32 $0xFFFFF000  }
0x39: {  	[spmem:s1] =	stream.indirect.scatter.add.f32 [tilespmem:s18], [sflag:$0x3], $0x20, s28, s17, $0xb8;
	[tilespmem:$0x1E800] =	vst v63  }
0x3a: {  	_ =	swait.ge [sflag:s14], $0x1000  }
0x3b: {  	[sflag:s14] =	ssyncset.done $0x0  }
0x3c: {  	s28 =	sadd.s32 $0x1A100, s26;
	[sflag:s14] =	ssyncadd.s32 $0xFFFFF000  }
0x3d: {  	[tilespmem:s18], [sflag:$0x1] =	stream.indirect.gather [hbm4b:s4+s17], $0x20, s28, s17, $0xb8;
	[tilespmem:$0x1E800] =	vst v63  }
0x3e: {  	_ =	swait.ge [sflag:s21], $0x1000  }
.Ltmp0:
0x3f: {  	[sflag:s21] =	ssyncset.done $0x0;
	(pc) =	sbr.rel @p0 .LBB2_3-.Ltmp0, $4  }
0x40: {  	s26 =	sadd.s32 $0x1B480, s26;
	[sflag:s21] =	ssyncadd.s32 $0xFFFFF000  }
0x41: {  	[spmem:s1] =	stream.indirect.scatter.add.f32 [tilespmem:s19], [sflag:$0x3], $0x20, s26, s17, $0xb8;
	[tilespmem:$0x1E800] =	vst v63  }
0x42: {  	_ =	swait.ge [sflag:s14], $0x1000  }
0x43: {  	s28 =	smov.u32 s31;
	s26 =	sshra.s32 s30, $0x2;
	[sflag:s14] =	ssyncset.done $0x0  }
0x44: {  	s28 =	sadd.s32 $0x1A080, s26;
	[sflag:s14] =	ssyncadd.s32 $0xFFFFF000  }
0x45: {  	[tilespmem:s19], [sflag:$0x2] =	stream.indirect.gather [hbm4b:s4+s17], $0x20, s28, s17, $0xb8;
	[tilespmem:$0x1E800] =	vst v63  }
0x46: {  	_ =	swait.ge [sflag:s20], $0x1000  }
0x47: {  	[sflag:s20] =	ssyncset.done $0x0  }
0x48: {  	s29 =	sadd.s32 $0x1B400, s26;
	[sflag:s20] =	ssyncadd.s32 $0xFFFFF000  }
0x49: {  	[spmem:s1] =	stream.indirect.scatter.add.f32 [tilespmem:s18], [sflag:$0x3], $0x20, s29, s17, $0xb8;
	[tilespmem:$0x1E800] =	vst v63  }
0x4a: {  	_ =	swait.ge [sflag:s14], $0x1000  }
0x4b: {  	[sflag:s14] =	ssyncset.done $0x0  }
0x4c: {  	s30 =	sadd.s32 $0x1A100, s26;
	[sflag:s14] =	ssyncadd.s32 $0xFFFFF000  }
0x4d: {  	[tilespmem:s18], [sflag:$0x1] =	stream.indirect.gather [hbm4b:s4+s17], $0x20, s30, s17, $0xb8;
	[tilespmem:$0x1E800] =	vst v63  }
0x4e: {  	_ =	swait.ge [sflag:s21], $0x1000  }
0x4f: {  	[sflag:s21] =	ssyncset.done $0x0  }
0x50: {  	s31 =	sadd.s32 $0x1B480, s26;
	[sflag:s21] =	ssyncadd.s32 $0xFFFFF000  }
0x51: {  	[spmem:s1] =	stream.indirect.scatter.add.f32 [tilespmem:s19], [sflag:$0x3], $0x20, s31, s17, $0xb8;
	[tilespmem:$0x1E800] =	vst v63  }
0x52: {  	_ =	swait.ge [sflag:s14], $0x1000  }
0x53: {  	[sflag:s14] =	ssyncset.done $0x0  }
0x54: {  	[sflag:s14] =	ssyncadd.s32 $0xFFFFF000  }
0x55: {  	[tilespmem:s19], [sflag:$0x2] =	stream.indirect.gather [hbm4b:s4+s17], $0x20, s22, s17, $0xb8;
	[tilespmem:$0x1E800] =	vst v63  }
0x56: {  	_ =	swait.ge [sflag:s20], $0x1000  }
0x57: {  	[sflag:s20] =	ssyncset.done $0x0  }
0x58: {  	[sflag:s20] =	ssyncadd.s32 $0xFFFFF000  }
0x59: {  	[spmem:s1] =	stream.indirect.scatter.add.f32 [tilespmem:s18], [sflag:$0x3], $0x20, s23, s17, $0xb8;
	[tilespmem:$0x1E800] =	vst v63  }
0x5a: {  	_ =	swait.ge [sflag:s14], $0x1000  }
0x5b: {  	[sflag:s14] =	ssyncset.done $0x0  }
0x5c: {  	[sflag:s14] =	ssyncadd.s32 $0xFFFFF000  }
0x5d: {  	s25 =	sadd.s32 $0x1, s25;
	_ =	swait.ge [sflag:s21], $0x1000  }
0x5e: {  	p0 =	sne.s32 s25, $0xA;
	[sflag:s21] =	ssyncset.done $0x0  }
.Ltmp1:
0x5f: {  	[sflag:s21] =	ssyncadd.s32 $0xFFFFF000;
	(pc) =	sbr.rel @p0 .LBB2_2-.Ltmp1, $4  }
0x60: {  	[spmem:s1] =	stream.indirect.scatter.add.f32 [tilespmem:s19], [sflag:$0x3], $0x20, s24, s17, $0xb8;
	[tilespmem:$0x1E800] =	vst v63  }
0x61: {  	_ =	swait.ge [sflag:s14], $0x1000  }
0x62: {  	[sflag:s14] =	ssyncset.done $0x0  }
0x63: {  	[sflag:s14] =	ssyncadd.s32 $0xFFFFF000  }
0x64: {  	s3 =	sadd.s32 $0x1, s3  }
0x65: {  	p0 =	sne.s32 s3, s12  }
.Ltmp2:
0x66: {  	[bflag:$0x0] =	sbarrier.arrive $0xFFFF;
	(pc) =	sbr.rel @p0 .LBB2_1-.Ltmp2, $4  }
0x67: {  	[hbm:s11], [sflag:s8] =	dma.local [spmem:s13], $0x3400  }
0x68: {  	_ =	swait.ge [sflag:s14], $0x3400  }
0x69: {  	[sflag:s14] =	ssyncset.done $0x0  }
0x6a: {  	[sflag:s14] =	ssyncadd.s32 $0xFFFFCC00  }
0x6b: {  	_ =	sfence.sel $0x180000  }
0x6c: {  	[bflag:$0x0] =	sbarrier.arrive $0xFFFF  }
0x6d: {  	p0 =	sne.s32 s2, $0x0;
	_ =	strace $0x9000004A  }
0x6e: {  	s0 =	sadd.s32 @!p0 $0x100000, s0;
	[bflag:$0x2] =	sbarrier.arrive $0xFFFF  }
0x6f: {  	[sflag:s0] =	ssyncadd.tile.s32 @!p0 $0x1;
	_ =	shalt  }
.Lfunc_end2:
_tile_overlayer_lowered:
.L_overlay_start_2:
0x70: {  	(tag) =	ssettag $0x2  }
0x71: {  	s0 =	rddreg [dreg:$0x0];
	s2 =	stileid.u32  }
0x72: {  	s1 =	rddreg [dreg:$0x1];
	p0 =	sne.s32 s2, $0x0  }
0x73: {  	s3 =	rddreg [dreg:$0x2];
	[bflag:$0x3] =	sbarrier.arrive $0xFFFF;
	s2 =	simm.s32 @!p0 $0x1C03  }
0x74: {  	[timem:s3], [sflag:s2] =	dma.local @!p0 [hbm:s0], s1  }
0x75: {  	s0 =	simm.s32 @!p0 $0x3  }
0x76: {  	_ =	swait.ge @!p0 [sflag:s0], s1  }
0x77: {  	s1 =	ssub.s32 @!p0 $0x0, s1;
	[sflag:s0] =	ssyncset.done @!p0 $0x0  }
0x78: {  	[sflag:s0] =	ssyncadd.s32 @!p0 s1  }
0x79: {  	[bflag:$0x3] =	sbarrier.arrive $0xFFFF  }
0x7a: {  	_ =	shalt  }

// kernel: kernel.17.cloned.1.call-start
scs
__scs_entry_jumppad:
0x0: {  	(pc) =	sbr.rel $0x88, $3  }
0x1: {  	(tag) =	ssettag $0x0;
	lr =	simm.s32 $0x1  }
0x2: {  	[smem:$0x3F8F] =	sst lr;
	_ =	strace $0xD0000000  }
0x3: {  	_ = 	snop  }
0x4: {  	_ = 	snop  }
0x5: {  	_ = 	snop  }
0x6: {  	_ = 	snop  }
0x7: {  	_ = 	snop  }
__scs_overlays_trampoline_lowered:
0x8: {  	[smem:$0x3F9E] =	sst s0  }
0x9: {  	[smem:$0x3F9F] =	sst s1  }
0xa: {  	[smem:$0x3FA0] =	sst s2  }
0xb: {  	[smem:$0x3FA1] =	sst s3  }
0xc: {  	[smem:$0x3FA2] =	sst s4  }
0xd: {  	[smem:$0x3FA3] =	sst s5  }
0xe: {  	[smem:$0x3FA4] =	sst s6  }
0xf: {  	[smem:$0x3FA5] =	sst s7  }
0x10: {  	[smem:$0x3FA6] =	sst s8  }
0x11: {  	[smem:$0x3FA7] =	sst s9;
	s0 =	simm.s32 @!p0 $0x0  }
0x12: {  	s1 =	sld [smem:$0x3F8D];
	s0 =	simm.s32 @p0 $0x1  }
0x13: {  	[smem:$0x3FA8] =	sst s0;
	s0 =	simm.s32 @!p1 $0x0  }
0x14: {  	s2 =	sld [smem:$0x3F8C];
	s0 =	simm.s32 @p1 $0x1  }
0x15: {  	[smem:$0x3FA9] =	sst s0;
	s0 =	simm.s32 @!p2 $0x0  }
0x16: {  	s3 =	sld [smem:$0x3FDB];
	s0 =	simm.s32 @p2 $0x1  }
0x17: {  	s4 =	simm.s32 $0x1BF5;
	[smem:$0x3FAB] =	sst s0  }
0x18: {  	s0 =	sld [smem:$0x3F8E];
	_ =	swait.ge [sflag:s4], $0x0  }
0x19: {  	s7 =	sld [smem:$0x3F8F]  }
0x1a: {  	s8 =	sadd.s32 $0xFFFFE003, lr  }
0x1b: {  	s9 =	sadd.s32 $0xFFFFFEF7, lr;
	s5 =	simm.s32 $0xFFFFFFFF;
	p2 =	slt.u32 s8, $0xFFFFF086  }
0x1c: {  	p1 =	slt.u32 s9, $0xF7A;
	s5 =	simm.s32 @!p2 $0x0  }
0x1d: {  	s5 =	simm.s32 @p1 $0x1;
	p0 =	seq.s32 s7, s2  }
0x1e: {  	s7 =	smul.u32 @!p0 $0xF7A, s2;
	p2 =	seq.s32 @!p0 s5, $0x0  }
0x1f: {  	s9 =	smul.u32 $0xF7A, s1;
	s8 =	simm.s32 @!p0 $0x1BF5;
	p2 =	por !p2, p0  }
0x20: {  	[sflag:s8] =	ssyncset.s32 @!p0 $0xFFFFF086;
	s6 =	sadd.s32 @!p0 s3, s7;
	s7 =	simm.s32 @!p0 $0x108  }
0x21: {  	s3 =	sadd.s32 s3, s9;
	s6 =	sadd.s32 @!p0 $0x88, s6;
	s7 =	simm.s32 @p2 $0x1082  }
0x22: {  	[simem:s7], [sflag:s8] =	dma.local @!p0 [hbm:s6], $0xF7A  }
0x23: {  	s9 =	sor.u32 $0xD0000000, s2;
	s6 =	simm.s32 $0x108;
	_ =	swait.ge @!p0 [sflag:s8], $0x0  }
0x24: {  	s3 =	sadd.s32 $0x88, s3;
	s6 =	simm.s32 @!p1 $0x1082;
	[sflag:s4] =	ssyncset.s32 $0xFFFFF086  }
0x25: {  	[simem:s6], [sflag:s4] =	dma.local [hbm:s3], $0xF7A  }
0x26: {  	[smem:$0x3F8F] =	sst s1;
	(tag) =	ssettag s2;
	_ =	strace s9  }
0x27: {  	s1 =	sld [smem:$0x3F9F]  }
0x28: {  	s2 =	sld [smem:$0x3FA0]  }
0x29: {  	s4 =	sld [smem:$0x3FA2]  }
0x2a: {  	p0 =	seq.s32 s5, $0x0;
	s5 =	sld [smem:$0x3FA3]  }
0x2b: {  	s6 =	sld [smem:$0x3FA4]  }
0x2c: {  	s7 =	sld [smem:$0x3FA5]  }
0x2d: {  	s3 =	simm.s32 $0x108;
	s8 =	sld [smem:$0x3FA6]  }
0x2e: {  	s3 =	simm.s32 @!p0 $0x1082;
	s9 =	sld [smem:$0x3FA7]  }
0x2f: {  	lr =	sadd.s32 s0, s3;
	s0 =	sld [smem:$0x3F9E]  }
0x30: {  	s3 =	sld [smem:$0x3FA1]  }
0x31: {  	[smem:$0x3FAA] =	sst s10  }
0x32: {  	s10 =	sld [smem:$0x3FA8];
	_ =	sdelay $0x3  }
0x33: {  	p0 =	seq.s32 s10, $0x1;
	s10 =	sld [smem:$0x3FAA];
	_ =	sdelay $0x3  }
0x34: {  	[smem:$0x3FAA] =	sst s10  }
0x35: {  	s10 =	sld [smem:$0x3FA9];
	_ =	sdelay $0x3  }
0x36: {  	p1 =	seq.s32 s10, $0x1;
	s10 =	sld [smem:$0x3FAA];
	_ =	sdelay $0x3  }
0x37: {  	[smem:$0x3FAA] =	sst s10  }
0x38: {  	s10 =	sld [smem:$0x3FAB]  }
0x39: {  	_ = 	snop;
	(pc) =	sbr.ind lr, $3  }
0x3a: {  	_ = 	snop  }
0x3b: {  	_ = 	snop  }
0x3c: {  	p2 =	seq.s32 s10, $0x1;
	s10 =	sld [smem:$0x3FAA]  }
0x3d: {  	_ =	shalt  }
0x3e: {  	_ =	shalt  }
0x3f: {  	_ =	shalt  }
0x40: {  	_ =	shalt  }
0x41: {  	_ =	shalt  }
0x42: {  	_ =	shalt  }
0x43: {  	_ =	shalt  }
0x44: {  	_ =	shalt  }
0x45: {  	_ =	shalt  }
0x46: {  	_ =	shalt  }
0x47: {  	_ =	shalt  }
0x48: {  	_ =	shalt  }
0x49: {  	_ =	shalt  }
0x4a: {  	_ =	shalt  }
0x4b: {  	_ =	shalt  }
0x4c: {  	_ =	shalt  }
0x4d: {  	_ =	shalt  }
0x4e: {  	_ =	shalt  }
0x4f: {  	_ =	shalt  }
0x50: {  	_ =	shalt  }
0x51: {  	_ =	shalt  }
0x52: {  	_ =	shalt  }
0x53: {  	_ =	shalt  }
0x54: {  	_ =	shalt  }
0x55: {  	_ =	shalt  }
0x56: {  	_ =	shalt  }
0x57: {  	_ =	shalt  }
0x58: {  	_ =	shalt  }
0x59: {  	_ =	shalt  }
0x5a: {  	_ =	shalt  }
0x5b: {  	_ =	shalt  }
0x5c: {  	_ =	shalt  }
0x5d: {  	_ =	shalt  }
0x5e: {  	_ =	shalt  }
0x5f: {  	_ =	shalt  }
0x60: {  	_ =	shalt  }
0x61: {  	_ =	shalt  }
0x62: {  	_ =	shalt  }
0x63: {  	_ =	shalt  }
0x64: {  	_ =	shalt  }
0x65: {  	_ =	shalt  }
0x66: {  	_ =	shalt  }
0x67: {  	_ =	shalt  }
0x68: {  	_ =	shalt  }
0x69: {  	_ =	shalt  }
0x6a: {  	_ =	shalt  }
0x6b: {  	_ =	shalt  }
0x6c: {  	_ =	shalt  }
0x6d: {  	_ =	shalt  }
0x6e: {  	_ =	shalt  }
0x6f: {  	_ =	shalt  }
0x70: {  	_ =	shalt  }
0x71: {  	_ =	shalt  }
0x72: {  	_ =	shalt  }
0x73: {  	_ =	shalt  }
0x74: {  	_ =	shalt  }
0x75: {  	_ =	shalt  }
0x76: {  	_ =	shalt  }
0x77: {  	_ =	shalt  }
0x78: {  	_ =	shalt  }
0x79: {  	_ =	shalt  }
0x7a: {  	_ =	shalt  }
0x7b: {  	_ =	shalt  }
0x7c: {  	_ =	shalt  }
0x7d: {  	_ =	shalt  }
0x7e: {  	_ =	shalt  }
0x7f: {  	_ =	shalt  }
0x80: {  	_ =	shalt  }
0x81: {  	_ =	shalt  }
0x82: {  	_ =	shalt  }
0x83: {  	_ =	shalt  }
0x84: {  	_ =	shalt  }
0x85: {  	_ =	shalt  }
0x86: {  	_ =	shalt  }
0x87: {  	_ =	shalt  }
.Lfunc_end0:
.L_simem_size_0:
called_computation.2_lowered:
.L_overlay_start_0:
0x88: {  	s2 =	sld [smem:$0x3FD9]  }
0x89: {  	s3 =	sld [smem:$0x3FFE];
	_ =	sdelay $0x1  }
0x8a: {  	s1 =	srdreg.scid  }
0x8b: {  	s0 =	sand.u32 $0x1, s1  }
0x8c: {  	s17 =	sshll.u32 s0, $0xA;
	s2 =	sadd.s32 s3, s2  }
0x8d: {  	s2 =	sadd.s32 s2, s17  }
0x8e: {  	[smem:$0x3FB6] =	sst s2  }
0x8f: {  	_ = 	snop  }
0x90: {  	(tm) =	ssettm $0x1  }
0x91: {  	s18 =	sld [smem:$0x3FFB];
	_ =	sdelay $0x3  }
0x92: {  	_ =	strace s18  }
0x93: {  	s2 =	sld [smem:$0x3FFC];
	_ =	sdelay $0x3  }
0x94: {  	_ =	strace s2  }
0x95: {  	s2 =	sld [smem:$0x3FFD];
	_ =	sdelay $0x3  }
0x96: {  	_ =	strace s2  }
0x97: {  	_ =	strace $0x8FFFFFFF  }
0x98: {  	s19 =	sld [smem:$0x3FDB];
	_ =	sdelay $0x1  }
0x99: {  	s20 =	simm.s32 $_scs_section_size  }
0x9a: {  	s4 =	simm.s32 $_size__tile_overlayer_lowered;
	s5 =	simm.s32 $_tile_overlayer_lowered  }
0x9b: {  	s6 =	simm.s32 $0x1BFF;
	s21 =	sshll.u32 s5, $0x1;
	s3 =	sadd.s32 s20, s19  }
0x9c: {  	s22 =	simm.s32 $0x0;
	s4 =	sshll.u32 s4, $0x1;
	s5 =	sadd.s32 s21, s3  }
0x9d: {  	[timem:s22], [sflag:s6] =	dma.local [hbm:s5], s4  }
0x9e: {  	_ =	swait.ge [sflag:s6], s4  }
0x9f: {  	s4 =	ssub.s32 $0x0, s4;
	[sflag:s6] =	ssyncset.done $0x0  }
0xa0: {  	[sflag:s6] =	ssyncadd.s32 s4;
	_ =	sdelay $0x1  }
0xa1: {  	s23 =	simm.s32 $0x1B8B  }
0xa2: {  	_ =	swait.ge [sflag:s23], $0x1  }
0xa3: {  	[sflag:s23] =	ssyncset.done $0x0  }
0xa4: {  	[sflag:s23] =	ssyncadd.s32 $0xFFFFFFFF  }
0xa5: {  	s4 =	sld [smem:$0x0]  }
0xa6: {  	s5 =	sand.u32 $0xFFFFFFFE, s1  }
0xa7: {  	p0 =	sne.s32 s1, s5  }
0xa8: {  	s5 =	sshll.u32 @p0 s5, $0xE  }
0xa9: {  	s5 =	sadd.s32 @p0 $0x11B8D, s5;
	s6 =	sshll.u32 @p0 s4, $0x11  }
0xaa: {  	s5 =	sor.u32 @p0 s6, s5  }
0xab: {  	[sflag:s5] =	ssyncadd.remote.s32 @p0 $0x1;
	_ =	sdelay $0x1  }
0xac: {  	s5 =	simm.s32 @p0 $0x1B8D  }
0xad: {  	_ =	swait.eq @p0 [sflag:s5], $0x1  }
0xae: {  	[sflag:s5] =	ssyncadd.s32 @p0 $0xFFFFFFFF  }
0xaf: {  	s6 =	sshll.u32 @!p0 s1, $0xE  }
0xb0: {  	s6 =	sor.u32 @!p0 $0x4000, s6;
	s5 =	simm.s32 @!p0 $0x1B8D  }
0xb1: {  	s4 =	sshll.u32 @!p0 s4, $0x11;
	s6 =	sadd.s32 @!p0 $0x11B8D, s6;
	_ =	swait.eq @!p0 [sflag:s5], $0x1  }
0xb2: {  	s4 =	sor.u32 @!p0 s4, s6;
	[sflag:s5] =	ssyncadd.s32 @!p0 $0xFFFFFFFF  }
0xb3: {  	s25 =	simm.s32 $0x1B8E;
	s24 =	sld [smem:$0x3FFE];
	[sflag:s4] =	ssyncadd.remote.s32 @!p0 $0x1  }
0xb4: {  	s26 =	simm.s32 $execute0_lowered;
	[smem:$0x3FD2] =	sst s25  }
0xb5: {  	s5 =	sshll.u32 s26, $0x1;
	_ =	strace $0x8000004F;
	[dreg:$0x1] =	wrdreg $0xFFFFFFFF  }
0xb6: {  	s28 =	simm.s32 $_size_execute0_lowered;
	s3 =	sadd.s32 s3, s5;
	[dreg:$0x0] =	wrdreg $0x0  }
0xb7: {  	s5 =	sshll.u32 s28, $0x1;
	[dreg:$0x2] =	wrdreg s3  }
0xb8: {  	[dreg:$0x3] =	wrdreg s5  }
0xb9: {  	[dreg:$0x4] =	wrdreg $0xC0  }
0xba: {  	_ =	task [dreg:s22], $0x5FFFF  }
0xbb: {  	[dreg:$0x1] =	wrdreg $0xFFFFFFFF  }
0xbc: {  	[dreg:$0x0] =	wrdreg $0x60  }
0xbd: {  	[dreg:$0x2] =	wrdreg s24  }
0xbe: {  	[dreg:$0x3] =	wrdreg $0x0  }
0xbf: {  	[dreg:$0x4] =	wrdreg $0x9  }
0xc0: {  	_ =	task.clear_ibuf [dreg:s22], $0x5FFFF;
	_ =	strace $0x9000004F  }
0xc1: {  	s29 =	simm.s32 $0x9;
	_ =	strace $0x80000051  }
0xc2: {  	_ =	swait.ge [sflag:s29], $0x1  }
0xc3: {  	[sflag:s29] =	ssyncadd.s32 $0xFFFFFFFF  }
0xc4: {  	_ =	strace $0x90000051  }
0xc5: {  	_ =	sfence  }
0xc6: {  	s30 =	sld [smem:$0x0];
	_ =	sdelay $0x2  }
0xc7: {  	s31 =	sshll.u32 s1, $0xD;
	s1 =	sshrl.u32 s1, $0x2  }
0xc8: {  	s4 =	sand.u32 $0x4000, s31;
	s1 =	sadd.s32 s1, s30  }
0xc9: {  	s0 =	sor.u32 s4, s0;
	s1 =	sshll.u32 s1, $0x11  }
0xca: {  	s0 =	sor.u32 s1, s0  }
0xcb: {  	s0 =	sadd.s32 $0x8F2B, s0  }
0xcc: {  	[sflag:s0] =	ssyncadd.remote.s32 $0x1  }
0xcd: {  	_ =	sfence.sel $0xFFFF  }
0xce: {  	[dreg:$0x0] =	wrdreg $0xFFFFFFFF;
	(pc) =	sbr.abs _section_cstart, $3  }
0xcf: {  	[dreg:$0x1] =	wrdreg $0xFFFFFFFF  }
0xd0: {  	_ =	task.clear_ibuf [dreg:s22], $0x2FFFF;
	_ =	strace $0x9FFFFFFF  }
0xd1: {  	(tm) =	ssettm $0x7FFFFFFF  }
tec
execute0_lowered:
.L_overlay_start_1:
0x0: {  	(tag) =	ssettag $0x1  }
0x1: {  	s4 =	rddreg [dreg:$0x0]  }
0x2: {  	s1 =	rddreg [dreg:$0x1]  }
0x3: {  	s2 =	srdreg.scid;
	s0 =	rddreg [dreg:$0x2];
	s3 =	simm.s32 $0x0  }
0x4: {  	s15 =	simm.s32 $0x0;
	s5 =	sand.u32 $0x1, s2;
	[smem:$0x7FF] =	sst s3  }
0x5: {  	s2 =	stileid.u32;
	s6 =	sshll.u32 s5, $0x4;
	_ =	strace $0x80000050  }
0x6: {  	s24 =	sshll.u32 s5, $0x12;
	s26 =	ssub.s32 $0x2, s5;
	s9 =	sshll.u32 s2, $0x9  }
0x7: {  	s12 =	sshll.u32 s2, $0xE;
	s29 =	sshll.u32 s2, $0x6;
	s14 =	sshll.u32 s5, $0xD  }
0x8: {  	s10 =	sor.u32 s2, s6;
	s8 =	sadd.s32 s24, s4;
	s11 =	sshrl.u32 s26, $0x1  }
0x9: {  	s9 =	sadd.s32 s9, s4;
	s28 =	sshrl.u32 s12, $0x2;
	s5 =	sor.u32 $0x1C01, s29  }
0xa: {  	s7 =	sshll.u32 s10, $0x8;
	s11 =	ssub.s32 s26, s11;
	s13 =	sadd.s32 s28, s1  }
.Ltmp0:
0xb: {  	s30 =	sadd.s32 s14, s9;
	s31 =	sadd.s32 s12, s8;
	(pc) =	sbr.rel .LBB2_1-.Ltmp0, $4  }
0xc: {  	p0 =	sgt.u32 s10, $0x19;
	s12 =	simm.s32 $0x3000;
	s14 =	simm.s32 $0x80  }
0xd: {  	s25 =	sadd.s32 s7, s4;
	s4 =	sadd.s32 $0x1F000, s9;
	s7 =	sadd.s32 $0x8C000, s30  }
0xe: {  	s8 =	smax.u32 s11, $0x1;
	s9 =	sadd.s32 $0x24000, s31;
	s10 =	sshrl.u32 s13, $0x3  }
0xf: {  	s11 =	simm.s32 $0x1;
	s13 =	simm.s32 $0x1000;
	s6 =	sadd.s32 $0x1D600, s25  }
.LBB2_5:
0x10: {  	[bflag:$0x0] =	sbarrier.arrive $0xFFFF  }
.LBB2_6:
0x11: {  	s15 =	sadd.s32 $0x1, s15  }
0x12: {  	p1 =	sne.s32 s15, s8  }
.Ltmp1:
0x13: {  	[bflag:$0x0] =	sbarrier.arrive $0xFFFF;
	(pc) =	sbr.rel @!p1 .LBB2_7-.Ltmp1, $4  }
0x14: {  	[hbm:s7], [sflag:s5] =	dma.local [spmem:s10], $0x200  }
0x15: {  	_ =	swait.ge [sflag:s11], $0x200  }
0x16: {  	[sflag:s11] =	ssyncset.done $0x0  }
0x17: {  	[sflag:s11] =	ssyncadd.s32 $0xFFFFFE00  }
.LBB2_1:
.Ltmp2:
0x18: {  	(pc) =	sbr.rel @p0 .LBB2_5-.Ltmp2, $4  }
0x19: {  	[spmem:s10], [sflag:s5] =	dma.local [hbm:s4], $0x200  }
0x1a: {  	_ =	swait.ge [sflag:s11], $0x200  }
0x1b: {  	[sflag:s11] =	ssyncset.done $0x0  }
0x1c: {  	[sflag:s11] =	ssyncadd.s32 $0xFFFFFE00  }
0x1d: {  	s16 =	simm.s32 $0x0  }
0x1e: {  	[tilespmem:s12], [sflag:$0x1] =	stream.linear.gather [hbm4b:s6+s16], $0x800, $0x38;
	[tilespmem:$0x3800] =	vst v63  }
0x1f: {  	_ =	swait.ge [sflag:s11], $0x800  }
0x20: {  	[sflag:s11] =	ssyncset.done $0x0  }
0x21: {  	[sflag:s11] =	ssyncadd.s32 $0xFFFFF800  }
0x22: {  	[bflag:$0x0] =	sbarrier.arrive $0xFFFF  }
0x23: {  	[tilespmem:s13], [sflag:$0x1] =	stream.linear.gather [hbm4b:s9+s3], $0x2000, $0x38;
	[tilespmem:$0x3800] =	vst v63  }
0x24: {  	_ =	swait.ge [sflag:s11], $0x2000  }
0x25: {  	[sflag:s11] =	ssyncset.done $0x0  }
0x26: {  	s31 =	simm.s32 $0x3000;
	[sflag:s11] =	ssyncadd.s32 $0xFFFFE000  }
0x27: {  	[spmem:s1] =	stream.indirect.scatter.add.f32 [tilespmem:s13], [sflag:$0x1], $0x40, s31, s14, $0xb8;
	[tilespmem:$0x3800] =	vst v63  }
0x28: {  	_ =	swait.ge [sflag:s11], $0x2000  }
0x29: {  	s17 =	smov.u32 s9;
	s16 =	simm.s32 $0x200;
	[sflag:s11] =	ssyncset.done $0x0  }
.LBB2_3:
0x2a: {  	p1 =	seq.s32 s16, $0x1E00;
	[sflag:s11] =	ssyncadd.s32 $0xFFFFE000;
	s17 =	sadd.s32 $0x400, s17  }
0x2b: {  	[tilespmem:s13], [sflag:$0x1] =	stream.linear.gather [hbm4b:s17+s3], $0x2000, $0x38;
	[tilespmem:$0x3800] =	vst v63  }
0x2c: {  	s18 =	smov.u32 s16;
	s16 =	sadd.s32 $0x200, s16;
	_ =	swait.ge [sflag:s11], $0x2000  }
.Ltmp3:
0x2d: {  	s18 =	sshra.s32 s18, $0x2;
	[sflag:s11] =	ssyncset.done $0x0;
	(pc) =	sbr.rel @!p1 .LBB2_3-.Ltmp3, $4  }
0x2e: {  	s18 =	sadd.s32 $0x3000, s18;
	[sflag:s11] =	ssyncadd.s32 $0xFFFFE000  }
0x2f: {  	[spmem:s1] =	stream.indirect.scatter.add.f32 [tilespmem:s13], [sflag:$0x1], $0x40, s18, s14, $0xb8;
	[tilespmem:$0x3800] =	vst v63  }
0x30: {  	_ =	swait.ge [sflag:s11], $0x2000  }
0x31: {  	[sflag:s11] =	ssyncset.done $0x0  }
.Ltmp4:
0x32: {  	(pc) =	sbr.rel .LBB2_6-.Ltmp4, $2  }
0x33: {  	_ =	sdelay $0x2  }
0x34: {  	[sflag:s11] =	ssyncadd.s32 $0xFFFFE000  }
.LBB2_7:
0x35: {  	_ =	sfence.sel $0x180000  }
0x36: {  	[bflag:$0x0] =	sbarrier.arrive $0xFFFF  }
0x37: {  	p0 =	sne.s32 s2, $0x0;
	_ =	strace $0x90000050  }
0x38: {  	s0 =	sadd.s32 @!p0 $0x100000, s0;
	[bflag:$0x2] =	sbarrier.arrive $0xFFFF  }
0x39: {  	[sflag:s0] =	ssyncadd.tile.s32 @!p0 $0x1;
	_ =	shalt  }
.Lfunc_end2:
_tile_overlayer_lowered:
.L_overlay_start_2:
0x3a: {  	(tag) =	ssettag $0x2  }
0x3b: {  	s0 =	rddreg [dreg:$0x0];
	s2 =	stileid.u32  }
0x3c: {  	s1 =	rddreg [dreg:$0x1];
	p0 =	sne.s32 s2, $0x0  }
0x3d: {  	s3 =	rddreg [dreg:$0x2];
	[bflag:$0x3] =	sbarrier.arrive $0xFFFF;
	s2 =	simm.s32 @!p0 $0x1C01  }
0x3e: {  	[timem:s3], [sflag:s2] =	dma.local @!p0 [hbm:s0], s1  }
0x3f: {  	s0 =	simm.s32 @!p0 $0x1  }
0x40: {  	_ =	swait.ge @!p0 [sflag:s0], s1  }
0x41: {  	s1 =	ssub.s32 @!p0 $0x0, s1;
	[sflag:s0] =	ssyncset.done @!p0 $0x0  }
0x42: {  	[sflag:s0] =	ssyncadd.s32 @!p0 s1  }
0x43: {  	[bflag:$0x3] =	sbarrier.arrive $0xFFFF  }
0x44: {  	_ =	shalt  }

// kernel: kernel.20.cloned.1.call-start
scs
__scs_entry_jumppad:
0x0: {  	(pc) =	sbr.rel $0x88, $3  }
0x1: {  	(tag) =	ssettag $0x0;
	lr =	simm.s32 $0x1  }
0x2: {  	[smem:$0x3F8F] =	sst lr;
	_ =	strace $0xD0000000  }
0x3: {  	_ = 	snop  }
0x4: {  	_ = 	snop  }
0x5: {  	_ = 	snop  }
0x6: {  	_ = 	snop  }
0x7: {  	_ = 	snop  }
__scs_overlays_trampoline_lowered:
0x8: {  	[smem:$0x3F9E] =	sst s0  }
0x9: {  	[smem:$0x3F9F] =	sst s1  }
0xa: {  	[smem:$0x3FA0] =	sst s2  }
0xb: {  	[smem:$0x3FA1] =	sst s3  }
0xc: {  	[smem:$0x3FA2] =	sst s4  }
0xd: {  	[smem:$0x3FA3] =	sst s5  }
0xe: {  	[smem:$0x3FA4] =	sst s6  }
0xf: {  	[smem:$0x3FA5] =	sst s7  }
0x10: {  	[smem:$0x3FA6] =	sst s8  }
0x11: {  	[smem:$0x3FA7] =	sst s9;
	s0 =	simm.s32 @!p0 $0x0  }
0x12: {  	s1 =	sld [smem:$0x3F8D];
	s0 =	simm.s32 @p0 $0x1  }
0x13: {  	[smem:$0x3FA8] =	sst s0;
	s0 =	simm.s32 @!p1 $0x0  }
0x14: {  	s2 =	sld [smem:$0x3F8C];
	s0 =	simm.s32 @p1 $0x1  }
0x15: {  	[smem:$0x3FA9] =	sst s0;
	s0 =	simm.s32 @!p2 $0x0  }
0x16: {  	s3 =	sld [smem:$0x3FDB];
	s0 =	simm.s32 @p2 $0x1  }
0x17: {  	s4 =	simm.s32 $0x1BF5;
	[smem:$0x3FAB] =	sst s0  }
0x18: {  	s0 =	sld [smem:$0x3F8E];
	_ =	swait.ge [sflag:s4], $0x0  }
0x19: {  	s7 =	sld [smem:$0x3F8F]  }
0x1a: {  	s8 =	sadd.s32 $0xFFFFE003, lr  }
0x1b: {  	s9 =	sadd.s32 $0xFFFFFEF7, lr;
	s5 =	simm.s32 $0xFFFFFFFF;
	p2 =	slt.u32 s8, $0xFFFFF086  }
0x1c: {  	p1 =	slt.u32 s9, $0xF7A;
	s5 =	simm.s32 @!p2 $0x0  }
0x1d: {  	s5 =	simm.s32 @p1 $0x1;
	p0 =	seq.s32 s7, s2  }
0x1e: {  	s7 =	smul.u32 @!p0 $0xF7A, s2;
	p2 =	seq.s32 @!p0 s5, $0x0  }
0x1f: {  	s9 =	smul.u32 $0xF7A, s1;
	s8 =	simm.s32 @!p0 $0x1BF5;
	p2 =	por !p2, p0  }
0x20: {  	[sflag:s8] =	ssyncset.s32 @!p0 $0xFFFFF086;
	s6 =	sadd.s32 @!p0 s3, s7;
	s7 =	simm.s32 @!p0 $0x108  }
0x21: {  	s3 =	sadd.s32 s3, s9;
	s6 =	sadd.s32 @!p0 $0x88, s6;
	s7 =	simm.s32 @p2 $0x1082  }
0x22: {  	[simem:s7], [sflag:s8] =	dma.local @!p0 [hbm:s6], $0xF7A  }
0x23: {  	s9 =	sor.u32 $0xD0000000, s2;
	s6 =	simm.s32 $0x108;
	_ =	swait.ge @!p0 [sflag:s8], $0x0  }
0x24: {  	s3 =	sadd.s32 $0x88, s3;
	s6 =	simm.s32 @!p1 $0x1082;
	[sflag:s4] =	ssyncset.s32 $0xFFFFF086  }
0x25: {  	[simem:s6], [sflag:s4] =	dma.local [hbm:s3], $0xF7A  }
0x26: {  	[smem:$0x3F8F] =	sst s1;
	(tag) =	ssettag s2;
	_ =	strace s9  }
0x27: {  	s1 =	sld [smem:$0x3F9F]  }
0x28: {  	s2 =	sld [smem:$0x3FA0]  }
0x29: {  	s4 =	sld [smem:$0x3FA2]  }
0x2a: {  	p0 =	seq.s32 s5, $0x0;
	s5 =	sld [smem:$0x3FA3]  }
0x2b: {  	s6 =	sld [smem:$0x3FA4]  }
0x2c: {  	s7 =	sld [smem:$0x3FA5]  }
0x2d: {  	s3 =	simm.s32 $0x108;
	s8 =	sld [smem:$0x3FA6]  }
0x2e: {  	s3 =	simm.s32 @!p0 $0x1082;
	s9 =	sld [smem:$0x3FA7]  }
0x2f: {  	lr =	sadd.s32 s0, s3;
	s0 =	sld [smem:$0x3F9E]  }
0x30: {  	s3 =	sld [smem:$0x3FA1]  }
0x31: {  	[smem:$0x3FAA] =	sst s10  }
0x32: {  	s10 =	sld [smem:$0x3FA8];
	_ =	sdelay $0x3  }
0x33: {  	p0 =	seq.s32 s10, $0x1;
	s10 =	sld [smem:$0x3FAA];
	_ =	sdelay $0x3  }
0x34: {  	[smem:$0x3FAA] =	sst s10  }
0x35: {  	s10 =	sld [smem:$0x3FA9];
	_ =	sdelay $0x3  }
0x36: {  	p1 =	seq.s32 s10, $0x1;
	s10 =	sld [smem:$0x3FAA];
	_ =	sdelay $0x3  }
0x37: {  	[smem:$0x3FAA] =	sst s10  }
0x38: {  	s10 =	sld [smem:$0x3FAB]  }
0x39: {  	_ = 	snop;
	(pc) =	sbr.ind lr, $3  }
0x3a: {  	_ = 	snop  }
0x3b: {  	_ = 	snop  }
0x3c: {  	p2 =	seq.s32 s10, $0x1;
	s10 =	sld [smem:$0x3FAA]  }
0x3d: {  	_ =	shalt  }
0x3e: {  	_ =	shalt  }
0x3f: {  	_ =	shalt  }
0x40: {  	_ =	shalt  }
0x41: {  	_ =	shalt  }
0x42: {  	_ =	shalt  }
0x43: {  	_ =	shalt  }
0x44: {  	_ =	shalt  }
0x45: {  	_ =	shalt  }
0x46: {  	_ =	shalt  }
0x47: {  	_ =	shalt  }
0x48: {  	_ =	shalt  }
0x49: {  	_ =	shalt  }
0x4a: {  	_ =	shalt  }
0x4b: {  	_ =	shalt  }
0x4c: {  	_ =	shalt  }
0x4d: {  	_ =	shalt  }
0x4e: {  	_ =	shalt  }
0x4f: {  	_ =	shalt  }
0x50: {  	_ =	shalt  }
0x51: {  	_ =	shalt  }
0x52: {  	_ =	shalt  }
0x53: {  	_ =	shalt  }
0x54: {  	_ =	shalt  }
0x55: {  	_ =	shalt  }
0x56: {  	_ =	shalt  }
0x57: {  	_ =	shalt  }
0x58: {  	_ =	shalt  }
0x59: {  	_ =	shalt  }
0x5a: {  	_ =	shalt  }
0x5b: {  	_ =	shalt  }
0x5c: {  	_ =	shalt  }
0x5d: {  	_ =	shalt  }
0x5e: {  	_ =	shalt  }
0x5f: {  	_ =	shalt  }
0x60: {  	_ =	shalt  }
0x61: {  	_ =	shalt  }
0x62: {  	_ =	shalt  }
0x63: {  	_ =	shalt  }
0x64: {  	_ =	shalt  }
0x65: {  	_ =	shalt  }
0x66: {  	_ =	shalt  }
0x67: {  	_ =	shalt  }
0x68: {  	_ =	shalt  }
0x69: {  	_ =	shalt  }
0x6a: {  	_ =	shalt  }
0x6b: {  	_ =	shalt  }
0x6c: {  	_ =	shalt  }
0x6d: {  	_ =	shalt  }
0x6e: {  	_ =	shalt  }
0x6f: {  	_ =	shalt  }
0x70: {  	_ =	shalt  }
0x71: {  	_ =	shalt  }
0x72: {  	_ =	shalt  }
0x73: {  	_ =	shalt  }
0x74: {  	_ =	shalt  }
0x75: {  	_ =	shalt  }
0x76: {  	_ =	shalt  }
0x77: {  	_ =	shalt  }
0x78: {  	_ =	shalt  }
0x79: {  	_ =	shalt  }
0x7a: {  	_ =	shalt  }
0x7b: {  	_ =	shalt  }
0x7c: {  	_ =	shalt  }
0x7d: {  	_ =	shalt  }
0x7e: {  	_ =	shalt  }
0x7f: {  	_ =	shalt  }
0x80: {  	_ =	shalt  }
0x81: {  	_ =	shalt  }
0x82: {  	_ =	shalt  }
0x83: {  	_ =	shalt  }
0x84: {  	_ =	shalt  }
0x85: {  	_ =	shalt  }
0x86: {  	_ =	shalt  }
0x87: {  	_ =	shalt  }
.Lfunc_end0:
.L_simem_size_0:
called_computation.3_lowered:
.L_overlay_start_0:
0x88: {  	s2 =	sld [smem:$0x3FD9]  }
0x89: {  	s3 =	sld [smem:$0x3FFE];
	_ =	sdelay $0x1  }
0x8a: {  	s1 =	srdreg.scid  }
0x8b: {  	s0 =	sand.u32 $0x1, s1  }
0x8c: {  	s16 =	sshll.u32 s0, $0xA;
	s2 =	sadd.s32 s3, s2  }
0x8d: {  	s2 =	sadd.s32 s2, s16  }
0x8e: {  	[smem:$0x3FB6] =	sst s2  }
0x8f: {  	_ = 	snop  }
0x90: {  	(tm) =	ssettm $0x1  }
0x91: {  	s17 =	sld [smem:$0x3FFB];
	_ =	sdelay $0x3  }
0x92: {  	_ =	strace s17  }
0x93: {  	s2 =	sld [smem:$0x3FFC];
	_ =	sdelay $0x3  }
0x94: {  	_ =	strace s2  }
0x95: {  	s2 =	sld [smem:$0x3FFD];
	_ =	sdelay $0x3  }
0x96: {  	_ =	strace s2  }
0x97: {  	_ =	strace $0x8FFFFFFF  }
0x98: {  	s18 =	sld [smem:$0x3FDB];
	_ =	sdelay $0x1  }
0x99: {  	s19 =	simm.s32 $_scs_section_size  }
0x9a: {  	s4 =	simm.s32 $_size__tile_overlayer_lowered;
	s5 =	simm.s32 $_tile_overlayer_lowered  }
0x9b: {  	s22 =	simm.s32 $0x1BFF;
	s21 =	sshll.u32 s5, $0x1;
	s2 =	sadd.s32 s19, s18  }
0x9c: {  	s6 =	simm.s32 $0x0;
	s20 =	sshll.u32 s4, $0x1;
	s4 =	sadd.s32 s21, s2  }
0x9d: {  	[timem:s6], [sflag:s22] =	dma.local [hbm:s4], s20  }
0x9e: {  	_ =	swait.ge [sflag:s22], s20  }
0x9f: {  	s3 =	ssub.s32 $0x0, s20;
	[sflag:s22] =	ssyncset.done $0x0  }
0xa0: {  	[sflag:s22] =	ssyncadd.s32 s3;
	_ =	sdelay $0x1  }
0xa1: {  	s23 =	simm.s32 $0x1B8B  }
0xa2: {  	_ =	swait.ge [sflag:s23], $0x1  }
0xa3: {  	[sflag:s23] =	ssyncset.done $0x0  }
0xa4: {  	s25 =	simm.s32 $0x1B8E;
	s24 =	sld [smem:$0x3FFE];
	[sflag:s23] =	ssyncadd.s32 $0xFFFFFFFF  }
0xa5: {  	s26 =	simm.s32 $execute0_lowered;
	[smem:$0x3FD2] =	sst s25  }
0xa6: {  	s4 =	sshll.u32 s26, $0x1;
	_ =	strace $0x8000004C;
	[dreg:$0x1] =	wrdreg $0xFFFFFFFF  }
0xa7: {  	s28 =	simm.s32 $_size_execute0_lowered;
	s2 =	sadd.s32 s2, s4;
	[dreg:$0x0] =	wrdreg $0x0  }
0xa8: {  	s4 =	sshll.u32 s28, $0x1;
	[dreg:$0x2] =	wrdreg s2  }
0xa9: {  	[dreg:$0x3] =	wrdreg s4  }
0xaa: {  	[dreg:$0x4] =	wrdreg $0xC0  }
0xab: {  	_ =	task [dreg:s6], $0x5FFFF  }
0xac: {  	[dreg:$0x1] =	wrdreg $0xFFFFFFFF  }
0xad: {  	[dreg:$0x0] =	wrdreg $0x60  }
0xae: {  	[dreg:$0x2] =	wrdreg s24  }
0xaf: {  	[dreg:$0x3] =	wrdreg $0x0  }
0xb0: {  	[dreg:$0x4] =	wrdreg $0xA  }
0xb1: {  	_ =	task.clear_ibuf [dreg:s6], $0x5FFFF;
	_ =	strace $0x9000004C  }
0xb2: {  	s29 =	simm.s32 $0xA;
	_ =	strace $0x8000004E  }
0xb3: {  	_ =	swait.ge [sflag:s29], $0x1  }
0xb4: {  	[sflag:s29] =	ssyncadd.s32 $0xFFFFFFFF  }
0xb5: {  	_ =	strace $0x9000004E  }
0xb6: {  	_ =	sfence  }
0xb7: {  	s30 =	sld [smem:$0x0];
	_ =	sdelay $0x2  }
0xb8: {  	s31 =	sshll.u32 s1, $0xD;
	s1 =	sshrl.u32 s1, $0x2  }
0xb9: {  	s3 =	sand.u32 $0x4000, s31;
	s1 =	sadd.s32 s1, s30  }
0xba: {  	s0 =	sor.u32 s3, s0;
	s1 =	sshll.u32 s1, $0x11  }
0xbb: {  	s0 =	sor.u32 s1, s0  }
0xbc: {  	s0 =	sadd.s32 $0x8F2B, s0  }
0xbd: {  	[sflag:s0] =	ssyncadd.remote.s32 $0x1  }
0xbe: {  	_ =	sfence.sel $0xFFFF  }
0xbf: {  	[dreg:$0x0] =	wrdreg $0xFFFFFFFF;
	(pc) =	sbr.abs _section_cstart, $3  }
0xc0: {  	[dreg:$0x1] =	wrdreg $0xFFFFFFFF  }
0xc1: {  	_ =	task.clear_ibuf [dreg:s6], $0x2FFFF;
	_ =	strace $0x9FFFFFFF  }
0xc2: {  	(tm) =	ssettm $0x7FFFFFFF  }
0xc3: {  	_ =	shalt  }
tec
execute0_lowered:
.L_overlay_start_1:
0x0: {  	(tag) =	ssettag $0x1  }
0x1: {  	s7 =	rddreg [dreg:$0x0]  }
0x2: {  	s1 =	rddreg [dreg:$0x1];
	s2 =	srdreg.scid  }
0x3: {  	s0 =	rddreg [dreg:$0x2];
	s3 =	simm.s32 $0x0;
	s15 =	simm.s32 $0x1A000  }
0x4: {  	s16 =	simm.s32 $0x1B400;
	s17 =	simm.s32 $0x80;
	s18 =	simm.s32 $0x1C800  }
0x5: {  	s19 =	simm.s32 $0x1D800;
	s20 =	simm.s32 $0x1;
	s21 =	simm.s32 $0x2  }
0x6: {  	s22 =	simm.s32 $0x1B380;
	s23 =	simm.s32 $0x1C700;
	s10 =	sand.u32 $0x1, s2  }
0x7: {  	s24 =	simm.s32 $0x1C780;
	s2 =	stileid.u32;
	s6 =	smul.u32 $0xD000, s10  }
0x8: {  	[smem:$0x7FF] =	sst s3;
	s4 =	sadd.s32 $0x1F6000, s7;
	s8 =	smul.u32 $0xD00, s2  }
0x9: {  	s5 =	sadd.s32 $0x1C4000, s7;
	_ =	strace $0x8000004D;
	s9 =	smul.u32 $0x68000, s2  }
0xa: {  	s11 =	ssub.s32 $0x2, s10;
	s31 =	sshll.u32 s2, $0x6;
	s10 =	smul.u32 $0x1900, s10  }
0xb: {  	s30 =	sshrl.u32 s11, $0x1;
	s8 =	sadd.s32 s8, s6;
	s6 =	sadd.s32 $0x4600, s7  }
0xc: {  	s9 =	sshrl.u32 s9, $0x2;
	s13 =	ssub.s32 s11, s30;
	s8 =	sshll.u32 s8, $0x2  }
0xd: {  	s14 =	sadd.s32 s9, s1;
	s9 =	smul.u32 $0x190, s2;
	s12 =	sadd.s32 s8, s7  }
0xe: {  	s7 =	sadd.s32 s4, s8;
	s8 =	sor.u32 $0x1C03, s31;
	s11 =	sadd.s32 $0x25E000, s12  }
0xf: {  	s12 =	smax.u32 s13, $0x1;
	s13 =	sshrl.u32 s14, $0x3;
	s14 =	simm.s32 $0x3  }
.LBB2_1:
0x10: {  	[spmem:s13], [sflag:s8] =	dma.local [hbm:s7], $0x3400  }
0x11: {  	_ =	swait.ge [sflag:s14], $0x3400  }
0x12: {  	[sflag:s14] =	ssyncset.done $0x0  }
0x13: {  	[sflag:s14] =	ssyncadd.s32 $0xFFFFCC00  }
0x14: {  	s25 =	simm.s32 $0x0;
	[bflag:$0x0] =	sbarrier.arrive $0xFFFF  }
.LBB2_2:
0x15: {  	s26 =	smul.u32 $0x28, s25;
	_ =	sdelay $0x1  }
0x16: {  	s26 =	sadd.s32 s9, s26  }
0x17: {  	s28 =	sadd.s32 s10, s26  }
0x18: {  	s28 =	sshll.u32 s28, $0x4  }
0x19: {  	s29 =	simm.s32 $0x0;
	s28 =	sadd.s32 s5, s28  }
0x1a: {  	[tilespmem:s15], [sflag:$0x3] =	stream.linear.gather [hbm4b:s28+s29], $0x1400, $0x38;
	[tilespmem:$0x1E800] =	vst v63  }
0x1b: {  	_ =	swait.ge [sflag:s14], $0x1400  }
0x1c: {  	s26 =	sshll.u32 s26, $0x4;
	[sflag:s14] =	ssyncset.done $0x0  }
0x1d: {  	s26 =	sadd.s32 s6, s26;
	[sflag:s14] =	ssyncadd.s32 $0xFFFFEC00  }
0x1e: {  	[tilespmem:s16], [sflag:$0x3] =	stream.linear.gather [hbm4b:s26+s29], $0x1400, $0x38;
	[tilespmem:$0x1E800] =	vst v63  }
0x1f: {  	_ =	swait.ge [sflag:s14], $0x1400  }
0x20: {  	[sflag:s14] =	ssyncset.done $0x0  }
0x21: {  	[sflag:s14] =	ssyncadd.s32 $0xFFFFEC00  }
0x22: {  	[tilespmem:s18], [sflag:$0x1] =	stream.indirect.gather [hbm4b:s4+s17], $0x20, s15, s17, $0xb8;
	[tilespmem:$0x1E800] =	vst v63  }
0x23: {  	s31 =	simm.s32 $0x1A080  }
0x24: {  	[tilespmem:s19], [sflag:$0x2] =	stream.indirect.gather [hbm4b:s4+s17], $0x20, s31, s17, $0xb8;
	[tilespmem:$0x1E800] =	vst v63  }
0x25: {  	_ =	swait.ge [sflag:s20], $0x1000  }
0x26: {  	[sflag:s20] =	ssyncset.done $0x0  }
0x27: {  	s29 =	simm.s32 $0x1B400;
	[sflag:s20] =	ssyncadd.s32 $0xFFFFF000  }
0x28: {  	[spmem:s1] =	stream.indirect.scatter.add.f32 [tilespmem:s18], [sflag:$0x3], $0x20, s29, s17, $0xb8;
	[tilespmem:$0x1E800] =	vst v63  }
0x29: {  	_ =	swait.ge [sflag:s14], $0x1000  }
0x2a: {  	[sflag:s14] =	ssyncset.done $0x0  }
0x2b: {  	s30 =	simm.s32 $0x1A100;
	[sflag:s14] =	ssyncadd.s32 $0xFFFFF000  }
0x2c: {  	[tilespmem:s18], [sflag:$0x1] =	stream.indirect.gather [hbm4b:s4+s17], $0x20, s30, s17, $0xb8;
	[tilespmem:$0x1E800] =	vst v63  }
0x2d: {  	_ =	swait.ge [sflag:s21], $0x1000  }
0x2e: {  	[sflag:s21] =	ssyncset.done $0x0  }
0x2f: {  	s31 =	simm.s32 $0x1B480;
	[sflag:s21] =	ssyncadd.s32 $0xFFFFF000  }
0x30: {  	[spmem:s1] =	stream.indirect.scatter.add.f32 [tilespmem:s19], [sflag:$0x3], $0x20, s31, s17, $0xb8;
	[tilespmem:$0x1E800] =	vst v63  }
0x31: {  	_ =	swait.ge [sflag:s14], $0x1000  }
0x32: {  	s28 =	simm.s32 $0x800;
	s26 =	simm.s32 $0x100;
	[sflag:s14] =	ssyncset.done $0x0  }
.LBB2_3:
0x33: {  	s29 =	sadd.s32 $0x1A080, s26  }
0x34: {  	[sflag:s14] =	ssyncadd.s32 $0xFFFFF000;
	s30 =	smov.u32 s28;
	s31 =	sadd.s32 $0x400, s28  }
0x35: {  	[tilespmem:s19], [sflag:$0x2] =	stream.indirect.gather [hbm4b:s4+s17], $0x20, s29, s17, $0xb8;
	[tilespmem:$0x1E800] =	vst v63  }
0x36: {  	p0 =	sne.s32 s28, $0x4800;
	_ =	swait.ge [sflag:s20], $0x1000  }
0x37: {  	[sflag:s20] =	ssyncset.done $0x0  }
0x38: {  	s28 =	sadd.s32 $0x1B400, s26;
	[sflag:s20] =	ssyncadd.s32 $0xFFFFF000  }
0x39: {  	[spmem:s1] =	stream.indirect.scatter.add.f32 [tilespmem:s18], [sflag:$0x3], $0x20, s28, s17, $0xb8;
	[tilespmem:$0x1E800] =	vst v63  }
0x3a: {  	_ =	swait.ge [sflag:s14], $0x1000  }
0x3b: {  	[sflag:s14] =	ssyncset.done $0x0  }
0x3c: {  	s28 =	sadd.s32 $0x1A100, s26;
	[sflag:s14] =	ssyncadd.s32 $0xFFFFF000  }
0x3d: {  	[tilespmem:s18], [sflag:$0x1] =	stream.indirect.gather [hbm4b:s4+s17], $0x20, s28, s17, $0xb8;
	[tilespmem:$0x1E800] =	vst v63  }
0x3e: {  	_ =	swait.ge [sflag:s21], $0x1000  }
.Ltmp0:
0x3f: {  	[sflag:s21] =	ssyncset.done $0x0;
	(pc) =	sbr.rel @p0 .LBB2_3-.Ltmp0, $4  }
0x40: {  	s26 =	sadd.s32 $0x1B480, s26;
	[sflag:s21] =	ssyncadd.s32 $0xFFFFF000  }
0x41: {  	[spmem:s1] =	stream.indirect.scatter.add.f32 [tilespmem:s19], [sflag:$0x3], $0x20, s26, s17, $0xb8;
	[tilespmem:$0x1E800] =	vst v63  }
0x42: {  	_ =	swait.ge [sflag:s14], $0x1000  }
0x43: {  	s28 =	smov.u32 s31;
	s26 =	sshra.s32 s30, $0x2;
	[sflag:s14] =	ssyncset.done $0x0  }
0x44: {  	s28 =	sadd.s32 $0x1A080, s26;
	[sflag:s14] =	ssyncadd.s32 $0xFFFFF000  }
0x45: {  	[tilespmem:s19], [sflag:$0x2] =	stream.indirect.gather [hbm4b:s4+s17], $0x20, s28, s17, $0xb8;
	[tilespmem:$0x1E800] =	vst v63  }
0x46: {  	_ =	swait.ge [sflag:s20], $0x1000  }
0x47: {  	[sflag:s20] =	ssyncset.done $0x0  }
0x48: {  	s29 =	sadd.s32 $0x1B400, s26;
	[sflag:s20] =	ssyncadd.s32 $0xFFFFF000  }
0x49: {  	[spmem:s1] =	stream.indirect.scatter.add.f32 [tilespmem:s18], [sflag:$0x3], $0x20, s29, s17, $0xb8;
	[tilespmem:$0x1E800] =	vst v63  }
0x4a: {  	_ =	swait.ge [sflag:s14], $0x1000  }
0x4b: {  	[sflag:s14] =	ssyncset.done $0x0  }
0x4c: {  	s30 =	sadd.s32 $0x1A100, s26;
	[sflag:s14] =	ssyncadd.s32 $0xFFFFF000  }
0x4d: {  	[tilespmem:s18], [sflag:$0x1] =	stream.indirect.gather [hbm4b:s4+s17], $0x20, s30, s17, $0xb8;
	[tilespmem:$0x1E800] =	vst v63  }
0x4e: {  	_ =	swait.ge [sflag:s21], $0x1000  }
0x4f: {  	[sflag:s21] =	ssyncset.done $0x0  }
0x50: {  	s31 =	sadd.s32 $0x1B480, s26;
	[sflag:s21] =	ssyncadd.s32 $0xFFFFF000  }
0x51: {  	[spmem:s1] =	stream.indirect.scatter.add.f32 [tilespmem:s19], [sflag:$0x3], $0x20, s31, s17, $0xb8;
	[tilespmem:$0x1E800] =	vst v63  }
0x52: {  	_ =	swait.ge [sflag:s14], $0x1000  }
0x53: {  	[sflag:s14] =	ssyncset.done $0x0  }
0x54: {  	[sflag:s14] =	ssyncadd.s32 $0xFFFFF000  }
0x55: {  	[tilespmem:s19], [sflag:$0x2] =	stream.indirect.gather [hbm4b:s4+s17], $0x20, s22, s17, $0xb8;
	[tilespmem:$0x1E800] =	vst v63  }
0x56: {  	_ =	swait.ge [sflag:s20], $0x1000  }
0x57: {  	[sflag:s20] =	ssyncset.done $0x0  }
0x58: {  	[sflag:s20] =	ssyncadd.s32 $0xFFFFF000  }
0x59: {  	[spmem:s1] =	stream.indirect.scatter.add.f32 [tilespmem:s18], [sflag:$0x3], $0x20, s23, s17, $0xb8;
	[tilespmem:$0x1E800] =	vst v63  }
0x5a: {  	_ =	swait.ge [sflag:s14], $0x1000  }
0x5b: {  	[sflag:s14] =	ssyncset.done $0x0  }
0x5c: {  	[sflag:s14] =	ssyncadd.s32 $0xFFFFF000  }
0x5d: {  	s25 =	sadd.s32 $0x1, s25;
	_ =	swait.ge [sflag:s21], $0x1000  }
0x5e: {  	p0 =	sne.s32 s25, $0xA;
	[sflag:s21] =	ssyncset.done $0x0  }
.Ltmp1:
0x5f: {  	[sflag:s21] =	ssyncadd.s32 $0xFFFFF000;
	(pc) =	sbr.rel @p0 .LBB2_2-.Ltmp1, $4  }
0x60: {  	[spmem:s1] =	stream.indirect.scatter.add.f32 [tilespmem:s19], [sflag:$0x3], $0x20, s24, s17, $0xb8;
	[tilespmem:$0x1E800] =	vst v63  }
0x61: {  	_ =	swait.ge [sflag:s14], $0x1000  }
0x62: {  	[sflag:s14] =	ssyncset.done $0x0  }
0x63: {  	[sflag:s14] =	ssyncadd.s32 $0xFFFFF000  }
0x64: {  	s3 =	sadd.s32 $0x1, s3  }
0x65: {  	p0 =	sne.s32 s3, s12  }
.Ltmp2:
0x66: {  	[bflag:$0x0] =	sbarrier.arrive $0xFFFF;
	(pc) =	sbr.rel @p0 .LBB2_1-.Ltmp2, $4  }
0x67: {  	[hbm:s11], [sflag:s8] =	dma.local [spmem:s13], $0x3400  }
0x68: {  	_ =	swait.ge [sflag:s14], $0x3400  }
0x69: {  	[sflag:s14] =	ssyncset.done $0x0  }
0x6a: {  	[sflag:s14] =	ssyncadd.s32 $0xFFFFCC00  }
0x6b: {  	_ =	sfence.sel $0x180000  }
0x6c: {  	[bflag:$0x0] =	sbarrier.arrive $0xFFFF  }
0x6d: {  	p0 =	sne.s32 s2, $0x0;
	_ =	strace $0x9000004D  }
0x6e: {  	s0 =	sadd.s32 @!p0 $0x100000, s0;
	[bflag:$0x2] =	sbarrier.arrive $0xFFFF  }
0x6f: {  	[sflag:s0] =	ssyncadd.tile.s32 @!p0 $0x1;
	_ =	shalt  }
.Lfunc_end2:
_tile_overlayer_lowered:
.L_overlay_start_2:
0x70: {  	(tag) =	ssettag $0x2  }
0x71: {  	s0 =	rddreg [dreg:$0x0];
	s2 =	stileid.u32  }
0x72: {  	s1 =	rddreg [dreg:$0x1];
	p0 =	sne.s32 s2, $0x0  }
0x73: {  	s3 =	rddreg [dreg:$0x2];
	[bflag:$0x3] =	sbarrier.arrive $0xFFFF;
	s2 =	simm.s32 @!p0 $0x1C03  }
0x74: {  	[timem:s3], [sflag:s2] =	dma.local @!p0 [hbm:s0], s1  }
0x75: {  	s0 =	simm.s32 @!p0 $0x3  }
0x76: {  	_ =	swait.ge @!p0 [sflag:s0], s1  }
0x77: {  	s1 =	ssub.s32 @!p0 $0x0, s1;
	[sflag:s0] =	ssyncset.done @!p0 $0x0  }
0x78: {  	[sflag:s0] =	ssyncadd.s32 @!p0 s1  }
0x79: {  	[bflag:$0x3] =	sbarrier.arrive $0xFFFF  }
0x7a: {  	_ =	shalt  }

// kernel: kernel.23.cloned.1.call-start
scs
__scs_entry_jumppad:
0x0: {  	(pc) =	sbr.rel $0x88, $3  }
0x1: {  	(tag) =	ssettag $0x0;
	lr =	simm.s32 $0x1  }
0x2: {  	[smem:$0x3F8F] =	sst lr;
	_ =	strace $0xD0000000  }
0x3: {  	_ = 	snop  }
0x4: {  	_ = 	snop  }
0x5: {  	_ = 	snop  }
0x6: {  	_ = 	snop  }
0x7: {  	_ = 	snop  }
__scs_overlays_trampoline_lowered:
0x8: {  	[smem:$0x3F9E] =	sst s0  }
0x9: {  	[smem:$0x3F9F] =	sst s1  }
0xa: {  	[smem:$0x3FA0] =	sst s2  }
0xb: {  	[smem:$0x3FA1] =	sst s3  }
0xc: {  	[smem:$0x3FA2] =	sst s4  }
0xd: {  	[smem:$0x3FA3] =	sst s5  }
0xe: {  	[smem:$0x3FA4] =	sst s6  }
0xf: {  	[smem:$0x3FA5] =	sst s7  }
0x10: {  	[smem:$0x3FA6] =	sst s8  }
0x11: {  	[smem:$0x3FA7] =	sst s9;
	s0 =	simm.s32 @!p0 $0x0  }
0x12: {  	s1 =	sld [smem:$0x3F8D];
	s0 =	simm.s32 @p0 $0x1  }
0x13: {  	[smem:$0x3FA8] =	sst s0;
	s0 =	simm.s32 @!p1 $0x0  }
0x14: {  	s2 =	sld [smem:$0x3F8C];
	s0 =	simm.s32 @p1 $0x1  }
0x15: {  	[smem:$0x3FA9] =	sst s0;
	s0 =	simm.s32 @!p2 $0x0  }
0x16: {  	s3 =	sld [smem:$0x3FDB];
	s0 =	simm.s32 @p2 $0x1  }
0x17: {  	s4 =	simm.s32 $0x1BF5;
	[smem:$0x3FAB] =	sst s0  }
0x18: {  	s0 =	sld [smem:$0x3F8E];
	_ =	swait.ge [sflag:s4], $0x0  }
0x19: {  	s7 =	sld [smem:$0x3F8F]  }
0x1a: {  	s8 =	sadd.s32 $0xFFFFE003, lr  }
0x1b: {  	s9 =	sadd.s32 $0xFFFFFEF7, lr;
	s5 =	simm.s32 $0xFFFFFFFF;
	p2 =	slt.u32 s8, $0xFFFFF086  }
0x1c: {  	p1 =	slt.u32 s9, $0xF7A;
	s5 =	simm.s32 @!p2 $0x0  }
0x1d: {  	s5 =	simm.s32 @p1 $0x1;
	p0 =	seq.s32 s7, s2  }
0x1e: {  	s7 =	smul.u32 @!p0 $0xF7A, s2;
	p2 =	seq.s32 @!p0 s5, $0x0  }
0x1f: {  	s9 =	smul.u32 $0xF7A, s1;
	s8 =	simm.s32 @!p0 $0x1BF5;
	p2 =	por !p2, p0  }
0x20: {  	[sflag:s8] =	ssyncset.s32 @!p0 $0xFFFFF086;
	s6 =	sadd.s32 @!p0 s3, s7;
	s7 =	simm.s32 @!p0 $0x108  }
0x21: {  	s3 =	sadd.s32 s3, s9;
	s6 =	sadd.s32 @!p0 $0x88, s6;
	s7 =	simm.s32 @p2 $0x1082  }
0x22: {  	[simem:s7], [sflag:s8] =	dma.local @!p0 [hbm:s6], $0xF7A  }
0x23: {  	s9 =	sor.u32 $0xD0000000, s2;
	s6 =	simm.s32 $0x108;
	_ =	swait.ge @!p0 [sflag:s8], $0x0  }
0x24: {  	s3 =	sadd.s32 $0x88, s3;
	s6 =	simm.s32 @!p1 $0x1082;
	[sflag:s4] =	ssyncset.s32 $0xFFFFF086  }
0x25: {  	[simem:s6], [sflag:s4] =	dma.local [hbm:s3], $0xF7A  }
0x26: {  	[smem:$0x3F8F] =	sst s1;
	(tag) =	ssettag s2;
	_ =	strace s9  }
0x27: {  	s1 =	sld [smem:$0x3F9F]  }
0x28: {  	s2 =	sld [smem:$0x3FA0]  }
0x29: {  	s4 =	sld [smem:$0x3FA2]  }
0x2a: {  	p0 =	seq.s32 s5, $0x0;
	s5 =	sld [smem:$0x3FA3]  }
0x2b: {  	s6 =	sld [smem:$0x3FA4]  }
0x2c: {  	s7 =	sld [smem:$0x3FA5]  }
0x2d: {  	s3 =	simm.s32 $0x108;
	s8 =	sld [smem:$0x3FA6]  }
0x2e: {  	s3 =	simm.s32 @!p0 $0x1082;
	s9 =	sld [smem:$0x3FA7]  }
0x2f: {  	lr =	sadd.s32 s0, s3;
	s0 =	sld [smem:$0x3F9E]  }
0x30: {  	s3 =	sld [smem:$0x3FA1]  }
0x31: {  	[smem:$0x3FAA] =	sst s10  }
0x32: {  	s10 =	sld [smem:$0x3FA8];
	_ =	sdelay $0x3  }
0x33: {  	p0 =	seq.s32 s10, $0x1;
	s10 =	sld [smem:$0x3FAA];
	_ =	sdelay $0x3  }
0x34: {  	[smem:$0x3FAA] =	sst s10  }
0x35: {  	s10 =	sld [smem:$0x3FA9];
	_ =	sdelay $0x3  }
0x36: {  	p1 =	seq.s32 s10, $0x1;
	s10 =	sld [smem:$0x3FAA];
	_ =	sdelay $0x3  }
0x37: {  	[smem:$0x3FAA] =	sst s10  }
0x38: {  	s10 =	sld [smem:$0x3FAB]  }
0x39: {  	_ = 	snop;
	(pc) =	sbr.ind lr, $3  }
0x3a: {  	_ = 	snop  }
0x3b: {  	_ = 	snop  }
0x3c: {  	p2 =	seq.s32 s10, $0x1;
	s10 =	sld [smem:$0x3FAA]  }
0x3d: {  	_ =	shalt  }
0x3e: {  	_ =	shalt  }
0x3f: {  	_ =	shalt  }
0x40: {  	_ =	shalt  }
0x41: {  	_ =	shalt  }
0x42: {  	_ =	shalt  }
0x43: {  	_ =	shalt  }
0x44: {  	_ =	shalt  }
0x45: {  	_ =	shalt  }
0x46: {  	_ =	shalt  }
0x47: {  	_ =	shalt  }
0x48: {  	_ =	shalt  }
0x49: {  	_ =	shalt  }
0x4a: {  	_ =	shalt  }
0x4b: {  	_ =	shalt  }
0x4c: {  	_ =	shalt  }
0x4d: {  	_ =	shalt  }
0x4e: {  	_ =	shalt  }
0x4f: {  	_ =	shalt  }
0x50: {  	_ =	shalt  }
0x51: {  	_ =	shalt  }
0x52: {  	_ =	shalt  }
0x53: {  	_ =	shalt  }
0x54: {  	_ =	shalt  }
0x55: {  	_ =	shalt  }
0x56: {  	_ =	shalt  }
0x57: {  	_ =	shalt  }
0x58: {  	_ =	shalt  }
0x59: {  	_ =	shalt  }
0x5a: {  	_ =	shalt  }
0x5b: {  	_ =	shalt  }
0x5c: {  	_ =	shalt  }
0x5d: {  	_ =	shalt  }
0x5e: {  	_ =	shalt  }
0x5f: {  	_ =	shalt  }
0x60: {  	_ =	shalt  }
0x61: {  	_ =	shalt  }
0x62: {  	_ =	shalt  }
0x63: {  	_ =	shalt  }
0x64: {  	_ =	shalt  }
0x65: {  	_ =	shalt  }
0x66: {  	_ =	shalt  }
0x67: {  	_ =	shalt  }
0x68: {  	_ =	shalt  }
0x69: {  	_ =	shalt  }
0x6a: {  	_ =	shalt  }
0x6b: {  	_ =	shalt  }
0x6c: {  	_ =	shalt  }
0x6d: {  	_ =	shalt  }
0x6e: {  	_ =	shalt  }
0x6f: {  	_ =	shalt  }
0x70: {  	_ =	shalt  }
0x71: {  	_ =	shalt  }
0x72: {  	_ =	shalt  }
0x73: {  	_ =	shalt  }
0x74: {  	_ =	shalt  }
0x75: {  	_ =	shalt  }
0x76: {  	_ =	shalt  }
0x77: {  	_ =	shalt  }
0x78: {  	_ =	shalt  }
0x79: {  	_ =	shalt  }
0x7a: {  	_ =	shalt  }
0x7b: {  	_ =	shalt  }
0x7c: {  	_ =	shalt  }
0x7d: {  	_ =	shalt  }
0x7e: {  	_ =	shalt  }
0x7f: {  	_ =	shalt  }
0x80: {  	_ =	shalt  }
0x81: {  	_ =	shalt  }
0x82: {  	_ =	shalt  }
0x83: {  	_ =	shalt  }
0x84: {  	_ =	shalt  }
0x85: {  	_ =	shalt  }
0x86: {  	_ =	shalt  }
0x87: {  	_ =	shalt  }
.Lfunc_end0:
.L_simem_size_0:
called_computation.4_lowered:
.L_overlay_start_0:
0x88: {  	s2 =	sld [smem:$0x3FD9]  }
0x89: {  	s3 =	sld [smem:$0x3FFE];
	_ =	sdelay $0x1  }
0x8a: {  	s1 =	srdreg.scid  }
0x8b: {  	s0 =	sand.u32 $0x1, s1  }
0x8c: {  	s17 =	sshll.u32 s0, $0xA;
	s2 =	sadd.s32 s3, s2  }
0x8d: {  	s2 =	sadd.s32 s2, s17  }
0x8e: {  	[smem:$0x3FB6] =	sst s2  }
0x8f: {  	_ = 	snop  }
0x90: {  	(tm) =	ssettm $0x1  }
0x91: {  	s18 =	sld [smem:$0x3FFB];
	_ =	sdelay $0x3  }
0x92: {  	_ =	strace s18  }
0x93: {  	s2 =	sld [smem:$0x3FFC];
	_ =	sdelay $0x3  }
0x94: {  	_ =	strace s2  }
0x95: {  	s2 =	sld [smem:$0x3FFD];
	_ =	sdelay $0x3  }
0x96: {  	_ =	strace s2  }
0x97: {  	_ =	strace $0x8FFFFFFF  }
0x98: {  	s19 =	sld [smem:$0x3FDB];
	_ =	sdelay $0x1  }
0x99: {  	s20 =	simm.s32 $_scs_section_size  }
0x9a: {  	s4 =	simm.s32 $_size__tile_overlayer_lowered;
	s5 =	simm.s32 $_tile_overlayer_lowered  }
0x9b: {  	s6 =	simm.s32 $0x1BFF;
	s21 =	sshll.u32 s5, $0x1;
	s3 =	sadd.s32 s20, s19  }
0x9c: {  	s22 =	simm.s32 $0x0;
	s4 =	sshll.u32 s4, $0x1;
	s5 =	sadd.s32 s21, s3  }
0x9d: {  	[timem:s22], [sflag:s6] =	dma.local [hbm:s5], s4  }
0x9e: {  	_ =	swait.ge [sflag:s6], s4  }
0x9f: {  	s4 =	ssub.s32 $0x0, s4;
	[sflag:s6] =	ssyncset.done $0x0  }
0xa0: {  	[sflag:s6] =	ssyncadd.s32 s4;
	_ =	sdelay $0x1  }
0xa1: {  	s23 =	simm.s32 $0x1B8B  }
0xa2: {  	_ =	swait.ge [sflag:s23], $0x1  }
0xa3: {  	[sflag:s23] =	ssyncset.done $0x0  }
0xa4: {  	[sflag:s23] =	ssyncadd.s32 $0xFFFFFFFF  }
0xa5: {  	s4 =	sld [smem:$0x0]  }
0xa6: {  	s5 =	sand.u32 $0xFFFFFFFE, s1  }
0xa7: {  	p0 =	sne.s32 s1, s5  }
0xa8: {  	s5 =	sshll.u32 @p0 s5, $0xE  }
0xa9: {  	s5 =	sadd.s32 @p0 $0x11B8D, s5;
	s6 =	sshll.u32 @p0 s4, $0x11  }
0xaa: {  	s5 =	sor.u32 @p0 s6, s5  }
0xab: {  	[sflag:s5] =	ssyncadd.remote.s32 @p0 $0x1;
	_ =	sdelay $0x1  }
0xac: {  	s5 =	simm.s32 @p0 $0x1B8D  }
0xad: {  	_ =	swait.eq @p0 [sflag:s5], $0x1  }
0xae: {  	[sflag:s5] =	ssyncadd.s32 @p0 $0xFFFFFFFF  }
0xaf: {  	s6 =	sshll.u32 @!p0 s1, $0xE  }
0xb0: {  	s6 =	sor.u32 @!p0 $0x4000, s6;
	s5 =	simm.s32 @!p0 $0x1B8D  }
0xb1: {  	s4 =	sshll.u32 @!p0 s4, $0x11;
	s6 =	sadd.s32 @!p0 $0x11B8D, s6;
	_ =	swait.eq @!p0 [sflag:s5], $0x1  }
0xb2: {  	s4 =	sor.u32 @!p0 s4, s6;
	[sflag:s5] =	ssyncadd.s32 @!p0 $0xFFFFFFFF  }
0xb3: {  	s25 =	simm.s32 $0x1B8E;
	s24 =	sld [smem:$0x3FFE];
	[sflag:s4] =	ssyncadd.remote.s32 @!p0 $0x1  }
0xb4: {  	s26 =	simm.s32 $execute0_lowered;
	[smem:$0x3FD2] =	sst s25  }
0xb5: {  	s5 =	sshll.u32 s26, $0x1;
	_ =	strace $0x80000052;
	[dreg:$0x1] =	wrdreg $0xFFFFFFFF  }
0xb6: {  	s28 =	simm.s32 $_size_execute0_lowered;
	s3 =	sadd.s32 s3, s5;
	[dreg:$0x0] =	wrdreg $0x0  }
0xb7: {  	s5 =	sshll.u32 s28, $0x1;
	[dreg:$0x2] =	wrdreg s3  }
0xb8: {  	[dreg:$0x3] =	wrdreg s5  }
0xb9: {  	[dreg:$0x4] =	wrdreg $0xC0  }
0xba: {  	_ =	task [dreg:s22], $0x5FFFF  }
0xbb: {  	[dreg:$0x1] =	wrdreg $0xFFFFFFFF  }
0xbc: {  	[dreg:$0x0] =	wrdreg $0x60  }
0xbd: {  	[dreg:$0x2] =	wrdreg s24  }
0xbe: {  	[dreg:$0x3] =	wrdreg $0x0  }
0xbf: {  	[dreg:$0x4] =	wrdreg $0xA  }
0xc0: {  	_ =	task.clear_ibuf [dreg:s22], $0x5FFFF;
	_ =	strace $0x90000052  }
0xc1: {  	s29 =	simm.s32 $0xA;
	_ =	strace $0x80000054  }
0xc2: {  	_ =	swait.ge [sflag:s29], $0x1  }
0xc3: {  	[sflag:s29] =	ssyncadd.s32 $0xFFFFFFFF  }
0xc4: {  	_ =	strace $0x90000054  }
0xc5: {  	_ =	sfence  }
0xc6: {  	s30 =	sld [smem:$0x0];
	_ =	sdelay $0x2  }
0xc7: {  	s31 =	sshll.u32 s1, $0xD;
	s1 =	sshrl.u32 s1, $0x2  }
0xc8: {  	s4 =	sand.u32 $0x4000, s31;
	s1 =	sadd.s32 s1, s30  }
0xc9: {  	s0 =	sor.u32 s4, s0;
	s1 =	sshll.u32 s1, $0x11  }
0xca: {  	s0 =	sor.u32 s1, s0  }
0xcb: {  	s0 =	sadd.s32 $0x8F2B, s0  }
0xcc: {  	[sflag:s0] =	ssyncadd.remote.s32 $0x1  }
0xcd: {  	_ =	sfence.sel $0xFFFF  }
0xce: {  	[dreg:$0x0] =	wrdreg $0xFFFFFFFF;
	(pc) =	sbr.abs _section_cstart, $3  }
0xcf: {  	[dreg:$0x1] =	wrdreg $0xFFFFFFFF  }
0xd0: {  	_ =	task.clear_ibuf [dreg:s22], $0x2FFFF;
	_ =	strace $0x9FFFFFFF  }
0xd1: {  	(tm) =	ssettm $0x7FFFFFFF  }
tec
execute0_lowered:
.L_overlay_start_1:
0x0: {  	(tag) =	ssettag $0x1  }
0x1: {  	s4 =	rddreg [dreg:$0x0]  }
0x2: {  	s1 =	rddreg [dreg:$0x1]  }
0x3: {  	s2 =	srdreg.scid;
	s0 =	rddreg [dreg:$0x2];
	s3 =	simm.s32 $0x0  }
0x4: {  	s15 =	simm.s32 $0x0;
	s5 =	sand.u32 $0x1, s2;
	[smem:$0x7FF] =	sst s3  }
0x5: {  	s2 =	stileid.u32;
	s6 =	sshll.u32 s5, $0x4;
	_ =	strace $0x80000053  }
0x6: {  	s24 =	sshll.u32 s5, $0x12;
	s26 =	ssub.s32 $0x2, s5;
	s9 =	sshll.u32 s2, $0x9  }
0x7: {  	s12 =	sshll.u32 s2, $0xE;
	s29 =	sshll.u32 s2, $0x6;
	s14 =	sshll.u32 s5, $0xD  }
0x8: {  	s10 =	sor.u32 s2, s6;
	s8 =	sadd.s32 s24, s4;
	s11 =	sshrl.u32 s26, $0x1  }
0x9: {  	s9 =	sadd.s32 s9, s4;
	s28 =	sshrl.u32 s12, $0x2;
	s5 =	sor.u32 $0x1C01, s29  }
0xa: {  	s7 =	sshll.u32 s10, $0x8;
	s11 =	ssub.s32 s26, s11;
	s13 =	sadd.s32 s28, s1  }
.Ltmp0:
0xb: {  	s30 =	sadd.s32 s14, s9;
	s31 =	sadd.s32 s12, s8;
	(pc) =	sbr.rel .LBB2_1-.Ltmp0, $4  }
0xc: {  	p0 =	sgt.u32 s10, $0x19;
	s12 =	simm.s32 $0x3000;
	s14 =	simm.s32 $0x80  }
0xd: {  	s25 =	sadd.s32 s7, s4;
	s4 =	sadd.s32 $0x1F000, s9;
	s7 =	sadd.s32 $0x4600, s30  }
0xe: {  	s8 =	smax.u32 s11, $0x1;
	s9 =	sadd.s32 $0x90000, s31;
	s10 =	sshrl.u32 s13, $0x3  }
0xf: {  	s11 =	simm.s32 $0x1;
	s13 =	simm.s32 $0x1000;
	s6 =	sadd.s32 $0x1D600, s25  }
.LBB2_5:
0x10: {  	[bflag:$0x0] =	sbarrier.arrive $0xFFFF  }
.LBB2_6:
0x11: {  	s15 =	sadd.s32 $0x1, s15  }
0x12: {  	p1 =	sne.s32 s15, s8  }
.Ltmp1:
0x13: {  	[bflag:$0x0] =	sbarrier.arrive $0xFFFF;
	(pc) =	sbr.rel @!p1 .LBB2_7-.Ltmp1, $4  }
0x14: {  	[hbm:s7], [sflag:s5] =	dma.local [spmem:s10], $0x200  }
0x15: {  	_ =	swait.ge [sflag:s11], $0x200  }
0x16: {  	[sflag:s11] =	ssyncset.done $0x0  }
0x17: {  	[sflag:s11] =	ssyncadd.s32 $0xFFFFFE00  }
.LBB2_1:
.Ltmp2:
0x18: {  	(pc) =	sbr.rel @p0 .LBB2_5-.Ltmp2, $4  }
0x19: {  	[spmem:s10], [sflag:s5] =	dma.local [hbm:s4], $0x200  }
0x1a: {  	_ =	swait.ge [sflag:s11], $0x200  }
0x1b: {  	[sflag:s11] =	ssyncset.done $0x0  }
0x1c: {  	[sflag:s11] =	ssyncadd.s32 $0xFFFFFE00  }
0x1d: {  	s16 =	simm.s32 $0x0  }
0x1e: {  	[tilespmem:s12], [sflag:$0x1] =	stream.linear.gather [hbm4b:s6+s16], $0x800, $0x38;
	[tilespmem:$0x3800] =	vst v63  }
0x1f: {  	_ =	swait.ge [sflag:s11], $0x800  }
0x20: {  	[sflag:s11] =	ssyncset.done $0x0  }
0x21: {  	[sflag:s11] =	ssyncadd.s32 $0xFFFFF800  }
0x22: {  	[bflag:$0x0] =	sbarrier.arrive $0xFFFF  }
0x23: {  	[tilespmem:s13], [sflag:$0x1] =	stream.linear.gather [hbm4b:s9+s3], $0x2000, $0x38;
	[tilespmem:$0x3800] =	vst v63  }
0x24: {  	_ =	swait.ge [sflag:s11], $0x2000  }
0x25: {  	[sflag:s11] =	ssyncset.done $0x0  }
0x26: {  	s31 =	simm.s32 $0x3000;
	[sflag:s11] =	ssyncadd.s32 $0xFFFFE000  }
0x27: {  	[spmem:s1] =	stream.indirect.scatter.add.f32 [tilespmem:s13], [sflag:$0x1], $0x40, s31, s14, $0xb8;
	[tilespmem:$0x3800] =	vst v63  }
0x28: {  	_ =	swait.ge [sflag:s11], $0x2000  }
0x29: {  	s17 =	smov.u32 s9;
	s16 =	simm.s32 $0x200;
	[sflag:s11] =	ssyncset.done $0x0  }
.LBB2_3:
0x2a: {  	p1 =	seq.s32 s16, $0x1E00;
	[sflag:s11] =	ssyncadd.s32 $0xFFFFE000;
	s17 =	sadd.s32 $0x400, s17  }
0x2b: {  	[tilespmem:s13], [sflag:$0x1] =	stream.linear.gather [hbm4b:s17+s3], $0x2000, $0x38;
	[tilespmem:$0x3800] =	vst v63  }
0x2c: {  	s18 =	smov.u32 s16;
	s16 =	sadd.s32 $0x200, s16;
	_ =	swait.ge [sflag:s11], $0x2000  }
.Ltmp3:
0x2d: {  	s18 =	sshra.s32 s18, $0x2;
	[sflag:s11] =	ssyncset.done $0x0;
	(pc) =	sbr.rel @!p1 .LBB2_3-.Ltmp3, $4  }
0x2e: {  	s18 =	sadd.s32 $0x3000, s18;
	[sflag:s11] =	ssyncadd.s32 $0xFFFFE000  }
0x2f: {  	[spmem:s1] =	stream.indirect.scatter.add.f32 [tilespmem:s13], [sflag:$0x1], $0x40, s18, s14, $0xb8;
	[tilespmem:$0x3800] =	vst v63  }
0x30: {  	_ =	swait.ge [sflag:s11], $0x2000  }
0x31: {  	[sflag:s11] =	ssyncset.done $0x0  }
.Ltmp4:
0x32: {  	(pc) =	sbr.rel .LBB2_6-.Ltmp4, $2  }
0x33: {  	_ =	sdelay $0x2  }
0x34: {  	[sflag:s11] =	ssyncadd.s32 $0xFFFFE000  }
.LBB2_7:
0x35: {  	_ =	sfence.sel $0x180000  }
0x36: {  	[bflag:$0x0] =	sbarrier.arrive $0xFFFF  }
0x37: {  	p0 =	sne.s32 s2, $0x0;
	_ =	strace $0x90000053  }
0x38: {  	s0 =	sadd.s32 @!p0 $0x100000, s0;
	[bflag:$0x2] =	sbarrier.arrive $0xFFFF  }
0x39: {  	[sflag:s0] =	ssyncadd.tile.s32 @!p0 $0x1;
	_ =	shalt  }
.Lfunc_end2:
_tile_overlayer_lowered:
.L_overlay_start_2:
0x3a: {  	(tag) =	ssettag $0x2  }
0x3b: {  	s0 =	rddreg [dreg:$0x0];
	s2 =	stileid.u32  }
0x3c: {  	s1 =	rddreg [dreg:$0x1];
	p0 =	sne.s32 s2, $0x0  }
0x3d: {  	s3 =	rddreg [dreg:$0x2];
	[bflag:$0x3] =	sbarrier.arrive $0xFFFF;
	s2 =	simm.s32 @!p0 $0x1C01  }
0x3e: {  	[timem:s3], [sflag:s2] =	dma.local @!p0 [hbm:s0], s1  }
0x3f: {  	s0 =	simm.s32 @!p0 $0x1  }
0x40: {  	_ =	swait.ge @!p0 [sflag:s0], s1  }
0x41: {  	s1 =	ssub.s32 @!p0 $0x0, s1;
	[sflag:s0] =	ssyncset.done @!p0 $0x0  }
0x42: {  	[sflag:s0] =	ssyncadd.s32 @!p0 s1  }
0x43: {  	[bflag:$0x3] =	sbarrier.arrive $0xFFFF  }
0x44: {  	_ =	shalt  }

</sc_bundles>
